<compile_context>
chip_gen: v7x
topology: tpu7x:2x2x1
jax: 0.10.2.dev20260603
libtpu: 0.0.44.dev20260713+nightly
codegen_flags: <defaults>
</compile_context>

<pallas_src>
import functools

import jax
import jax.numpy as jnp
from jax import lax
from jax.experimental import pallas as pl
from jax.experimental.pallas import tpu as pltpu
from jax.experimental.pallas import tpu_sc as plsc

N = 10000
E = 320000
D = 128
H = 8
HD = 16

NC = 2
NS = 16
NW = NC * NS

N_PAD = 10240
CHUNK = 128
CHUNKS_PER_TILE = 79
EPT = CHUNK * CHUNKS_PER_TILE
E_PAD = EPT * NW
CHUNKS2 = 2 * CHUNKS_PER_TILE
EPT2 = CHUNK * CHUNKS2
HALF = N_PAD // 2
HROWS = HALF + 128
HRPT = HROWS // NS
DEN_ROWS = N_PAD // 8
DRPT = DEN_ROWS // NS
RB = 512
GRID = N_PAD // RB
HB = HALF // RB
EB = E_PAD // 16

_mesh = plsc.VectorSubcoreMesh(core_axis_name="c", subcore_axis_name="s",
                               num_cores=NC, num_subcores=NS)


@functools.partial(
    pl.kernel,
    out_type=jax.ShapeDtypeStruct((NW, N_PAD // 16, 16), jnp.float32),
    mesh=_mesh,
    scratch_types=[
        pltpu.VMEM((EPT,), jnp.int32),
        pltpu.VMEM((N_PAD // 16, 16), jnp.float32),
    ],
)
def _sc_deg(dst_hbm, out_hbm, dst_v, dl_v):
    cid = lax.axis_index("c")
    sid = lax.axis_index("s")
    wid = cid * NS + sid
    lanes = lax.iota(jnp.int32, 16)
    zvec = jnp.zeros((16,), jnp.float32)

    def zero_body(i, _):
        dl_v[i, pl.ds(0, 16)] = zvec
        return 0

    lax.fori_loop(0, N_PAD // 16, zero_body, 0)
    pltpu.sync_copy(dst_hbm.at[pl.ds(wid * EPT, EPT)], dst_v)

    def grp_body(g, _):
        dvec = dst_v[pl.ds(g * 16, 16)]
        rows = lax.shift_right_logical(dvec, 4)
        lt = dvec & 15
        for j in range(16):
            r = rows[j]
            dl_v[r, pl.ds(0, 16)] = (
                dl_v[r, pl.ds(0, 16)] + jnp.where(lanes == lt[j], 1.0, 0.0))
        return 0

    lax.fori_loop(0, EPT // 16, grp_body, 0)
    pltpu.sync_copy(dl_v, out_hbm.at[wid])


@functools.partial(
    pl.kernel,
    out_type=jax.ShapeDtypeStruct((E_PAD, 144), jnp.float32),
    mesh=_mesh,
    scratch_types=[
        pltpu.VMEM((CHUNK,), jnp.int32),
        pltpu.VMEM((CHUNK,), jnp.int32),
        pltpu.VMEM((CHUNK, 2 * D), jnp.float32),
        pltpu.VMEM((CHUNK, D), jnp.float32),
        pltpu.VMEM((CHUNK, 144), jnp.float32),
        pltpu.VMEM((32,), jnp.float32),
        pltpu.SemaphoreType.DMA,
        pltpu.SemaphoreType.DMA,
    ],
)
def _sc_attn(kv_hbm, src_hbm, dst_hbm, out_hbm,
             src_v, dst_v, kv_v, q_v, msg_v, s_v, sem1, sem2):
    cid = lax.axis_index("c")
    sid = lax.axis_index("s")
    wid = cid * NS + sid
    s_v[pl.ds(16, 16)] = jnp.zeros((16,), jnp.float32)

    ebase = wid * EPT
    scale = 1.0 / 4.0

    def chunk_body(c, _):
        off = ebase + c * CHUNK
        pltpu.sync_copy(src_hbm.at[pl.ds(off, CHUNK)], src_v)
        pltpu.sync_copy(dst_hbm.at[pl.ds(off, CHUNK)], dst_v)
        cp1 = pltpu.async_copy(kv_hbm.at[src_v, pl.ds(0, 2 * D)],
                               kv_v, sem1)
        cp2 = pltpu.async_copy(kv_hbm.at[dst_v, pl.ds(2 * D, D)],
                               q_v, sem2)
        cp1.wait()
        cp2.wait()

        def edge_body(e, _):
            s = kv_v[e, pl.ds(0, 16)] * q_v[e, pl.ds(0, 16)]
            for k in range(1, 8):
                s = s + kv_v[e, pl.ds(k * 16, 16)] * q_v[e, pl.ds(k * 16, 16)]
            s_v[pl.ds(0, 16)] = s
            s2 = s + s_v[pl.ds(8, 16)]
            w = jnp.exp(s2 * scale)
            msg_v[e, pl.ds(D, 16)] = w
            for h in range(H):
                msg_v[e, pl.ds(h * HD, HD)] = (
                    kv_v[e, pl.ds(D + h * HD, HD)] * w[h])
            return 0

        lax.fori_loop(0, CHUNK, edge_body, 0)
        pltpu.sync_copy(msg_v, out_hbm.at[pl.ds(off, CHUNK)])
        return 0

    lax.fori_loop(0, CHUNKS_PER_TILE, chunk_body, 0)


@functools.partial(
    pl.kernel,
    out_type=jax.ShapeDtypeStruct((E_PAD, D), jnp.float32),
    mesh=_mesh,
    scratch_types=[
        pltpu.VMEM((CHUNK,), jnp.int32),
        pltpu.VMEM((CHUNK, D), jnp.float32),
        pltpu.SemaphoreType.DMA,
    ],
)
def _sc_gmsg(xws_hbm, src_hbm, out_hbm, src_v, rows_v, sem):
    cid = lax.axis_index("c")
    sid = lax.axis_index("s")
    wid = cid * NS + sid
    ebase = wid * EPT

    def chunk_body(c, _):
        off = ebase + c * CHUNK
        pltpu.sync_copy(src_hbm.at[pl.ds(off, CHUNK)], src_v)
        pltpu.async_copy(xws_hbm.at[src_v], rows_v, sem).wait()
        pltpu.sync_copy(rows_v, out_hbm.at[pl.ds(off, CHUNK)])
        return 0

    lax.fori_loop(0, CHUNKS_PER_TILE, chunk_body, 0)


EBK = 512
NEB = E_PAD // EBK


NB = 5120


def _tc_reduce_body(msg_ref, dst_ref, out_ref):
    i = pl.program_id(0)
    j = pl.program_id(1)
    nn = lax.broadcasted_iota(jnp.int32, (NB, EBK), 0) + i * NB
    oht = jnp.where(dst_ref[0:1, :] == nn, 1.0, 0.0).astype(jnp.bfloat16)
    acc = jnp.dot(oht, msg_ref[...].astype(jnp.bfloat16),
                  preferred_element_type=jnp.float32)

    @pl.when(j == 0)
    def _():
        out_ref[...] = jnp.zeros_like(out_ref)

    out_ref[...] += acc


def _tc_reduce(msgs, dst2d):
    width = msgs.shape[1]
    return pl.pallas_call(
        _tc_reduce_body,
        grid=(N_PAD // NB, NEB),
        in_specs=[
            pl.BlockSpec((EBK, width), lambda i, j: (j, 0)),
            pl.BlockSpec((1, EBK), lambda i, j: (0, j)),
        ],
        out_specs=pl.BlockSpec((NB, width), lambda i, j: (i, 0)),
        out_shape=jax.ShapeDtypeStruct((N_PAD, width), jnp.float32),
    )(msgs, dst2d)


def _tc0_body(e_ref, src_ref, dst_ref):
    i = pl.program_id(0)
    col = lax.broadcasted_iota(jnp.int32, (1, EB), 1) + i * EB
    valid = col < E
    src_ref[...] = jnp.where(valid, e_ref[0:1, :], N)
    dst_ref[...] = jnp.where(valid, e_ref[1:2, :], N)


def _tc0(edge_index):
    return pl.pallas_call(
        _tc0_body,
        grid=(16,),
        in_specs=[pl.BlockSpec((2, EB), lambda i: (0, i))],
        out_specs=[
            pl.BlockSpec((1, EB), lambda i: (0, i)),
            pl.BlockSpec((1, EB), lambda i: (0, i)),
        ],
        out_shape=[
            jax.ShapeDtypeStruct((1, E_PAD), jnp.int32),
            jax.ShapeDtypeStruct((1, E_PAD), jnp.int32),
        ],
    )(edge_index)


def _unpack_cols(packed, h):
    nn = lax.broadcasted_iota(jnp.int32, (RB, RB // 8), 0)
    jj = lax.broadcasted_iota(jnp.int32, (RB, RB // 8), 1)
    A = jnp.where(lax.shift_right_logical(nn, 3) == jj, 1.0, 0.0)
    P2 = jnp.dot(A, packed, preferred_element_type=jnp.float32)
    n2 = lax.broadcasted_iota(jnp.int32, (RB, D), 0)
    cc = lax.broadcasted_iota(jnp.int32, (RB, D), 1)
    M = jnp.where(cc == (n2 & 7) * 16 + h, 1.0, 0.0)
    return jnp.sum(P2 * M, axis=1, keepdims=True)


def _unpack16(packed):
    nn = lax.broadcasted_iota(jnp.int32, (RB, RB // 16), 0)
    jj = lax.broadcasted_iota(jnp.int32, (RB, RB // 16), 1)
    A = jnp.where(lax.shift_right_logical(nn, 4) == jj, 1.0, 0.0)
    P2 = jnp.dot(A, packed, preferred_element_type=jnp.float32)
    n2 = lax.broadcasted_iota(jnp.int32, (RB, 16), 0)
    cc = lax.broadcasted_iota(jnp.int32, (RB, 16), 1)
    M = jnp.where(cc == (n2 & 15), 1.0, 0.0)
    return jnp.sum(P2 * M, axis=1, keepdims=True)


def _tc1_body(x_ref, wg_ref, deg_ref, xw_ref, dinv_ref):
    deg = _unpack16(jnp.sum(deg_ref[...], axis=0)) + 1.0
    dinv = lax.rsqrt(deg)
    dinv_ref[...] = dinv
    xw_ref[...] = jnp.dot(x_ref[...], wg_ref[...],
                          preferred_element_type=jnp.float32) * dinv


def _tc1(x, W_gcn, deg_parts):
    return pl.pallas_call(
        _tc1_body,
        grid=(GRID,),
        in_specs=[
            pl.BlockSpec((RB, D), lambda i: (i, 0)),
            pl.BlockSpec((D, D), lambda i: (0, 0)),
            pl.BlockSpec((NW, RB // 16, 16), lambda i: (0, i, 0)),
        ],
        out_specs=[
            pl.BlockSpec((RB, D), lambda i: (i, 0)),
            pl.BlockSpec((RB, 1), lambda i: (i, 0)),
        ],
        out_shape=[
            jax.ShapeDtypeStruct((N_PAD, D), jnp.float32),
            jax.ShapeDtypeStruct((N_PAD, 1), jnp.float32),
        ],
    )(x, W_gcn, deg_parts)


def _tc2_body(acc_ref, xw_ref, dinv_ref, x_ref, bg_ref, g_ref, b_ref,
              wk_ref, bk_ref, wv_ref, bv_ref, kv_ref):
    ii = lax.broadcasted_iota(jnp.int32, (D, D), 0)
    jj = lax.broadcasted_iota(jnp.int32, (D, D), 1)
    P = jnp.where(ii == (jj // H) + (jj % H) * HD, 1.0, 0.0)
    dinv = dinv_ref[...]
    h2 = dinv * (acc_ref[...] + xw_ref[...]) + bg_ref[...]
    bn_scale = 1.0 / jnp.sqrt(1.0 + 1e-5)
    h2 = g_ref[...] * h2 * bn_scale + b_ref[...]
    k = jnp.dot(h2, wk_ref[...], preferred_element_type=jnp.float32) + bk_ref[...]
    kt = jnp.dot(k, P, preferred_element_type=jnp.float32)
    v = jnp.dot(h2, wv_ref[...], preferred_element_type=jnp.float32) + bv_ref[...]
    qt = jnp.dot(x_ref[...], P, preferred_element_type=jnp.float32)
    kv_ref[...] = jnp.concatenate([kt, v, qt], axis=1)


def _tc2(gcn_acc, xw, dinv, x, b_gcn, bn_kv_g, bn_kv_b,
         W_k, b_k, W_v, b_v):
    row = lambda a: a.reshape(1, -1)
    return pl.pallas_call(
        _tc2_body,
        grid=(GRID,),
        in_specs=[
            pl.BlockSpec((RB, D), lambda i: (i, 0)),
            pl.BlockSpec((RB, D), lambda i: (i, 0)),
            pl.BlockSpec((RB, 1), lambda i: (i, 0)),
            pl.BlockSpec((RB, D), lambda i: (i, 0)),
            pl.BlockSpec((1, D), lambda i: (0, 0)),
            pl.BlockSpec((1, D), lambda i: (0, 0)),
            pl.BlockSpec((1, D), lambda i: (0, 0)),
            pl.BlockSpec((D, D), lambda i: (0, 0)),
            pl.BlockSpec((1, D), lambda i: (0, 0)),
            pl.BlockSpec((D, D), lambda i: (0, 0)),
            pl.BlockSpec((1, D), lambda i: (0, 0)),
        ],
        out_specs=pl.BlockSpec((RB, 3 * D), lambda i: (i, 0)),
        out_shape=jax.ShapeDtypeStruct((N_PAD, 3 * D), jnp.float32),
    )(gcn_acc, xw, dinv, x, row(b_gcn), row(bn_kv_g), row(bn_kv_b),
      W_k, row(b_k), W_v, row(b_v))


def _tc3_body(acc_ref, x_ref, wo_ref, bo_ref, ga_ref, ba_ref,
              w1_ref, b1_ref, w2_ref, b2_ref, g2_ref, b2g_ref, out_ref):
    msg = acc_ref[:, :D].reshape(RB, H, HD)
    den = acc_ref[:, D:D + H].reshape(RB, H, 1)
    attn = (msg / (den + 1e-16)).reshape(RB, D)
    h = jnp.dot(attn, wo_ref[...], preferred_element_type=jnp.float32)
    h = h + bo_ref[...] + x_ref[...]
    bn_scale = 1.0 / jnp.sqrt(1.0 + 1e-5)
    h = ga_ref[...] * h * bn_scale + ba_ref[...]
    ff = jnp.dot(h, w1_ref[...], preferred_element_type=jnp.float32) + b1_ref[...]
    ff = jnp.maximum(ff, 0.0)
    ff = jnp.dot(ff, w2_ref[...], preferred_element_type=jnp.float32) + b2_ref[...]
    h = h + ff
    out_ref[...] = g2_ref[...] * h * bn_scale + b2g_ref[...]


def _tc3(attn_agg, x, W_o, b_o, bn_attn_g, bn_attn_b,
         W_ff1, b_ff1, W_ff2, b_ff2, bn2_g, bn2_b):
    row = lambda a: a.reshape(1, -1)
    return pl.pallas_call(
        _tc3_body,
        grid=(GRID,),
        in_specs=[
            pl.BlockSpec((RB, 144), lambda i: (i, 0)),
            pl.BlockSpec((RB, D), lambda i: (i, 0)),
            pl.BlockSpec((D, D), lambda i: (0, 0)),
            pl.BlockSpec((1, D), lambda i: (0, 0)),
            pl.BlockSpec((1, D), lambda i: (0, 0)),
            pl.BlockSpec((1, D), lambda i: (0, 0)),
            pl.BlockSpec((D, 2 * D), lambda i: (0, 0)),
            pl.BlockSpec((1, 2 * D), lambda i: (0, 0)),
            pl.BlockSpec((2 * D, D), lambda i: (0, 0)),
            pl.BlockSpec((1, D), lambda i: (0, 0)),
            pl.BlockSpec((1, D), lambda i: (0, 0)),
            pl.BlockSpec((1, D), lambda i: (0, 0)),
        ],
        out_specs=pl.BlockSpec((RB, D), lambda i: (i, 0)),
        out_shape=jax.ShapeDtypeStruct((N_PAD, D), jnp.float32),
    )(attn_agg, x, W_o, row(b_o), row(bn_attn_g), row(bn_attn_b),
      W_ff1, row(b_ff1), W_ff2, row(b_ff2), row(bn2_g), row(bn2_b))


def kernel(x, edge_index, W_gcn, b_gcn, W_k, b_k, W_v, b_v, W_o, b_o,
           bn_kv_g, bn_kv_b, bn_attn_g, bn_attn_b,
           W_ff1, b_ff1, W_ff2, b_ff2, bn2_g, bn2_b):
    srcp, dstp = _tc0(edge_index)
    src_pad = srcp.reshape(E_PAD)
    dst_pad = dstp.reshape(E_PAD)
    deg_parts = _sc_deg(dst_pad)
    xws, dinv = _tc1(x, W_gcn, deg_parts)
    gmsgs = _sc_gmsg(xws, src_pad)
    gcn_acc = _tc_reduce(gmsgs, dstp)
    kv_cat = _tc2(gcn_acc, xws, dinv, x, b_gcn, bn_kv_g, bn_kv_b,
                  W_k, b_k, W_v, b_v)
    amsgs = _sc_attn(kv_cat, src_pad, dst_pad)
    attn_agg = _tc_reduce(amsgs, dstp)
    out = _tc3(attn_agg, x, W_o, b_o, bn_attn_g, bn_attn_b,
               W_ff1, b_ff1, W_ff2, b_ff2, bn2_g, bn2_b)
    return out[:N]

# --- scband reference (transcript-rebuilt; emitter-appended) ---
"""Pipeline reference for scband-uniformgtlayer-68453188764120 (READ-ONLY COPY).

The authoritative reference and input builder live on the scoring server;
editing this copy changes nothing except your own understanding.
"""

import jax, jax.numpy as jnp
import numpy as np

N = 10000
E = 320000
D = 128
H = 8
HD = D // H


def _lin(k, i, o):
    return jax.random.normal(k, (i, o), dtype=jnp.float32) * (1.0 / np.sqrt(i))


def setup_inputs(seed: int = 0) -> dict:
    key = jax.random.key(seed)
    ks = jax.random.split(key, 12)
    inp = {}
    inp["x"] = jax.random.normal(ks[0], (N, D), dtype=jnp.float32)
    inp["edge_index"] = jax.random.randint(ks[1], (2, E), 0, N, dtype=jnp.int32)
    inp["W_gcn"] = _lin(ks[2], D, D); inp["b_gcn"] = jnp.zeros((D,), jnp.float32)
    inp["W_k"] = _lin(ks[3], D, D); inp["b_k"] = jnp.zeros((D,), jnp.float32)
    inp["W_v"] = _lin(ks[4], D, D); inp["b_v"] = jnp.zeros((D,), jnp.float32)
    inp["W_o"] = _lin(ks[5], D, D); inp["b_o"] = jnp.zeros((D,), jnp.float32)
    inp["bn_kv_g"] = jnp.ones((D,), jnp.float32); inp["bn_kv_b"] = jnp.zeros((D,), jnp.float32)
    inp["bn_attn_g"] = jnp.ones((D,), jnp.float32); inp["bn_attn_b"] = jnp.zeros((D,), jnp.float32)
    inp["W_ff1"] = _lin(ks[6], D, 2 * D); inp["b_ff1"] = jnp.zeros((2 * D,), jnp.float32)
    inp["W_ff2"] = _lin(ks[7], 2 * D, D); inp["b_ff2"] = jnp.zeros((D,), jnp.float32)
    inp["bn2_g"] = jnp.ones((D,), jnp.float32); inp["bn2_b"] = jnp.zeros((D,), jnp.float32)
    return inp


def _bn(x, g, b):
    # eval-mode BatchNorm1d with running_mean=0, running_var=1
    return g * x / jnp.sqrt(1.0 + 1e-5) + b


def _gcn(x, edge_index, W, b):
    # pyg GCNConv: add self loops, symmetric normalization D^-1/2 A_hat D^-1/2 (X W) + b
    src, dst = edge_index[0], edge_index[1]
    n = x.shape[0]
    loop = jnp.arange(n, dtype=src.dtype)
    s = jnp.concatenate([src, loop])
    d = jnp.concatenate([dst, loop])
    deg = jnp.zeros((n,), jnp.float32).at[d].add(1.0)
    dinv = jax.lax.rsqrt(deg)
    norm = dinv[s] * dinv[d]
    xw = x @ W
    msg = xw[s] * norm[:, None]
    out = jnp.zeros_like(xw).at[d].add(msg)
    return out + b


def _sparse_attn(q, kv, edge_index, W_k, b_k, W_v, b_v, W_o, b_o):
    n = q.shape[0]
    K = (kv @ W_k + b_k).reshape(n, H, HD)
    V = (kv @ W_v + b_v).reshape(n, H, HD)
    Q = q.reshape(n, H, HD)
    src, dst = edge_index[0], edge_index[1]
    scores = (K[src] * Q[dst]).sum(-1) / np.sqrt(HD)  # [E, H]
    smax = jax.ops.segment_max(scores, dst, num_segments=n)
    smax = jnp.where(jnp.isfinite(smax), smax, 0.0)
    e = jnp.exp(scores - smax[dst])
    denom = jax.ops.segment_sum(e, dst, num_segments=n)
    attn = e / (denom[dst] + 1e-16)
    msg = V[src] * attn[:, :, None]
    out = jax.ops.segment_sum(msg, dst, num_segments=n).reshape(n, D)
    return out @ W_o + b_o


def reference(x, edge_index, W_gcn, b_gcn, W_k, b_k, W_v, b_v, W_o, b_o,
              bn_kv_g, bn_kv_b, bn_attn_g, bn_attn_b,
              W_ff1, b_ff1, W_ff2, b_ff2, bn2_g, bn2_b):
    h_in1 = x
    # kv GNN branch (GCN), dropout=0.0 -> identity
    h2 = _gcn(h_in1, edge_index, W_gcn, b_gcn)
    h2 = _bn(h2, bn_kv_g, bn_kv_b)
    # sparse graph attention: q = original features, kv = GNN output
    h_attn = _sparse_attn(h_in1, h2, edge_index, W_k, b_k, W_v, b_v, W_o, b_o)
    h_attn = h_attn + h_in1
    h_attn = _bn(h_attn, bn_attn_g, bn_attn_b)
    h = h_attn
    # feed-forward block with residual
    ff = jnp.maximum(h @ W_ff1 + b_ff1, 0.0) @ W_ff2 + b_ff2
    h = h + ff
    h = _bn(h, bn2_g, bn2_b)
    return h

if __name__ == "__main__":
    import jax
    _d = setup_inputs()
    print(jax.jit(kernel)(*tuple(_d.values())))

</pallas_src>

<mosaic_0001>
#map = affine_map<(d0, d1) -> (0, 0)>
#map1 = affine_map<(d0, d1) -> (0)>
module attributes {stable_mosaic.version = 14 : i64} {
  func.func @_sc_gmsg(%arg0: i32, %arg1: i32, %arg2: memref<10240x128xf32, #tpu.memory_space<hbm>>, %arg3: memref<323584xi32, #tpu.memory_space<hbm>>, %arg4: memref<323584x128xf32, #tpu.memory_space<hbm>>, %arg5: memref<128xi32, #tpu.memory_space<vmem>>, %arg6: memref<128x128xf32, #tpu.memory_space<vmem>>, %arg7: memref<!tpu.dma_semaphore, #tpu.memory_space<semaphore_mem>>) attributes {dimension_semantics = [#tpu.dimension_semantics<core_parallel>, #tpu.dimension_semantics<subcore_parallel>], iteration_bounds = array<i64: 2, 16>, scalar_prefetch = 0 : i64, scratch_operands = 3 : i64, tpu.core_type = #tpu.core_type<sc_vector_subcore>, window_params = [{transform_indices = #map}, {transform_indices = #map1}, {transform_indices = #map}]} {
    %mul3A = arith.constant 16 : i32
    %mul3A_0 = arith.muli %arg0, %mul3A : i32
    %add3A = arith.addi %mul3A_0, %arg1 : i32
    %mul3A_1 = arith.constant 10112 : i32
    %mul3A_2 = arith.muli %add3A, %mul3A_1 : i32
    %scan3A = arith.constant 0 : i32
    %scan3A_3 = arith.constant 0 : i32
    %scan3A_4 = arith.constant 79 : i32
    %scan3A_5 = arith.addi %scan3A_3, %scan3A_4 : i32
    %scan3A_6 = arith.constant 1 : i32
    %scan3A_7 = scf.for %scan3A_9 = %scan3A_3 to %scan3A_5 step %scan3A_6 iter_args(%scan3A_10 = %scan3A) -> (i32)  : i32 {
      %mul3A_11 = arith.constant 128 : i32
      %mul3A_12 = arith.muli %scan3A_9, %mul3A_11 : i32
      %add3A_13 = arith.addi %mul3A_2, %mul3A_12 : i32
      "tpu.region"() ({
        %run_scoped3A = tpu.sem_alloc : memref<!tpu.dma_semaphore, #tpu.memory_space<semaphore_mem>>
        %dma_start3A_19 = tpu.memref_slice %arg3[%add3A_13] : memref<323584xi32, #tpu.memory_space<hbm>> -> memref<128xi32, #tpu.memory_space<hbm>>
        %dma_start3A_20 = tpu.memref_slice %arg3[%add3A_13] : memref<323584xi32, #tpu.memory_space<hbm>> -> memref<128xi32, #tpu.memory_space<hbm>>
        tpu.enqueue_dma source(%dma_start3A_20 : memref<128xi32, #tpu.memory_space<hbm>>) target(%arg5 : memref<128xi32, #tpu.memory_space<vmem>>) target_semaphore(%run_scoped3A : memref<!tpu.dma_semaphore, #tpu.memory_space<semaphore_mem>>)
        %dma_wait3A_21 = tpu.memref_slice %arg3[%add3A_13] : memref<323584xi32, #tpu.memory_space<hbm>> -> memref<128xi32, #tpu.memory_space<hbm>>
        %dma_wait3A_22 = tpu.memref_slice %arg3[%add3A_13] : memref<323584xi32, #tpu.memory_space<hbm>> -> memref<128xi32, #tpu.memory_space<hbm>>
        tpu.wait_dma2 semaphore(%run_scoped3A : memref<!tpu.dma_semaphore, #tpu.memory_space<semaphore_mem>>) src(%dma_wait3A_22 : memref<128xi32, #tpu.memory_space<hbm>>) dst(%arg5 : memref<128xi32, #tpu.memory_space<vmem>>)
        tpu.yield
      }) : () -> ()
      %dma_start3A = arith.constant 0 : i32
      %dma_start3A_14 = arith.constant 0 : i32
      %dma_start3A_15 = tpu.memref_slice %arg2[%dma_start3A, %dma_start3A_14] : memref<10240x128xf32, #tpu.memory_space<hbm>> -> memref<10240x128xf32, #tpu.memory_space<hbm>>
      tpu.enqueue_indirect_dma source(%dma_start3A_15 : memref<10240x128xf32, #tpu.memory_space<hbm>>) target(%arg6 : memref<128x128xf32, #tpu.memory_space<vmem>>) offsets(%arg5 : memref<128xi32, #tpu.memory_space<vmem>>) semaphore(%arg7 : memref<!tpu.dma_semaphore, #tpu.memory_space<semaphore_mem>>)
      %dma_wait3A = arith.constant 0 : i32
      %dma_wait3A_16 = arith.constant 0 : i32
      %dma_wait3A_17 = tpu.memref_slice %arg2[%dma_wait3A, %dma_wait3A_16] : memref<10240x128xf32, #tpu.memory_space<hbm>> -> memref<10240x128xf32, #tpu.memory_space<hbm>>
      tpu.wait_indirect_dma semaphore(%arg7 : memref<!tpu.dma_semaphore, #tpu.memory_space<semaphore_mem>>) src(%dma_wait3A_17 : memref<10240x128xf32, #tpu.memory_space<hbm>>) dst(%arg6 : memref<128x128xf32, #tpu.memory_space<vmem>>)
      "tpu.region"() ({
        %run_scoped3A = tpu.sem_alloc : memref<!tpu.dma_semaphore, #tpu.memory_space<semaphore_mem>>
        %dma_start3A_19 = arith.constant 0 : i32
        %dma_start3A_20 = tpu.memref_slice %arg4[%add3A_13, %dma_start3A_19] : memref<323584x128xf32, #tpu.memory_space<hbm>> -> memref<128x128xf32, #tpu.memory_space<hbm>>
        %dma_start3A_21 = arith.constant 0 : i32
        %dma_start3A_22 = tpu.memref_slice %arg4[%add3A_13, %dma_start3A_21] : memref<323584x128xf32, #tpu.memory_space<hbm>> -> memref<128x128xf32, #tpu.memory_space<hbm>>
        tpu.enqueue_dma source(%arg6 : memref<128x128xf32, #tpu.memory_space<vmem>>) target(%dma_start3A_22 : memref<128x128xf32, #tpu.memory_space<hbm>>) target_semaphore(%run_scoped3A : memref<!tpu.dma_semaphore, #tpu.memory_space<semaphore_mem>>)
        %dma_wait3A_23 = arith.constant 0 : i32
        %dma_wait3A_24 = tpu.memref_slice %arg4[%add3A_13, %dma_wait3A_23] : memref<323584x128xf32, #tpu.memory_space<hbm>> -> memref<128x128xf32, #tpu.memory_space<hbm>>
        %dma_wait3A_25 = arith.constant 0 : i32
        %dma_wait3A_26 = tpu.memref_slice %arg4[%add3A_13, %dma_wait3A_25] : memref<323584x128xf32, #tpu.memory_space<hbm>> -> memref<128x128xf32, #tpu.memory_space<hbm>>
        tpu.wait_dma2 semaphore(%run_scoped3A : memref<!tpu.dma_semaphore, #tpu.memory_space<semaphore_mem>>) src(%arg6 : memref<128x128xf32, #tpu.memory_space<vmem>>) dst(%dma_wait3A_26 : memref<128x128xf32, #tpu.memory_space<hbm>>)
        tpu.yield
      }) : () -> ()
      %scan3A_18 = arith.constant 0 : i32
      scf.yield %scan3A_18 : i32
    }
    %scan3A_8 = arith.constant 79 : i32
    return
  }
}

#map = affine_map<(d0, d1) -> (0)>
#map1 = affine_map<(d0, d1) -> (0, 0, 0)>
module attributes {stable_mosaic.version = 14 : i64} {
  func.func @_sc_deg(%arg0: i32, %arg1: i32, %arg2: memref<323584xi32, #tpu.memory_space<hbm>>, %arg3: memref<32x640x16xf32, #tpu.memory_space<hbm>>, %arg4: memref<10112xi32, #tpu.memory_space<vmem>>, %arg5: memref<640x16xf32, #tpu.memory_space<vmem>>) attributes {dimension_semantics = [#tpu.dimension_semantics<core_parallel>, #tpu.dimension_semantics<subcore_parallel>], iteration_bounds = array<i64: 2, 16>, scalar_prefetch = 0 : i64, scratch_operands = 2 : i64, tpu.core_type = #tpu.core_type<sc_vector_subcore>, window_params = [{transform_indices = #map}, {transform_indices = #map1}]} {
    %mul3A = arith.constant 16 : i32
    %mul3A_0 = arith.muli %arg0, %mul3A : i32
    %add3A = arith.addi %mul3A_0, %arg1 : i32
    %iota3A = tpu.iota {dimensions = array<i32: 0>} : vector<16xi32>
    %broadcast_in_dim3A = arith.constant 0.000000e+00 : f32
    %broadcast_in_dim3A_1 = vector.broadcast %broadcast_in_dim3A : f32 to vector<16xf32>
    %scan3A = arith.constant 0 : i32
    %scan3A_2 = arith.constant 0 : i32
    %scan3A_3 = arith.constant 640 : i32
    %scan3A_4 = arith.addi %scan3A_2, %scan3A_3 : i32
    %scan3A_5 = arith.constant 1 : i32
    %scan3A_6 = scf.for %scan3A_17 = %scan3A_2 to %scan3A_4 step %scan3A_5 iter_args(%scan3A_18 = %scan3A) -> (i32)  : i32 {
      %swap3A = arith.index_cast %scan3A_17 : i32 to index
      %swap3A_19 = arith.constant 0 : index
      %swap3A_20 = tpu.vector_load %arg5[%swap3A, %swap3A_19] {strides = array<i32>} : memref<640x16xf32, #tpu.memory_space<vmem>>, vector<1x16xf32>,
      %swap3A_21 = vector.shape_cast %swap3A_20 : vector<1x16xf32> to vector<16xf32>
      %swap3A_22 = vector.shape_cast %broadcast_in_dim3A_1 : vector<16xf32> to vector<1x16xf32>
      tpu.vector_store %arg5[%swap3A, %swap3A_19], %swap3A_22 {strides = array<i32>} : memref<640x16xf32, #tpu.memory_space<vmem>>, vector<1x16xf32>,
      %scan3A_23 = arith.constant 0 : i32
      scf.yield %scan3A_23 : i32
    }
    %scan3A_7 = arith.constant 640 : i32
    %mul3A_8 = arith.constant 10112 : i32
    %mul3A_9 = arith.muli %add3A, %mul3A_8 : i32
    "tpu.region"() ({
      %run_scoped3A = tpu.sem_alloc : memref<!tpu.dma_semaphore, #tpu.memory_space<semaphore_mem>>
      %dma_start3A = tpu.memref_slice %arg2[%mul3A_9] : memref<323584xi32, #tpu.memory_space<hbm>> -> memref<10112xi32, #tpu.memory_space<hbm>>
      %dma_start3A_17 = tpu.memref_slice %arg2[%mul3A_9] : memref<323584xi32, #tpu.memory_space<hbm>> -> memref<10112xi32, #tpu.memory_space<hbm>>
      tpu.enqueue_dma source(%dma_start3A_17 : memref<10112xi32, #tpu.memory_space<hbm>>) target(%arg4 : memref<10112xi32, #tpu.memory_space<vmem>>) target_semaphore(%run_scoped3A : memref<!tpu.dma_semaphore, #tpu.memory_space<semaphore_mem>>)
      %dma_wait3A = tpu.memref_slice %arg2[%mul3A_9] : memref<323584xi32, #tpu.memory_space<hbm>> -> memref<10112xi32, #tpu.memory_space<hbm>>
      %dma_wait3A_18 = tpu.memref_slice %arg2[%mul3A_9] : memref<323584xi32, #tpu.memory_space<hbm>> -> memref<10112xi32, #tpu.memory_space<hbm>>
      tpu.wait_dma2 semaphore(%run_scoped3A : memref<!tpu.dma_semaphore, #tpu.memory_space<semaphore_mem>>) src(%dma_wait3A_18 : memref<10112xi32, #tpu.memory_space<hbm>>) dst(%arg4 : memref<10112xi32, #tpu.memory_space<vmem>>)
      tpu.yield
    }) : () -> ()
    %scan3A_10 = arith.constant 0 : i32
    %scan3A_11 = arith.constant 0 : i32
    %scan3A_12 = arith.constant 632 : i32
    %scan3A_13 = arith.addi %scan3A_11, %scan3A_12 : i32
    %scan3A_14 = arith.constant 1 : i32
    %scan3A_15 = scf.for %scan3A_17 = %scan3A_11 to %scan3A_13 step %scan3A_14 iter_args(%scan3A_18 = %scan3A_10) -> (i32)  : i32 {
      %mul3A_19 = arith.constant 16 : i32
      %mul3A_20 = arith.muli %scan3A_17, %mul3A_19 : i32
      %get3A = arith.index_cast %mul3A_20 : i32 to index
      %get3A_21 = tpu.vector_load %arg4[%get3A] {strides = array<i32>} : memref<10112xi32, #tpu.memory_space<vmem>>, vector<16xi32>,
      %get3A_22 = vector.shape_cast %get3A_21 : vector<16xi32> to vector<16xi32>
      %shift_right_logical3A = arith.constant 4 : i32
      %shift_right_logical3A_23 = vector.broadcast %shift_right_logical3A : i32 to vector<16xi32>
      %shift_right_logical3A_24 = arith.shrui %get3A_22, %shift_right_logical3A_23 : vector<16xi32>
      %and3A = arith.constant 15 : i32
      %and3A_25 = vector.broadcast %and3A : i32 to vector<16xi32>
      %and3A_26 = arith.andi %get3A_22, %and3A_25 : vector<16xi32>
      %slice3A = vector.extract_strided_slice %shift_right_logical3A_24 {offsets = [0], sizes = [1], strides = [1]} : vector<16xi32> to vector<1xi32>
      %squeeze3A = vector.extract %slice3A[0] : i32 from vector<1xi32>
      %get3A_27 = arith.index_cast %squeeze3A : i32 to index
      %get3A_28 = arith.constant 0 : index
      %get3A_29 = tpu.vector_load %arg5[%get3A_27, %get3A_28] {strides = array<i32>} : memref<640x16xf32, #tpu.memory_space<vmem>>, vector<1x16xf32>,
      %get3A_30 = vector.shape_cast %get3A_29 : vector<1x16xf32> to vector<16xf32>
      %slice3A_31 = vector.extract_strided_slice %and3A_26 {offsets = [0], sizes = [1], strides = [1]} : vector<16xi32> to vector<1xi32>
      %squeeze3A_32 = vector.extract %slice3A_31[0] : i32 from vector<1xi32>
      %eq3A = vector.broadcast %squeeze3A_32 : i32 to vector<16xi32>
      %eq3A_33 = arith.cmpi eq, %iota3A, %eq3A : vector<16xi32>
      %jit3A = arith.constant 1.000000e+00 : f32
      %jit3A_34 = arith.constant 0.000000e+00 : f32
      %broadcast_in_dim3A_35 = vector.broadcast %jit3A : f32 to vector<16xf32>
      %broadcast_in_dim3A_36 = vector.broadcast %jit3A_34 : f32 to vector<16xf32>
      %select_n3A = arith.select %eq3A_33, %broadcast_in_dim3A_35, %broadcast_in_dim3A_36 : vector<16xi1>, vector<16xf32>
      %add3A_37 = arith.addf %get3A_30, %select_n3A : vector<16xf32>
      %swap3A = arith.index_cast %squeeze3A : i32 to index
      %swap3A_38 = arith.constant 0 : index
      %swap3A_39 = tpu.vector_load %arg5[%swap3A, %swap3A_38] {strides = array<i32>} : memref<640x16xf32, #tpu.memory_space<vmem>>, vector<1x16xf32>,
      %swap3A_40 = vector.shape_cast %swap3A_39 : vector<1x16xf32> to vector<16xf32>
      %swap3A_41 = vector.shape_cast %add3A_37 : vector<16xf32> to vector<1x16xf32>
      tpu.vector_store %arg5[%swap3A, %swap3A_38], %swap3A_41 {strides = array<i32>} : memref<640x16xf32, #tpu.memory_space<vmem>>, vector<1x16xf32>,
      %slice3A_42 = vector.extract_strided_slice %shift_right_logical3A_24 {offsets = [1], sizes = [1], strides = [1]} : vector<16xi32> to vector<1xi32>
      %squeeze3A_43 = vector.extract %slice3A_42[0] : i32 from vector<1xi32>
      %get3A_44 = arith.index_cast %squeeze3A_43 : i32 to index
      %get3A_45 = arith.constant 0 : index
      %get3A_46 = tpu.vector_load %arg5[%get3A_44, %get3A_45] {strides = array<i32>} : memref<640x16xf32, #tpu.memory_space<vmem>>, vector<1x16xf32>,
      %get3A_47 = vector.shape_cast %get3A_46 : vector<1x16xf32> to vector<16xf32>
      %slice3A_48 = vector.extract_strided_slice %and3A_26 {offsets = [1], sizes = [1], strides = [1]} : vector<16xi32> to vector<1xi32>
      %squeeze3A_49 = vector.extract %slice3A_48[0] : i32 from vector<1xi32>
      %eq3A_50 = vector.broadcast %squeeze3A_49 : i32 to vector<16xi32>
      %eq3A_51 = arith.cmpi eq, %iota3A, %eq3A_50 : vector<16xi32>
      %jit3A_52 = arith.constant 1.000000e+00 : f32
      %jit3A_53 = arith.constant 0.000000e+00 : f32
      %broadcast_in_dim3A_54 = vector.broadcast %jit3A_52 : f32 to vector<16xf32>
      %broadcast_in_dim3A_55 = vector.broadcast %jit3A_53 : f32 to vector<16xf32>
      %select_n3A_56 = arith.select %eq3A_51, %broadcast_in_dim3A_54, %broadcast_in_dim3A_55 : vector<16xi1>, vector<16xf32>
      %add3A_57 = arith.addf %get3A_47, %select_n3A_56 : vector<16xf32>
      %swap3A_58 = arith.index_cast %squeeze3A_43 : i32 to index
      %swap3A_59 = arith.constant 0 : index
      %swap3A_60 = tpu.vector_load %arg5[%swap3A_58, %swap3A_59] {strides = array<i32>} : memref<640x16xf32, #tpu.memory_space<vmem>>, vector<1x16xf32>,
      %swap3A_61 = vector.shape_cast %swap3A_60 : vector<1x16xf32> to vector<16xf32>
      %swap3A_62 = vector.shape_cast %add3A_57 : vector<16xf32> to vector<1x16xf32>
      tpu.vector_store %arg5[%swap3A_58, %swap3A_59], %swap3A_62 {strides = array<i32>} : memref<640x16xf32, #tpu.memory_space<vmem>>, vector<1x16xf32>,
      %slice3A_63 = vector.extract_strided_slice %shift_right_logical3A_24 {offsets = [2], sizes = [1], strides = [1]} : vector<16xi32> to vector<1xi32>
      %squeeze3A_64 = vector.extract %slice3A_63[0] : i32 from vector<1xi32>
      %get3A_65 = arith.index_cast %squeeze3A_64 : i32 to index
      %get3A_66 = arith.constant 0 : index
      %get3A_67 = tpu.vector_load %arg5[%get3A_65, %get3A_66] {strides = array<i32>} : memref<640x16xf32, #tpu.memory_space<vmem>>, vector<1x16xf32>,
      %get3A_68 = vector.shape_cast %get3A_67 : vector<1x16xf32> to vector<16xf32>
      %slice3A_69 = vector.extract_strided_slice %and3A_26 {offsets = [2], sizes = [1], strides = [1]} : vector<16xi32> to vector<1xi32>
      %squeeze3A_70 = vector.extract %slice3A_69[0] : i32 from vector<1xi32>
      %eq3A_71 = vector.broadcast %squeeze3A_70 : i32 to vector<16xi32>
      %eq3A_72 = arith.cmpi eq, %iota3A, %eq3A_71 : vector<16xi32>
      %jit3A_73 = arith.constant 1.000000e+00 : f32
      %jit3A_74 = arith.constant 0.000000e+00 : f32
      %broadcast_in_dim3A_75 = vector.broadcast %jit3A_73 : f32 to vector<16xf32>
      %broadcast_in_dim3A_76 = vector.broadcast %jit3A_74 : f32 to vector<16xf32>
      %select_n3A_77 = arith.select %eq3A_72, %broadcast_in_dim3A_75, %broadcast_in_dim3A_76 : vector<16xi1>, vector<16xf32>
      %add3A_78 = arith.addf %get3A_68, %select_n3A_77 : vector<16xf32>
      %swap3A_79 = arith.index_cast %squeeze3A_64 : i32 to index
      %swap3A_80 = arith.constant 0 : index
      %swap3A_81 = tpu.vector_load %arg5[%swap3A_79, %swap3A_80] {strides = array<i32>} : memref<640x16xf32, #tpu.memory_space<vmem>>, vector<1x16xf32>,
      %swap3A_82 = vector.shape_cast %swap3A_81 : vector<1x16xf32> to vector<16xf32>
      %swap3A_83 = vector.shape_cast %add3A_78 : vector<16xf32> to vector<1x16xf32>
      tpu.vector_store %arg5[%swap3A_79, %swap3A_80], %swap3A_83 {strides = array<i32>} : memref<640x16xf32, #tpu.memory_space<vmem>>, vector<1x16xf32>,
      %slice3A_84 = vector.extract_strided_slice %shift_right_logical3A_24 {offsets = [3], sizes = [1], strides = [1]} : vector<16xi32> to vector<1xi32>
      %squeeze3A_85 = vector.extract %slice3A_84[0] : i32 from vector<1xi32>
      %get3A_86 = arith.index_cast %squeeze3A_85 : i32 to index
      %get3A_87 = arith.constant 0 : index
      %get3A_88 = tpu.vector_load %arg5[%get3A_86, %get3A_87] {strides = array<i32>} : memref<640x16xf32, #tpu.memory_space<vmem>>, vector<1x16xf32>,
      %get3A_89 = vector.shape_cast %get3A_88 : vector<1x16xf32> to vector<16xf32>
      %slice3A_90 = vector.extract_strided_slice %and3A_26 {offsets = [3], sizes = [1], strides = [1]} : vector<16xi32> to vector<1xi32>
      %squeeze3A_91 = vector.extract %slice3A_90[0] : i32 from vector<1xi32>
      %eq3A_92 = vector.broadcast %squeeze3A_91 : i32 to vector<16xi32>
      %eq3A_93 = arith.cmpi eq, %iota3A, %eq3A_92 : vector<16xi32>
      %jit3A_94 = arith.constant 1.000000e+00 : f32
      %jit3A_95 = arith.constant 0.000000e+00 : f32
      %broadcast_in_dim3A_96 = vector.broadcast %jit3A_94 : f32 to vector<16xf32>
      %broadcast_in_dim3A_97 = vector.broadcast %jit3A_95 : f32 to vector<16xf32>
      %select_n3A_98 = arith.select %eq3A_93, %broadcast_in_dim3A_96, %broadcast_in_dim3A_97 : vector<16xi1>, vector<16xf32>
      %add3A_99 = arith.addf %get3A_89, %select_n3A_98 : vector<16xf32>
      %swap3A_100 = arith.index_cast %squeeze3A_85 : i32 to index
      %swap3A_101 = arith.constant 0 : index
      %swap3A_102 = tpu.vector_load %arg5[%swap3A_100, %swap3A_101] {strides = array<i32>} : memref<640x16xf32, #tpu.memory_space<vmem>>, vector<1x16xf32>,
      %swap3A_103 = vector.shape_cast %swap3A_102 : vector<1x16xf32> to vector<16xf32>
      %swap3A_104 = vector.shape_cast %add3A_99 : vector<16xf32> to vector<1x16xf32>
      tpu.vector_store %arg5[%swap3A_100, %swap3A_101], %swap3A_104 {strides = array<i32>} : memref<640x16xf32, #tpu.memory_space<vmem>>, vector<1x16xf32>,
      %slice3A_105 = vector.extract_strided_slice %shift_right_logical3A_24 {offsets = [4], sizes = [1], strides = [1]} : vector<16xi32> to vector<1xi32>
      %squeeze3A_106 = vector.extract %slice3A_105[0] : i32 from vector<1xi32>
      %get3A_107 = arith.index_cast %squeeze3A_106 : i32 to index
      %get3A_108 = arith.constant 0 : index
      %get3A_109 = tpu.vector_load %arg5[%get3A_107, %get3A_108] {strides = array<i32>} : memref<640x16xf32, #tpu.memory_space<vmem>>, vector<1x16xf32>,
      %get3A_110 = vector.shape_cast %get3A_109 : vector<1x16xf32> to vector<16xf32>
      %slice3A_111 = vector.extract_strided_slice %and3A_26 {offsets = [4], sizes = [1], strides = [1]} : vector<16xi32> to vector<1xi32>
      %squeeze3A_112 = vector.extract %slice3A_111[0] : i32 from vector<1xi32>
      %eq3A_113 = vector.broadcast %squeeze3A_112 : i32 to vector<16xi32>
      %eq3A_114 = arith.cmpi eq, %iota3A, %eq3A_113 : vector<16xi32>
      %jit3A_115 = arith.constant 1.000000e+00 : f32
      %jit3A_116 = arith.constant 0.000000e+00 : f32
      %broadcast_in_dim3A_117 = vector.broadcast %jit3A_115 : f32 to vector<16xf32>
      %broadcast_in_dim3A_118 = vector.broadcast %jit3A_116 : f32 to vector<16xf32>
      %select_n3A_119 = arith.select %eq3A_114, %broadcast_in_dim3A_117, %broadcast_in_dim3A_118 : vector<16xi1>, vector<16xf32>
      %add3A_120 = arith.addf %get3A_110, %select_n3A_119 : vector<16xf32>
      %swap3A_121 = arith.index_cast %squeeze3A_106 : i32 to index
      %swap3A_122 = arith.constant 0 : index
      %swap3A_123 = tpu.vector_load %arg5[%swap3A_121, %swap3A_122] {strides = array<i32>} : memref<640x16xf32, #tpu.memory_space<vmem>>, vector<1x16xf32>,
      %swap3A_124 = vector.shape_cast %swap3A_123 : vector<1x16xf32> to vector<16xf32>
      %swap3A_125 = vector.shape_cast %add3A_120 : vector<16xf32> to vector<1x16xf32>
      tpu.vector_store %arg5[%swap3A_121, %swap3A_122], %swap3A_125 {strides = array<i32>} : memref<640x16xf32, #tpu.memory_space<vmem>>, vector<1x16xf32>,
      %slice3A_126 = vector.extract_strided_slice %shift_right_logical3A_24 {offsets = [5], sizes = [1], strides = [1]} : vector<16xi32> to vector<1xi32>
      %squeeze3A_127 = vector.extract %slice3A_126[0] : i32 from vector<1xi32>
      %get3A_128 = arith.index_cast %squeeze3A_127 : i32 to index
      %get3A_129 = arith.constant 0 : index
      %get3A_130 = tpu.vector_load %arg5[%get3A_128, %get3A_129] {strides = array<i32>} : memref<640x16xf32, #tpu.memory_space<vmem>>, vector<1x16xf32>,
      %get3A_131 = vector.shape_cast %get3A_130 : vector<1x16xf32> to vector<16xf32>
      %slice3A_132 = vector.extract_strided_slice %and3A_26 {offsets = [5], sizes = [1], strides = [1]} : vector<16xi32> to vector<1xi32>
      %squeeze3A_133 = vector.extract %slice3A_132[0] : i32 from vector<1xi32>
      %eq3A_134 = vector.broadcast %squeeze3A_133 : i32 to vector<16xi32>
      %eq3A_135 = arith.cmpi eq, %iota3A, %eq3A_134 : vector<16xi32>
      %jit3A_136 = arith.constant 1.000000e+00 : f32
      %jit3A_137 = arith.constant 0.000000e+00 : f32
      %broadcast_in_dim3A_138 = vector.broadcast %jit3A_136 : f32 to vector<16xf32>
      %broadcast_in_dim3A_139 = vector.broadcast %jit3A_137 : f32 to vector<16xf32>
      %select_n3A_140 = arith.select %eq3A_135, %broadcast_in_dim3A_138, %broadcast_in_dim3A_139 : vector<16xi1>, vector<16xf32>
      %add3A_141 = arith.addf %get3A_131, %select_n3A_140 : vector<16xf32>
      %swap3A_142 = arith.index_cast %squeeze3A_127 : i32 to index
      %swap3A_143 = arith.constant 0 : index
      %swap3A_144 = tpu.vector_load %arg5[%swap3A_142, %swap3A_143] {strides = array<i32>} : memref<640x16xf32, #tpu.memory_space<vmem>>, vector<1x16xf32>,
      %swap3A_145 = vector.shape_cast %swap3A_144 : vector<1x16xf32> to vector<16xf32>
      %swap3A_146 = vector.shape_cast %add3A_141 : vector<16xf32> to vector<1x16xf32>
      tpu.vector_store %arg5[%swap3A_142, %swap3A_143], %swap3A_146 {strides = array<i32>} : memref<640x16xf32, #tpu.memory_space<vmem>>, vector<1x16xf32>,
      %slice3A_147 = vector.extract_strided_slice %shift_right_logical3A_24 {offsets = [6], sizes = [1], strides = [1]} : vector<16xi32> to vector<1xi32>
      %squeeze3A_148 = vector.extract %slice3A_147[0] : i32 from vector<1xi32>
      %get3A_149 = arith.index_cast %squeeze3A_148 : i32 to index
      %get3A_150 = arith.constant 0 : index
      %get3A_151 = tpu.vector_load %arg5[%get3A_149, %get3A_150] {strides = array<i32>} : memref<640x16xf32, #tpu.memory_space<vmem>>, vector<1x16xf32>,
      %get3A_152 = vector.shape_cast %get3A_151 : vector<1x16xf32> to vector<16xf32>
      %slice3A_153 = vector.extract_strided_slice %and3A_26 {offsets = [6], sizes = [1], strides = [1]} : vector<16xi32> to vector<1xi32>
      %squeeze3A_154 = vector.extract %slice3A_153[0] : i32 from vector<1xi32>
      %eq3A_155 = vector.broadcast %squeeze3A_154 : i32 to vector<16xi32>
      %eq3A_156 = arith.cmpi eq, %iota3A, %eq3A_155 : vector<16xi32>
      %jit3A_157 = arith.constant 1.000000e+00 : f32
      %jit3A_158 = arith.constant 0.000000e+00 : f32
      %broadcast_in_dim3A_159 = vector.broadcast %jit3A_157 : f32 to vector<16xf32>
      %broadcast_in_dim3A_160 = vector.broadcast %jit3A_158 : f32 to vector<16xf32>
      %select_n3A_161 = arith.select %eq3A_156, %broadcast_in_dim3A_159, %broadcast_in_dim3A_160 : vector<16xi1>, vector<16xf32>
      %add3A_162 = arith.addf %get3A_152, %select_n3A_161 : vector<16xf32>
      %swap3A_163 = arith.index_cast %squeeze3A_148 : i32 to index
      %swap3A_164 = arith.constant 0 : index
      %swap3A_165 = tpu.vector_load %arg5[%swap3A_163, %swap3A_164] {strides = array<i32>} : memref<640x16xf32, #tpu.memory_space<vmem>>, vector<1x16xf32>,
      %swap3A_166 = vector.shape_cast %swap3A_165 : vector<1x16xf32> to vector<16xf32>
      %swap3A_167 = vector.shape_cast %add3A_162 : vector<16xf32> to vector<1x16xf32>
      tpu.vector_store %arg5[%swap3A_163, %swap3A_164], %swap3A_167 {strides = array<i32>} : memref<640x16xf32, #tpu.memory_space<vmem>>, vector<1x16xf32>,
      %slice3A_168 = vector.extract_strided_slice %shift_right_logical3A_24 {offsets = [7], sizes = [1], strides = [1]} : vector<16xi32> to vector<1xi32>
      %squeeze3A_169 = vector.extract %slice3A_168[0] : i32 from vector<1xi32>
      %get3A_170 = arith.index_cast %squeeze3A_169 : i32 to index
      %get3A_171 = arith.constant 0 : index
      %get3A_172 = tpu.vector_load %arg5[%get3A_170, %get3A_171] {strides = array<i32>} : memref<640x16xf32, #tpu.memory_space<vmem>>, vector<1x16xf32>,
      %get3A_173 = vector.shape_cast %get3A_172 : vector<1x16xf32> to vector<16xf32>
      %slice3A_174 = vector.extract_strided_slice %and3A_26 {offsets = [7], sizes = [1], strides = [1]} : vector<16xi32> to vector<1xi32>
      %squeeze3A_175 = vector.extract %slice3A_174[0] : i32 from vector<1xi32>
      %eq3A_176 = vector.broadcast %squeeze3A_175 : i32 to vector<16xi32>
      %eq3A_177 = arith.cmpi eq, %iota3A, %eq3A_176 : vector<16xi32>
      %jit3A_178 = arith.constant 1.000000e+00 : f32
      %jit3A_179 = arith.constant 0.000000e+00 : f32
      %broadcast_in_dim3A_180 = vector.broadcast %jit3A_178 : f32 to vector<16xf32>
      %broadcast_in_dim3A_181 = vector.broadcast %jit3A_179 : f32 to vector<16xf32>
      %select_n3A_182 = arith.select %eq3A_177, %broadcast_in_dim3A_180, %broadcast_in_dim3A_181 : vector<16xi1>, vector<16xf32>
      %add3A_183 = arith.addf %get3A_173, %select_n3A_182 : vector<16xf32>
      %swap3A_184 = arith.index_cast %squeeze3A_169 : i32 to index
      %swap3A_185 = arith.constant 0 : index
      %swap3A_186 = tpu.vector_load %arg5[%swap3A_184, %swap3A_185] {strides = array<i32>} : memref<640x16xf32, #tpu.memory_space<vmem>>, vector<1x16xf32>,
      %swap3A_187 = vector.shape_cast %swap3A_186 : vector<1x16xf32> to vector<16xf32>
      %swap3A_188 = vector.shape_cast %add3A_183 : vector<16xf32> to vector<1x16xf32>
      tpu.vector_store %arg5[%swap3A_184, %swap3A_185], %swap3A_188 {strides = array<i32>} : memref<640x16xf32, #tpu.memory_space<vmem>>, vector<1x16xf32>,
      %slice3A_189 = vector.extract_strided_slice %shift_right_logical3A_24 {offsets = [8], sizes = [1], strides = [1]} : vector<16xi32> to vector<1xi32>
      %squeeze3A_190 = vector.extract %slice3A_189[0] : i32 from vector<1xi32>
      %get3A_191 = arith.index_cast %squeeze3A_190 : i32 to index
      %get3A_192 = arith.constant 0 : index
      %get3A_193 = tpu.vector_load %arg5[%get3A_191, %get3A_192] {strides = array<i32>} : memref<640x16xf32, #tpu.memory_space<vmem>>, vector<1x16xf32>,
      %get3A_194 = vector.shape_cast %get3A_193 : vector<1x16xf32> to vector<16xf32>
      %slice3A_195 = vector.extract_strided_slice %and3A_26 {offsets = [8], sizes = [1], strides = [1]} : vector<16xi32> to vector<1xi32>
      %squeeze3A_196 = vector.extract %slice3A_195[0] : i32 from vector<1xi32>
      %eq3A_197 = vector.broadcast %squeeze3A_196 : i32 to vector<16xi32>
      %eq3A_198 = arith.cmpi eq, %iota3A, %eq3A_197 : vector<16xi32>
      %jit3A_199 = arith.constant 1.000000e+00 : f32
      %jit3A_200 = arith.constant 0.000000e+00 : f32
      %broadcast_in_dim3A_201 = vector.broadcast %jit3A_199 : f32 to vector<16xf32>
      %broadcast_in_dim3A_202 = vector.broadcast %jit3A_200 : f32 to vector<16xf32>
      %select_n3A_203 = arith.select %eq3A_198, %broadcast_in_dim3A_201, %broadcast_in_dim3A_202 : vector<16xi1>, vector<16xf32>
      %add3A_204 = arith.addf %get3A_194, %select_n3A_203 : vector<16xf32>
      %swap3A_205 = arith.index_cast %squeeze3A_190 : i32 to index
      %swap3A_206 = arith.constant 0 : index
      %swap3A_207 = tpu.vector_load %arg5[%swap3A_205, %swap3A_206] {strides = array<i32>} : memref<640x16xf32, #tpu.memory_space<vmem>>, vector<1x16xf32>,
      %swap3A_208 = vector.shape_cast %swap3A_207 : vector<1x16xf32> to vector<16xf32>
      %swap3A_209 = vector.shape_cast %add3A_204 : vector<16xf32> to vector<1x16xf32>
      tpu.vector_store %arg5[%swap3A_205, %swap3A_206], %swap3A_209 {strides = array<i32>} : memref<640x16xf32, #tpu.memory_space<vmem>>, vector<1x16xf32>,
      %slice3A_210 = vector.extract_strided_slice %shift_right_logical3A_24 {offsets = [9], sizes = [1], strides = [1]} : vector<16xi32> to vector<1xi32>
      %squeeze3A_211 = vector.extract %slice3A_210[0] : i32 from vector<1xi32>
      %get3A_212 = arith.index_cast %squeeze3A_211 : i32 to index
      %get3A_213 = arith.constant 0 : index
      %get3A_214 = tpu.vector_load %arg5[%get3A_212, %get3A_213] {strides = array<i32>} : memref<640x16xf32, #tpu.memory_space<vmem>>, vector<1x16xf32>,
      %get3A_215 = vector.shape_cast %get3A_214 : vector<1x16xf32> to vector<16xf32>
      %slice3A_216 = vector.extract_strided_slice %and3A_26 {offsets = [9], sizes = [1], strides = [1]} : vector<16xi32> to vector<1xi32>
      %squeeze3A_217 = vector.extract %slice3A_216[0] : i32 from vector<1xi32>
      %eq3A_218 = vector.broadcast %squeeze3A_217 : i32 to vector<16xi32>
      %eq3A_219 = arith.cmpi eq, %iota3A, %eq3A_218 : vector<16xi32>
      %jit3A_220 = arith.constant 1.000000e+00 : f32
      %jit3A_221 = arith.constant 0.000000e+00 : f32
      %broadcast_in_dim3A_222 = vector.broadcast %jit3A_220 : f32 to vector<16xf32>
      %broadcast_in_dim3A_223 = vector.broadcast %jit3A_221 : f32 to vector<16xf32>
      %select_n3A_224 = arith.select %eq3A_219, %broadcast_in_dim3A_222, %broadcast_in_dim3A_223 : vector<16xi1>, vector<16xf32>
      %add3A_225 = arith.addf %get3A_215, %select_n3A_224 : vector<16xf32>
      %swap3A_226 = arith.index_cast %squeeze3A_211 : i32 to index
      %swap3A_227 = arith.constant 0 : index
      %swap3A_228 = tpu.vector_load %arg5[%swap3A_226, %swap3A_227] {strides = array<i32>} : memref<640x16xf32, #tpu.memory_space<vmem>>, vector<1x16xf32>,
      %swap3A_229 = vector.shape_cast %swap3A_228 : vector<1x16xf32> to vector<16xf32>
      %swap3A_230 = vector.shape_cast %add3A_225 : vector<16xf32> to vector<1x16xf32>
      tpu.vector_store %arg5[%swap3A_226, %swap3A_227], %swap3A_230 {strides = array<i32>} : memref<640x16xf32, #tpu.memory_space<vmem>>, vector<1x16xf32>,
      %slice3A_231 = vector.extract_strided_slice %shift_right_logical3A_24 {offsets = [10], sizes = [1], strides = [1]} : vector<16xi32> to vector<1xi32>
      %squeeze3A_232 = vector.extract %slice3A_231[0] : i32 from vector<1xi32>
      %get3A_233 = arith.index_cast %squeeze3A_232 : i32 to index
      %get3A_234 = arith.constant 0 : index
      %get3A_235 = tpu.vector_load %arg5[%get3A_233, %get3A_234] {strides = array<i32>} : memref<640x16xf32, #tpu.memory_space<vmem>>, vector<1x16xf32>,
      %get3A_236 = vector.shape_cast %get3A_235 : vector<1x16xf32> to vector<16xf32>
      %slice3A_237 = vector.extract_strided_slice %and3A_26 {offsets = [10], sizes = [1], strides = [1]} : vector<16xi32> to vector<1xi32>
      %squeeze3A_238 = vector.extract %slice3A_237[0] : i32 from vector<1xi32>
      %eq3A_239 = vector.broadcast %squeeze3A_238 : i32 to vector<16xi32>
      %eq3A_240 = arith.cmpi eq, %iota3A, %eq3A_239 : vector<16xi32>
      %jit3A_241 = arith.constant 1.000000e+00 : f32
      %jit3A_242 = arith.constant 0.000000e+00 : f32
      %broadcast_in_dim3A_243 = vector.broadcast %jit3A_241 : f32 to vector<16xf32>
      %broadcast_in_dim3A_244 = vector.broadcast %jit3A_242 : f32 to vector<16xf32>
      %select_n3A_245 = arith.select %eq3A_240, %broadcast_in_dim3A_243, %broadcast_in_dim3A_244 : vector<16xi1>, vector<16xf32>
      %add3A_246 = arith.addf %get3A_236, %select_n3A_245 : vector<16xf32>
      %swap3A_247 = arith.index_cast %squeeze3A_232 : i32 to index
      %swap3A_248 = arith.constant 0 : index
      %swap3A_249 = tpu.vector_load %arg5[%swap3A_247, %swap3A_248] {strides = array<i32>} : memref<640x16xf32, #tpu.memory_space<vmem>>, vector<1x16xf32>,
      %swap3A_250 = vector.shape_cast %swap3A_249 : vector<1x16xf32> to vector<16xf32>
      %swap3A_251 = vector.shape_cast %add3A_246 : vector<16xf32> to vector<1x16xf32>
      tpu.vector_store %arg5[%swap3A_247, %swap3A_248], %swap3A_251 {strides = array<i32>} : memref<640x16xf32, #tpu.memory_space<vmem>>, vector<1x16xf32>,
      %slice3A_252 = vector.extract_strided_slice %shift_right_logical3A_24 {offsets = [11], sizes = [1], strides = [1]} : vector<16xi32> to vector<1xi32>
      %squeeze3A_253 = vector.extract %slice3A_252[0] : i32 from vector<1xi32>
      %get3A_254 = arith.index_cast %squeeze3A_253 : i32 to index
      %get3A_255 = arith.constant 0 : index
      %get3A_256 = tpu.vector_load %arg5[%get3A_254, %get3A_255] {strides = array<i32>} : memref<640x16xf32, #tpu.memory_space<vmem>>, vector<1x16xf32>,
      %get3A_257 = vector.shape_cast %get3A_256 : vector<1x16xf32> to vector<16xf32>
      %slice3A_258 = vector.extract_strided_slice %and3A_26 {offsets = [11], sizes = [1], strides = [1]} : vector<16xi32> to vector<1xi32>
      %squeeze3A_259 = vector.extract %slice3A_258[0] : i32 from vector<1xi32>
      %eq3A_260 = vector.broadcast %squeeze3A_259 : i32 to vector<16xi32>
      %eq3A_261 = arith.cmpi eq, %iota3A, %eq3A_260 : vector<16xi32>
      %jit3A_262 = arith.constant 1.000000e+00 : f32
      %jit3A_263 = arith.constant 0.000000e+00 : f32
      %broadcast_in_dim3A_264 = vector.broadcast %jit3A_262 : f32 to vector<16xf32>
      %broadcast_in_dim3A_265 = vector.broadcast %jit3A_263 : f32 to vector<16xf32>
      %select_n3A_266 = arith.select %eq3A_261, %broadcast_in_dim3A_264, %broadcast_in_dim3A_265 : vector<16xi1>, vector<16xf32>
      %add3A_267 = arith.addf %get3A_257, %select_n3A_266 : vector<16xf32>
      %swap3A_268 = arith.index_cast %squeeze3A_253 : i32 to index
      %swap3A_269 = arith.constant 0 : index
      %swap3A_270 = tpu.vector_load %arg5[%swap3A_268, %swap3A_269] {strides = array<i32>} : memref<640x16xf32, #tpu.memory_space<vmem>>, vector<1x16xf32>,
      %swap3A_271 = vector.shape_cast %swap3A_270 : vector<1x16xf32> to vector<16xf32>
      %swap3A_272 = vector.shape_cast %add3A_267 : vector<16xf32> to vector<1x16xf32>
      tpu.vector_store %arg5[%swap3A_268, %swap3A_269], %swap3A_272 {strides = array<i32>} : memref<640x16xf32, #tpu.memory_space<vmem>>, vector<1x16xf32>,
      %slice3A_273 = vector.extract_strided_slice %shift_right_logical3A_24 {offsets = [12], sizes = [1], strides = [1]} : vector<16xi32> to vector<1xi32>
      %squeeze3A_274 = vector.extract %slice3A_273[0] : i32 from vector<1xi32>
      %get3A_275 = arith.index_cast %squeeze3A_274 : i32 to index
      %get3A_276 = arith.constant 0 : index
      %get3A_277 = tpu.vector_load %arg5[%get3A_275, %get3A_276] {strides = array<i32>} : memref<640x16xf32, #tpu.memory_space<vmem>>, vector<1x16xf32>,
      %get3A_278 = vector.shape_cast %get3A_277 : vector<1x16xf32> to vector<16xf32>
      %slice3A_279 = vector.extract_strided_slice %and3A_26 {offsets = [12], sizes = [1], strides = [1]} : vector<16xi32> to vector<1xi32>
      %squeeze3A_280 = vector.extract %slice3A_279[0] : i32 from vector<1xi32>
      %eq3A_281 = vector.broadcast %squeeze3A_280 : i32 to vector<16xi32>
      %eq3A_282 = arith.cmpi eq, %iota3A, %eq3A_281 : vector<16xi32>
      %jit3A_283 = arith.constant 1.000000e+00 : f32
      %jit3A_284 = arith.constant 0.000000e+00 : f32
      %broadcast_in_dim3A_285 = vector.broadcast %jit3A_283 : f32 to vector<16xf32>
      %broadcast_in_dim3A_286 = vector.broadcast %jit3A_284 : f32 to vector<16xf32>
      %select_n3A_287 = arith.select %eq3A_282, %broadcast_in_dim3A_285, %broadcast_in_dim3A_286 : vector<16xi1>, vector<16xf32>
      %add3A_288 = arith.addf %get3A_278, %select_n3A_287 : vector<16xf32>
      %swap3A_289 = arith.index_cast %squeeze3A_274 : i32 to index
      %swap3A_290 = arith.constant 0 : index
      %swap3A_291 = tpu.vector_load %arg5[%swap3A_289, %swap3A_290] {strides = array<i32>} : memref<640x16xf32, #tpu.memory_space<vmem>>, vector<1x16xf32>,
      %swap3A_292 = vector.shape_cast %swap3A_291 : vector<1x16xf32> to vector<16xf32>
      %swap3A_293 = vector.shape_cast %add3A_288 : vector<16xf32> to vector<1x16xf32>
      tpu.vector_store %arg5[%swap3A_289, %swap3A_290], %swap3A_293 {strides = array<i32>} : memref<640x16xf32, #tpu.memory_space<vmem>>, vector<1x16xf32>,
      %slice3A_294 = vector.extract_strided_slice %shift_right_logical3A_24 {offsets = [13], sizes = [1], strides = [1]} : vector<16xi32> to vector<1xi32>
      %squeeze3A_295 = vector.extract %slice3A_294[0] : i32 from vector<1xi32>
      %get3A_296 = arith.index_cast %squeeze3A_295 : i32 to index
      %get3A_297 = arith.constant 0 : index
      %get3A_298 = tpu.vector_load %arg5[%get3A_296, %get3A_297] {strides = array<i32>} : memref<640x16xf32, #tpu.memory_space<vmem>>, vector<1x16xf32>,
      %get3A_299 = vector.shape_cast %get3A_298 : vector<1x16xf32> to vector<16xf32>
      %slice3A_300 = vector.extract_strided_slice %and3A_26 {offsets = [13], sizes = [1], strides = [1]} : vector<16xi32> to vector<1xi32>
      %squeeze3A_301 = vector.extract %slice3A_300[0] : i32 from vector<1xi32>
      %eq3A_302 = vector.broadcast %squeeze3A_301 : i32 to vector<16xi32>
      %eq3A_303 = arith.cmpi eq, %iota3A, %eq3A_302 : vector<16xi32>
      %jit3A_304 = arith.constant 1.000000e+00 : f32
      %jit3A_305 = arith.constant 0.000000e+00 : f32
      %broadcast_in_dim3A_306 = vector.broadcast %jit3A_304 : f32 to vector<16xf32>
      %broadcast_in_dim3A_307 = vector.broadcast %jit3A_305 : f32 to vector<16xf32>
      %select_n3A_308 = arith.select %eq3A_303, %broadcast_in_dim3A_306, %broadcast_in_dim3A_307 : vector<16xi1>, vector<16xf32>
      %add3A_309 = arith.addf %get3A_299, %select_n3A_308 : vector<16xf32>
      %swap3A_310 = arith.index_cast %squeeze3A_295 : i32 to index
      %swap3A_311 = arith.constant 0 : index
      %swap3A_312 = tpu.vector_load %arg5[%swap3A_310, %swap3A_311] {strides = array<i32>} : memref<640x16xf32, #tpu.memory_space<vmem>>, vector<1x16xf32>,
      %swap3A_313 = vector.shape_cast %swap3A_312 : vector<1x16xf32> to vector<16xf32>
      %swap3A_314 = vector.shape_cast %add3A_309 : vector<16xf32> to vector<1x16xf32>
      tpu.vector_store %arg5[%swap3A_310, %swap3A_311], %swap3A_314 {strides = array<i32>} : memref<640x16xf32, #tpu.memory_space<vmem>>, vector<1x16xf32>,
      %slice3A_315 = vector.extract_strided_slice %shift_right_logical3A_24 {offsets = [14], sizes = [1], strides = [1]} : vector<16xi32> to vector<1xi32>
      %squeeze3A_316 = vector.extract %slice3A_315[0] : i32 from vector<1xi32>
      %get3A_317 = arith.index_cast %squeeze3A_316 : i32 to index
      %get3A_318 = arith.constant 0 : index
      %get3A_319 = tpu.vector_load %arg5[%get3A_317, %get3A_318] {strides = array<i32>} : memref<640x16xf32, #tpu.memory_space<vmem>>, vector<1x16xf32>,
      %get3A_320 = vector.shape_cast %get3A_319 : vector<1x16xf32> to vector<16xf32>
      %slice3A_321 = vector.extract_strided_slice %and3A_26 {offsets = [14], sizes = [1], strides = [1]} : vector<16xi32> to vector<1xi32>
      %squeeze3A_322 = vector.extract %slice3A_321[0] : i32 from vector<1xi32>
      %eq3A_323 = vector.broadcast %squeeze3A_322 : i32 to vector<16xi32>
      %eq3A_324 = arith.cmpi eq, %iota3A, %eq3A_323 : vector<16xi32>
      %jit3A_325 = arith.constant 1.000000e+00 : f32
      %jit3A_326 = arith.constant 0.000000e+00 : f32
      %broadcast_in_dim3A_327 = vector.broadcast %jit3A_325 : f32 to vector<16xf32>
      %broadcast_in_dim3A_328 = vector.broadcast %jit3A_326 : f32 to vector<16xf32>
      %select_n3A_329 = arith.select %eq3A_324, %broadcast_in_dim3A_327, %broadcast_in_dim3A_328 : vector<16xi1>, vector<16xf32>
      %add3A_330 = arith.addf %get3A_320, %select_n3A_329 : vector<16xf32>
      %swap3A_331 = arith.index_cast %squeeze3A_316 : i32 to index
      %swap3A_332 = arith.constant 0 : index
      %swap3A_333 = tpu.vector_load %arg5[%swap3A_331, %swap3A_332] {strides = array<i32>} : memref<640x16xf32, #tpu.memory_space<vmem>>, vector<1x16xf32>,
      %swap3A_334 = vector.shape_cast %swap3A_333 : vector<1x16xf32> to vector<16xf32>
      %swap3A_335 = vector.shape_cast %add3A_330 : vector<16xf32> to vector<1x16xf32>
      tpu.vector_store %arg5[%swap3A_331, %swap3A_332], %swap3A_335 {strides = array<i32>} : memref<640x16xf32, #tpu.memory_space<vmem>>, vector<1x16xf32>,
      %slice3A_336 = vector.extract_strided_slice %shift_right_logical3A_24 {offsets = [15], sizes = [1], strides = [1]} : vector<16xi32> to vector<1xi32>
      %squeeze3A_337 = vector.extract %slice3A_336[0] : i32 from vector<1xi32>
      %get3A_338 = arith.index_cast %squeeze3A_337 : i32 to index
      %get3A_339 = arith.constant 0 : index
      %get3A_340 = tpu.vector_load %arg5[%get3A_338, %get3A_339] {strides = array<i32>} : memref<640x16xf32, #tpu.memory_space<vmem>>, vector<1x16xf32>,
      %get3A_341 = vector.shape_cast %get3A_340 : vector<1x16xf32> to vector<16xf32>
      %slice3A_342 = vector.extract_strided_slice %and3A_26 {offsets = [15], sizes = [1], strides = [1]} : vector<16xi32> to vector<1xi32>
      %squeeze3A_343 = vector.extract %slice3A_342[0] : i32 from vector<1xi32>
      %eq3A_344 = vector.broadcast %squeeze3A_343 : i32 to vector<16xi32>
      %eq3A_345 = arith.cmpi eq, %iota3A, %eq3A_344 : vector<16xi32>
      %jit3A_346 = arith.constant 1.000000e+00 : f32
      %jit3A_347 = arith.constant 0.000000e+00 : f32
      %broadcast_in_dim3A_348 = vector.broadcast %jit3A_346 : f32 to vector<16xf32>
      %broadcast_in_dim3A_349 = vector.broadcast %jit3A_347 : f32 to vector<16xf32>
      %select_n3A_350 = arith.select %eq3A_345, %broadcast_in_dim3A_348, %broadcast_in_dim3A_349 : vector<16xi1>, vector<16xf32>
      %add3A_351 = arith.addf %get3A_341, %select_n3A_350 : vector<16xf32>
      %swap3A_352 = arith.index_cast %squeeze3A_337 : i32 to index
      %swap3A_353 = arith.constant 0 : index
      %swap3A_354 = tpu.vector_load %arg5[%swap3A_352, %swap3A_353] {strides = array<i32>} : memref<640x16xf32, #tpu.memory_space<vmem>>, vector<1x16xf32>,
      %swap3A_355 = vector.shape_cast %swap3A_354 : vector<1x16xf32> to vector<16xf32>
      %swap3A_356 = vector.shape_cast %add3A_351 : vector<16xf32> to vector<1x16xf32>
      tpu.vector_store %arg5[%swap3A_352, %swap3A_353], %swap3A_356 {strides = array<i32>} : memref<640x16xf32, #tpu.memory_space<vmem>>, vector<1x16xf32>,
      %scan3A_357 = arith.constant 0 : i32
      scf.yield %scan3A_357 : i32
    }
    %scan3A_16 = arith.constant 632 : i32
    "tpu.region"() ({
      %run_scoped3A = tpu.sem_alloc : memref<!tpu.dma_semaphore, #tpu.memory_space<semaphore_mem>>
      %dma_start3A = arith.constant 0 : i32
      %dma_start3A_17 = arith.constant 0 : i32
      %dma_start3A_18 = tpu.memref_slice %arg3[%add3A, %dma_start3A, %dma_start3A_17] : memref<32x640x16xf32, #tpu.memory_space<hbm>> -> memref<1x640x16xf32, #tpu.memory_space<hbm>>
      %dma_start3A_19 = tpu.memref_squeeze %dma_start3A_18 : memref<1x640x16xf32, #tpu.memory_space<hbm>> -> memref<640x16xf32, #tpu.memory_space<hbm>>
      %dma_start3A_20 = arith.constant 0 : i32
      %dma_start3A_21 = arith.constant 0 : i32
      %dma_start3A_22 = tpu.memref_slice %arg3[%add3A, %dma_start3A_20, %dma_start3A_21] : memref<32x640x16xf32, #tpu.memory_space<hbm>> -> memref<1x640x16xf32, #tpu.memory_space<hbm>>
      %dma_start3A_23 = tpu.memref_squeeze %dma_start3A_22 : memref<1x640x16xf32, #tpu.memory_space<hbm>> -> memref<640x16xf32, #tpu.memory_space<hbm>>
      tpu.enqueue_dma source(%arg5 : memref<640x16xf32, #tpu.memory_space<vmem>>) target(%dma_start3A_23 : memref<640x16xf32, #tpu.memory_space<hbm>>) target_semaphore(%run_scoped3A : memref<!tpu.dma_semaphore, #tpu.memory_space<semaphore_mem>>)
      %dma_wait3A = arith.constant 0 : i32
      %dma_wait3A_24 = arith.constant 0 : i32
      %dma_wait3A_25 = tpu.memref_slice %arg3[%add3A, %dma_wait3A, %dma_wait3A_24] : memref<32x640x16xf32, #tpu.memory_space<hbm>> -> memref<1x640x16xf32, #tpu.memory_space<hbm>>
      %dma_wait3A_26 = tpu.memref_squeeze %dma_wait3A_25 : memref<1x640x16xf32, #tpu.memory_space<hbm>> -> memref<640x16xf32, #tpu.memory_space<hbm>>
      %dma_wait3A_27 = arith.constant 0 : i32
      %dma_wait3A_28 = arith.constant 0 : i32
      %dma_wait3A_29 = tpu.memref_slice %arg3[%add3A, %dma_wait3A_27, %dma_wait3A_28] : memref<32x640x16xf32, #tpu.memory_space<hbm>> -> memref<1x640x16xf32, #tpu.memory_space<hbm>>
      %dma_wait3A_30 = tpu.memref_squeeze %dma_wait3A_29 : memref<1x640x16xf32, #tpu.memory_space<hbm>> -> memref<640x16xf32, #tpu.memory_space<hbm>>
      tpu.wait_dma2 semaphore(%run_scoped3A : memref<!tpu.dma_semaphore, #tpu.memory_space<semaphore_mem>>) src(%arg5 : memref<640x16xf32, #tpu.memory_space<vmem>>) dst(%dma_wait3A_30 : memref<640x16xf32, #tpu.memory_space<hbm>>)
      tpu.yield
    }) : () -> ()
    return
  }
}

#map = affine_map<(d0, d1) -> (0, 0)>
#map1 = affine_map<(d0, d1) -> (0)>
module attributes {stable_mosaic.version = 14 : i64} {
  func.func @_sc_attn(%arg0: i32, %arg1: i32, %arg2: memref<10240x384xf32, #tpu.memory_space<hbm>>, %arg3: memref<323584xi32, #tpu.memory_space<hbm>>, %arg4: memref<323584xi32, #tpu.memory_space<hbm>>, %arg5: memref<323584x144xf32, #tpu.memory_space<hbm>>, %arg6: memref<128xi32, #tpu.memory_space<vmem>>, %arg7: memref<128xi32, #tpu.memory_space<vmem>>, %arg8: memref<128x256xf32, #tpu.memory_space<vmem>>, %arg9: memref<128x128xf32, #tpu.memory_space<vmem>>, %arg10: memref<128x144xf32, #tpu.memory_space<vmem>>, %arg11: memref<32xf32, #tpu.memory_space<vmem>>, %arg12: memref<!tpu.dma_semaphore, #tpu.memory_space<semaphore_mem>>, %arg13: memref<!tpu.dma_semaphore, #tpu.memory_space<semaphore_mem>>) attributes {dimension_semantics = [#tpu.dimension_semantics<core_parallel>, #tpu.dimension_semantics<subcore_parallel>], iteration_bounds = array<i64: 2, 16>, scalar_prefetch = 0 : i64, scratch_operands = 8 : i64, tpu.core_type = #tpu.core_type<sc_vector_subcore>, window_params = [{transform_indices = #map}, {transform_indices = #map1}, {transform_indices = #map1}, {transform_indices = #map}]} {
    %mul3A = arith.constant 16 : i32
    %mul3A_0 = arith.muli %arg0, %mul3A : i32
    %add3A = arith.addi %mul3A_0, %arg1 : i32
    %broadcast_in_dim3A = arith.constant 0.000000e+00 : f32
    %broadcast_in_dim3A_1 = vector.broadcast %broadcast_in_dim3A : f32 to vector<16xf32>
    %swap3A = arith.constant 16 : index
    %swap3A_2 = tpu.vector_load %arg11[%swap3A] {strides = array<i32>} : memref<32xf32, #tpu.memory_space<vmem>>, vector<16xf32>,
    %swap3A_3 = vector.shape_cast %swap3A_2 : vector<16xf32> to vector<16xf32>
    %swap3A_4 = vector.shape_cast %broadcast_in_dim3A_1 : vector<16xf32> to vector<16xf32>
    tpu.vector_store %arg11[%swap3A], %swap3A_4 {strides = array<i32>} : memref<32xf32, #tpu.memory_space<vmem>>, vector<16xf32>,
    %mul3A_5 = arith.constant 10112 : i32
    %mul3A_6 = arith.muli %add3A, %mul3A_5 : i32
    %scan3A = arith.constant 0 : i32
    %scan3A_7 = arith.constant 0 : i32
    %scan3A_8 = arith.constant 79 : i32
    %scan3A_9 = arith.addi %scan3A_7, %scan3A_8 : i32
    %scan3A_10 = arith.constant 1 : i32
    %scan3A_11 = scf.for %scan3A_13 = %scan3A_7 to %scan3A_9 step %scan3A_10 iter_args(%scan3A_14 = %scan3A) -> (i32)  : i32 {
      %mul3A_15 = arith.constant 128 : i32
      %mul3A_16 = arith.muli %scan3A_13, %mul3A_15 : i32
      %add3A_17 = arith.addi %mul3A_6, %mul3A_16 : i32
      "tpu.region"() ({
        %run_scoped3A = tpu.sem_alloc : memref<!tpu.dma_semaphore, #tpu.memory_space<semaphore_mem>>
        %dma_start3A_36 = tpu.memref_slice %arg3[%add3A_17] : memref<323584xi32, #tpu.memory_space<hbm>> -> memref<128xi32, #tpu.memory_space<hbm>>
        %dma_start3A_37 = tpu.memref_slice %arg3[%add3A_17] : memref<323584xi32, #tpu.memory_space<hbm>> -> memref<128xi32, #tpu.memory_space<hbm>>
        tpu.enqueue_dma source(%dma_start3A_37 : memref<128xi32, #tpu.memory_space<hbm>>) target(%arg6 : memref<128xi32, #tpu.memory_space<vmem>>) target_semaphore(%run_scoped3A : memref<!tpu.dma_semaphore, #tpu.memory_space<semaphore_mem>>)
        %dma_wait3A_38 = tpu.memref_slice %arg3[%add3A_17] : memref<323584xi32, #tpu.memory_space<hbm>> -> memref<128xi32, #tpu.memory_space<hbm>>
        %dma_wait3A_39 = tpu.memref_slice %arg3[%add3A_17] : memref<323584xi32, #tpu.memory_space<hbm>> -> memref<128xi32, #tpu.memory_space<hbm>>
        tpu.wait_dma2 semaphore(%run_scoped3A : memref<!tpu.dma_semaphore, #tpu.memory_space<semaphore_mem>>) src(%dma_wait3A_39 : memref<128xi32, #tpu.memory_space<hbm>>) dst(%arg6 : memref<128xi32, #tpu.memory_space<vmem>>)
        tpu.yield
      }) : () -> ()
      "tpu.region"() ({
        %run_scoped3A = tpu.sem_alloc : memref<!tpu.dma_semaphore, #tpu.memory_space<semaphore_mem>>
        %dma_start3A_36 = tpu.memref_slice %arg4[%add3A_17] : memref<323584xi32, #tpu.memory_space<hbm>> -> memref<128xi32, #tpu.memory_space<hbm>>
        %dma_start3A_37 = tpu.memref_slice %arg4[%add3A_17] : memref<323584xi32, #tpu.memory_space<hbm>> -> memref<128xi32, #tpu.memory_space<hbm>>
        tpu.enqueue_dma source(%dma_start3A_37 : memref<128xi32, #tpu.memory_space<hbm>>) target(%arg7 : memref<128xi32, #tpu.memory_space<vmem>>) target_semaphore(%run_scoped3A : memref<!tpu.dma_semaphore, #tpu.memory_space<semaphore_mem>>)
        %dma_wait3A_38 = tpu.memref_slice %arg4[%add3A_17] : memref<323584xi32, #tpu.memory_space<hbm>> -> memref<128xi32, #tpu.memory_space<hbm>>
        %dma_wait3A_39 = tpu.memref_slice %arg4[%add3A_17] : memref<323584xi32, #tpu.memory_space<hbm>> -> memref<128xi32, #tpu.memory_space<hbm>>
        tpu.wait_dma2 semaphore(%run_scoped3A : memref<!tpu.dma_semaphore, #tpu.memory_space<semaphore_mem>>) src(%dma_wait3A_39 : memref<128xi32, #tpu.memory_space<hbm>>) dst(%arg7 : memref<128xi32, #tpu.memory_space<vmem>>)
        tpu.yield
      }) : () -> ()
      %dma_start3A = arith.constant 0 : i32
      %dma_start3A_18 = arith.constant 0 : i32
      %dma_start3A_19 = tpu.memref_slice %arg2[%dma_start3A, %dma_start3A_18] : memref<10240x384xf32, #tpu.memory_space<hbm>> -> memref<10240x256xf32, #tpu.memory_space<hbm>>
      tpu.enqueue_indirect_dma source(%dma_start3A_19 : memref<10240x256xf32, #tpu.memory_space<hbm>>) target(%arg8 : memref<128x256xf32, #tpu.memory_space<vmem>>) offsets(%arg6 : memref<128xi32, #tpu.memory_space<vmem>>) semaphore(%arg12 : memref<!tpu.dma_semaphore, #tpu.memory_space<semaphore_mem>>)
      %dma_start3A_20 = arith.constant 0 : i32
      %dma_start3A_21 = arith.constant 256 : i32
      %dma_start3A_22 = tpu.memref_slice %arg2[%dma_start3A_20, %dma_start3A_21] : memref<10240x384xf32, #tpu.memory_space<hbm>> -> memref<10240x128xf32, #tpu.memory_space<hbm>>
      tpu.enqueue_indirect_dma source(%dma_start3A_22 : memref<10240x128xf32, #tpu.memory_space<hbm>>) target(%arg9 : memref<128x128xf32, #tpu.memory_space<vmem>>) offsets(%arg7 : memref<128xi32, #tpu.memory_space<vmem>>) semaphore(%arg13 : memref<!tpu.dma_semaphore, #tpu.memory_space<semaphore_mem>>)
      %dma_wait3A = arith.constant 0 : i32
      %dma_wait3A_23 = arith.constant 0 : i32
      %dma_wait3A_24 = tpu.memref_slice %arg2[%dma_wait3A, %dma_wait3A_23] : memref<10240x384xf32, #tpu.memory_space<hbm>> -> memref<10240x256xf32, #tpu.memory_space<hbm>>
      tpu.wait_indirect_dma semaphore(%arg12 : memref<!tpu.dma_semaphore, #tpu.memory_space<semaphore_mem>>) src(%dma_wait3A_24 : memref<10240x256xf32, #tpu.memory_space<hbm>>) dst(%arg8 : memref<128x256xf32, #tpu.memory_space<vmem>>)
      %dma_wait3A_25 = arith.constant 0 : i32
      %dma_wait3A_26 = arith.constant 256 : i32
      %dma_wait3A_27 = tpu.memref_slice %arg2[%dma_wait3A_25, %dma_wait3A_26] : memref<10240x384xf32, #tpu.memory_space<hbm>> -> memref<10240x128xf32, #tpu.memory_space<hbm>>
      tpu.wait_indirect_dma semaphore(%arg13 : memref<!tpu.dma_semaphore, #tpu.memory_space<semaphore_mem>>) src(%dma_wait3A_27 : memref<10240x128xf32, #tpu.memory_space<hbm>>) dst(%arg9 : memref<128x128xf32, #tpu.memory_space<vmem>>)
      %scan3A_28 = arith.constant 0 : i32
      %scan3A_29 = arith.constant 0 : i32
      %scan3A_30 = arith.constant 128 : i32
      %scan3A_31 = arith.addi %scan3A_29, %scan3A_30 : i32
      %scan3A_32 = arith.constant 1 : i32
      %scan3A_33 = scf.for %scan3A_36 = %scan3A_29 to %scan3A_31 step %scan3A_32 iter_args(%scan3A_37 = %scan3A_28) -> (i32)  : i32 {
        %get3A = arith.index_cast %scan3A_36 : i32 to index
        %get3A_38 = arith.constant 0 : index
        %get3A_39 = tpu.vector_load %arg8[%get3A, %get3A_38] {strides = array<i32>} : memref<128x256xf32, #tpu.memory_space<vmem>>, vector<1x16xf32>,
        %get3A_40 = vector.shape_cast %get3A_39 : vector<1x16xf32> to vector<16xf32>
        %get3A_41 = arith.index_cast %scan3A_36 : i32 to index
        %get3A_42 = arith.constant 0 : index
        %get3A_43 = tpu.vector_load %arg9[%get3A_41, %get3A_42] {strides = array<i32>} : memref<128x128xf32, #tpu.memory_space<vmem>>, vector<1x16xf32>,
        %get3A_44 = vector.shape_cast %get3A_43 : vector<1x16xf32> to vector<16xf32>
        %mul3A_45 = arith.mulf %get3A_40, %get3A_44 : vector<16xf32>
        %get3A_46 = arith.index_cast %scan3A_36 : i32 to index
        %get3A_47 = arith.constant 16 : index
        %get3A_48 = tpu.vector_load %arg8[%get3A_46, %get3A_47] {strides = array<i32>} : memref<128x256xf32, #tpu.memory_space<vmem>>, vector<1x16xf32>,
        %get3A_49 = vector.shape_cast %get3A_48 : vector<1x16xf32> to vector<16xf32>
        %get3A_50 = arith.index_cast %scan3A_36 : i32 to index
        %get3A_51 = arith.constant 16 : index
        %get3A_52 = tpu.vector_load %arg9[%get3A_50, %get3A_51] {strides = array<i32>} : memref<128x128xf32, #tpu.memory_space<vmem>>, vector<1x16xf32>,
        %get3A_53 = vector.shape_cast %get3A_52 : vector<1x16xf32> to vector<16xf32>
        %mul3A_54 = arith.mulf %get3A_49, %get3A_53 : vector<16xf32>
        %add3A_55 = arith.addf %mul3A_45, %mul3A_54 : vector<16xf32>
        %get3A_56 = arith.index_cast %scan3A_36 : i32 to index
        %get3A_57 = arith.constant 32 : index
        %get3A_58 = tpu.vector_load %arg8[%get3A_56, %get3A_57] {strides = array<i32>} : memref<128x256xf32, #tpu.memory_space<vmem>>, vector<1x16xf32>,
        %get3A_59 = vector.shape_cast %get3A_58 : vector<1x16xf32> to vector<16xf32>
        %get3A_60 = arith.index_cast %scan3A_36 : i32 to index
        %get3A_61 = arith.constant 32 : index
        %get3A_62 = tpu.vector_load %arg9[%get3A_60, %get3A_61] {strides = array<i32>} : memref<128x128xf32, #tpu.memory_space<vmem>>, vector<1x16xf32>,
        %get3A_63 = vector.shape_cast %get3A_62 : vector<1x16xf32> to vector<16xf32>
        %mul3A_64 = arith.mulf %get3A_59, %get3A_63 : vector<16xf32>
        %add3A_65 = arith.addf %add3A_55, %mul3A_64 : vector<16xf32>
        %get3A_66 = arith.index_cast %scan3A_36 : i32 to index
        %get3A_67 = arith.constant 48 : index
        %get3A_68 = tpu.vector_load %arg8[%get3A_66, %get3A_67] {strides = array<i32>} : memref<128x256xf32, #tpu.memory_space<vmem>>, vector<1x16xf32>,
        %get3A_69 = vector.shape_cast %get3A_68 : vector<1x16xf32> to vector<16xf32>
        %get3A_70 = arith.index_cast %scan3A_36 : i32 to index
        %get3A_71 = arith.constant 48 : index
        %get3A_72 = tpu.vector_load %arg9[%get3A_70, %get3A_71] {strides = array<i32>} : memref<128x128xf32, #tpu.memory_space<vmem>>, vector<1x16xf32>,
        %get3A_73 = vector.shape_cast %get3A_72 : vector<1x16xf32> to vector<16xf32>
        %mul3A_74 = arith.mulf %get3A_69, %get3A_73 : vector<16xf32>
        %add3A_75 = arith.addf %add3A_65, %mul3A_74 : vector<16xf32>
        %get3A_76 = arith.index_cast %scan3A_36 : i32 to index
        %get3A_77 = arith.constant 64 : index
        %get3A_78 = tpu.vector_load %arg8[%get3A_76, %get3A_77] {strides = array<i32>} : memref<128x256xf32, #tpu.memory_space<vmem>>, vector<1x16xf32>,
        %get3A_79 = vector.shape_cast %get3A_78 : vector<1x16xf32> to vector<16xf32>
        %get3A_80 = arith.index_cast %scan3A_36 : i32 to index
        %get3A_81 = arith.constant 64 : index
        %get3A_82 = tpu.vector_load %arg9[%get3A_80, %get3A_81] {strides = array<i32>} : memref<128x128xf32, #tpu.memory_space<vmem>>, vector<1x16xf32>,
        %get3A_83 = vector.shape_cast %get3A_82 : vector<1x16xf32> to vector<16xf32>
        %mul3A_84 = arith.mulf %get3A_79, %get3A_83 : vector<16xf32>
        %add3A_85 = arith.addf %add3A_75, %mul3A_84 : vector<16xf32>
        %get3A_86 = arith.index_cast %scan3A_36 : i32 to index
        %get3A_87 = arith.constant 80 : index
        %get3A_88 = tpu.vector_load %arg8[%get3A_86, %get3A_87] {strides = array<i32>} : memref<128x256xf32, #tpu.memory_space<vmem>>, vector<1x16xf32>,
        %get3A_89 = vector.shape_cast %get3A_88 : vector<1x16xf32> to vector<16xf32>
        %get3A_90 = arith.index_cast %scan3A_36 : i32 to index
        %get3A_91 = arith.constant 80 : index
        %get3A_92 = tpu.vector_load %arg9[%get3A_90, %get3A_91] {strides = array<i32>} : memref<128x128xf32, #tpu.memory_space<vmem>>, vector<1x16xf32>,
        %get3A_93 = vector.shape_cast %get3A_92 : vector<1x16xf32> to vector<16xf32>
        %mul3A_94 = arith.mulf %get3A_89, %get3A_93 : vector<16xf32>
        %add3A_95 = arith.addf %add3A_85, %mul3A_94 : vector<16xf32>
        %get3A_96 = arith.index_cast %scan3A_36 : i32 to index
        %get3A_97 = arith.constant 96 : index
        %get3A_98 = tpu.vector_load %arg8[%get3A_96, %get3A_97] {strides = array<i32>} : memref<128x256xf32, #tpu.memory_space<vmem>>, vector<1x16xf32>,
        %get3A_99 = vector.shape_cast %get3A_98 : vector<1x16xf32> to vector<16xf32>
        %get3A_100 = arith.index_cast %scan3A_36 : i32 to index
        %get3A_101 = arith.constant 96 : index
        %get3A_102 = tpu.vector_load %arg9[%get3A_100, %get3A_101] {strides = array<i32>} : memref<128x128xf32, #tpu.memory_space<vmem>>, vector<1x16xf32>,
        %get3A_103 = vector.shape_cast %get3A_102 : vector<1x16xf32> to vector<16xf32>
        %mul3A_104 = arith.mulf %get3A_99, %get3A_103 : vector<16xf32>
        %add3A_105 = arith.addf %add3A_95, %mul3A_104 : vector<16xf32>
        %get3A_106 = arith.index_cast %scan3A_36 : i32 to index
        %get3A_107 = arith.constant 112 : index
        %get3A_108 = tpu.vector_load %arg8[%get3A_106, %get3A_107] {strides = array<i32>} : memref<128x256xf32, #tpu.memory_space<vmem>>, vector<1x16xf32>,
        %get3A_109 = vector.shape_cast %get3A_108 : vector<1x16xf32> to vector<16xf32>
        %get3A_110 = arith.index_cast %scan3A_36 : i32 to index
        %get3A_111 = arith.constant 112 : index
        %get3A_112 = tpu.vector_load %arg9[%get3A_110, %get3A_111] {strides = array<i32>} : memref<128x128xf32, #tpu.memory_space<vmem>>, vector<1x16xf32>,
        %get3A_113 = vector.shape_cast %get3A_112 : vector<1x16xf32> to vector<16xf32>
        %mul3A_114 = arith.mulf %get3A_109, %get3A_113 : vector<16xf32>
        %add3A_115 = arith.addf %add3A_105, %mul3A_114 : vector<16xf32>
        %swap3A_116 = arith.constant 0 : index
        %swap3A_117 = tpu.vector_load %arg11[%swap3A_116] {strides = array<i32>} : memref<32xf32, #tpu.memory_space<vmem>>, vector<16xf32>,
        %swap3A_118 = vector.shape_cast %swap3A_117 : vector<16xf32> to vector<16xf32>
        %swap3A_119 = vector.shape_cast %add3A_115 : vector<16xf32> to vector<16xf32>
        tpu.vector_store %arg11[%swap3A_116], %swap3A_119 {strides = array<i32>} : memref<32xf32, #tpu.memory_space<vmem>>, vector<16xf32>,
        %get3A_120 = arith.constant 8 : index
        %get3A_121 = tpu.vector_load %arg11[%get3A_120] {strides = array<i32>} : memref<32xf32, #tpu.memory_space<vmem>>, vector<16xf32>,
        %get3A_122 = vector.shape_cast %get3A_121 : vector<16xf32> to vector<16xf32>
        %add3A_123 = arith.addf %add3A_115, %get3A_122 : vector<16xf32>
        %mul3A_124 = arith.constant 2.500000e-01 : f32
        %mul3A_125 = vector.broadcast %mul3A_124 : f32 to vector<16xf32>
        %mul3A_126 = arith.mulf %add3A_123, %mul3A_125 : vector<16xf32>
        %exp3A = math.exp %mul3A_126 : vector<16xf32>
        %swap3A_127 = arith.index_cast %scan3A_36 : i32 to index
        %swap3A_128 = arith.constant 128 : index
        %swap3A_129 = tpu.vector_load %arg10[%swap3A_127, %swap3A_128] {strides = array<i32>} : memref<128x144xf32, #tpu.memory_space<vmem>>, vector<1x16xf32>,
        %swap3A_130 = vector.shape_cast %swap3A_129 : vector<1x16xf32> to vector<16xf32>
        %swap3A_131 = vector.shape_cast %exp3A : vector<16xf32> to vector<1x16xf32>
        tpu.vector_store %arg10[%swap3A_127, %swap3A_128], %swap3A_131 {strides = array<i32>} : memref<128x144xf32, #tpu.memory_space<vmem>>, vector<1x16xf32>,
        %get3A_132 = arith.index_cast %scan3A_36 : i32 to index
        %get3A_133 = arith.constant 128 : index
        %get3A_134 = tpu.vector_load %arg8[%get3A_132, %get3A_133] {strides = array<i32>} : memref<128x256xf32, #tpu.memory_space<vmem>>, vector<1x16xf32>,
        %get3A_135 = vector.shape_cast %get3A_134 : vector<1x16xf32> to vector<16xf32>
        %slice3A = vector.extract_strided_slice %exp3A {offsets = [0], sizes = [1], strides = [1]} : vector<16xf32> to vector<1xf32>
        %squeeze3A = vector.extract %slice3A[0] : f32 from vector<1xf32>
        %mul3A_136 = vector.broadcast %squeeze3A : f32 to vector<16xf32>
        %mul3A_137 = arith.mulf %get3A_135, %mul3A_136 : vector<16xf32>
        %swap3A_138 = arith.index_cast %scan3A_36 : i32 to index
        %swap3A_139 = arith.constant 0 : index
        %swap3A_140 = tpu.vector_load %arg10[%swap3A_138, %swap3A_139] {strides = array<i32>} : memref<128x144xf32, #tpu.memory_space<vmem>>, vector<1x16xf32>,
        %swap3A_141 = vector.shape_cast %swap3A_140 : vector<1x16xf32> to vector<16xf32>
        %swap3A_142 = vector.shape_cast %mul3A_137 : vector<16xf32> to vector<1x16xf32>
        tpu.vector_store %arg10[%swap3A_138, %swap3A_139], %swap3A_142 {strides = array<i32>} : memref<128x144xf32, #tpu.memory_space<vmem>>, vector<1x16xf32>,
        %get3A_143 = arith.index_cast %scan3A_36 : i32 to index
        %get3A_144 = arith.constant 144 : index
        %get3A_145 = tpu.vector_load %arg8[%get3A_143, %get3A_144] {strides = array<i32>} : memref<128x256xf32, #tpu.memory_space<vmem>>, vector<1x16xf32>,
        %get3A_146 = vector.shape_cast %get3A_145 : vector<1x16xf32> to vector<16xf32>
        %slice3A_147 = vector.extract_strided_slice %exp3A {offsets = [1], sizes = [1], strides = [1]} : vector<16xf32> to vector<1xf32>
        %squeeze3A_148 = vector.extract %slice3A_147[0] : f32 from vector<1xf32>
        %mul3A_149 = vector.broadcast %squeeze3A_148 : f32 to vector<16xf32>
        %mul3A_150 = arith.mulf %get3A_146, %mul3A_149 : vector<16xf32>
        %swap3A_151 = arith.index_cast %scan3A_36 : i32 to index
        %swap3A_152 = arith.constant 16 : index
        %swap3A_153 = tpu.vector_load %arg10[%swap3A_151, %swap3A_152] {strides = array<i32>} : memref<128x144xf32, #tpu.memory_space<vmem>>, vector<1x16xf32>,
        %swap3A_154 = vector.shape_cast %swap3A_153 : vector<1x16xf32> to vector<16xf32>
        %swap3A_155 = vector.shape_cast %mul3A_150 : vector<16xf32> to vector<1x16xf32>
        tpu.vector_store %arg10[%swap3A_151, %swap3A_152], %swap3A_155 {strides = array<i32>} : memref<128x144xf32, #tpu.memory_space<vmem>>, vector<1x16xf32>,
        %get3A_156 = arith.index_cast %scan3A_36 : i32 to index
        %get3A_157 = arith.constant 160 : index
        %get3A_158 = tpu.vector_load %arg8[%get3A_156, %get3A_157] {strides = array<i32>} : memref<128x256xf32, #tpu.memory_space<vmem>>, vector<1x16xf32>,
        %get3A_159 = vector.shape_cast %get3A_158 : vector<1x16xf32> to vector<16xf32>
        %slice3A_160 = vector.extract_strided_slice %exp3A {offsets = [2], sizes = [1], strides = [1]} : vector<16xf32> to vector<1xf32>
        %squeeze3A_161 = vector.extract %slice3A_160[0] : f32 from vector<1xf32>
        %mul3A_162 = vector.broadcast %squeeze3A_161 : f32 to vector<16xf32>
        %mul3A_163 = arith.mulf %get3A_159, %mul3A_162 : vector<16xf32>
        %swap3A_164 = arith.index_cast %scan3A_36 : i32 to index
        %swap3A_165 = arith.constant 32 : index
        %swap3A_166 = tpu.vector_load %arg10[%swap3A_164, %swap3A_165] {strides = array<i32>} : memref<128x144xf32, #tpu.memory_space<vmem>>, vector<1x16xf32>,
        %swap3A_167 = vector.shape_cast %swap3A_166 : vector<1x16xf32> to vector<16xf32>
        %swap3A_168 = vector.shape_cast %mul3A_163 : vector<16xf32> to vector<1x16xf32>
        tpu.vector_store %arg10[%swap3A_164, %swap3A_165], %swap3A_168 {strides = array<i32>} : memref<128x144xf32, #tpu.memory_space<vmem>>, vector<1x16xf32>,
        %get3A_169 = arith.index_cast %scan3A_36 : i32 to index
        %get3A_170 = arith.constant 176 : index
        %get3A_171 = tpu.vector_load %arg8[%get3A_169, %get3A_170] {strides = array<i32>} : memref<128x256xf32, #tpu.memory_space<vmem>>, vector<1x16xf32>,
        %get3A_172 = vector.shape_cast %get3A_171 : vector<1x16xf32> to vector<16xf32>
        %slice3A_173 = vector.extract_strided_slice %exp3A {offsets = [3], sizes = [1], strides = [1]} : vector<16xf32> to vector<1xf32>
        %squeeze3A_174 = vector.extract %slice3A_173[0] : f32 from vector<1xf32>
        %mul3A_175 = vector.broadcast %squeeze3A_174 : f32 to vector<16xf32>
        %mul3A_176 = arith.mulf %get3A_172, %mul3A_175 : vector<16xf32>
        %swap3A_177 = arith.index_cast %scan3A_36 : i32 to index
        %swap3A_178 = arith.constant 48 : index
        %swap3A_179 = tpu.vector_load %arg10[%swap3A_177, %swap3A_178] {strides = array<i32>} : memref<128x144xf32, #tpu.memory_space<vmem>>, vector<1x16xf32>,
        %swap3A_180 = vector.shape_cast %swap3A_179 : vector<1x16xf32> to vector<16xf32>
        %swap3A_181 = vector.shape_cast %mul3A_176 : vector<16xf32> to vector<1x16xf32>
        tpu.vector_store %arg10[%swap3A_177, %swap3A_178], %swap3A_181 {strides = array<i32>} : memref<128x144xf32, #tpu.memory_space<vmem>>, vector<1x16xf32>,
        %get3A_182 = arith.index_cast %scan3A_36 : i32 to index
        %get3A_183 = arith.constant 192 : index
        %get3A_184 = tpu.vector_load %arg8[%get3A_182, %get3A_183] {strides = array<i32>} : memref<128x256xf32, #tpu.memory_space<vmem>>, vector<1x16xf32>,
        %get3A_185 = vector.shape_cast %get3A_184 : vector<1x16xf32> to vector<16xf32>
        %slice3A_186 = vector.extract_strided_slice %exp3A {offsets = [4], sizes = [1], strides = [1]} : vector<16xf32> to vector<1xf32>
        %squeeze3A_187 = vector.extract %slice3A_186[0] : f32 from vector<1xf32>
        %mul3A_188 = vector.broadcast %squeeze3A_187 : f32 to vector<16xf32>
        %mul3A_189 = arith.mulf %get3A_185, %mul3A_188 : vector<16xf32>
        %swap3A_190 = arith.index_cast %scan3A_36 : i32 to index
        %swap3A_191 = arith.constant 64 : index
        %swap3A_192 = tpu.vector_load %arg10[%swap3A_190, %swap3A_191] {strides = array<i32>} : memref<128x144xf32, #tpu.memory_space<vmem>>, vector<1x16xf32>,
        %swap3A_193 = vector.shape_cast %swap3A_192 : vector<1x16xf32> to vector<16xf32>
        %swap3A_194 = vector.shape_cast %mul3A_189 : vector<16xf32> to vector<1x16xf32>
        tpu.vector_store %arg10[%swap3A_190, %swap3A_191], %swap3A_194 {strides = array<i32>} : memref<128x144xf32, #tpu.memory_space<vmem>>, vector<1x16xf32>,
        %get3A_195 = arith.index_cast %scan3A_36 : i32 to index
        %get3A_196 = arith.constant 208 : index
        %get3A_197 = tpu.vector_load %arg8[%get3A_195, %get3A_196] {strides = array<i32>} : memref<128x256xf32, #tpu.memory_space<vmem>>, vector<1x16xf32>,
        %get3A_198 = vector.shape_cast %get3A_197 : vector<1x16xf32> to vector<16xf32>
        %slice3A_199 = vector.extract_strided_slice %exp3A {offsets = [5], sizes = [1], strides = [1]} : vector<16xf32> to vector<1xf32>
        %squeeze3A_200 = vector.extract %slice3A_199[0] : f32 from vector<1xf32>
        %mul3A_201 = vector.broadcast %squeeze3A_200 : f32 to vector<16xf32>
        %mul3A_202 = arith.mulf %get3A_198, %mul3A_201 : vector<16xf32>
        %swap3A_203 = arith.index_cast %scan3A_36 : i32 to index
        %swap3A_204 = arith.constant 80 : index
        %swap3A_205 = tpu.vector_load %arg10[%swap3A_203, %swap3A_204] {strides = array<i32>} : memref<128x144xf32, #tpu.memory_space<vmem>>, vector<1x16xf32>,
        %swap3A_206 = vector.shape_cast %swap3A_205 : vector<1x16xf32> to vector<16xf32>
        %swap3A_207 = vector.shape_cast %mul3A_202 : vector<16xf32> to vector<1x16xf32>
        tpu.vector_store %arg10[%swap3A_203, %swap3A_204], %swap3A_207 {strides = array<i32>} : memref<128x144xf32, #tpu.memory_space<vmem>>, vector<1x16xf32>,
        %get3A_208 = arith.index_cast %scan3A_36 : i32 to index
        %get3A_209 = arith.constant 224 : index
        %get3A_210 = tpu.vector_load %arg8[%get3A_208, %get3A_209] {strides = array<i32>} : memref<128x256xf32, #tpu.memory_space<vmem>>, vector<1x16xf32>,
        %get3A_211 = vector.shape_cast %get3A_210 : vector<1x16xf32> to vector<16xf32>
        %slice3A_212 = vector.extract_strided_slice %exp3A {offsets = [6], sizes = [1], strides = [1]} : vector<16xf32> to vector<1xf32>
        %squeeze3A_213 = vector.extract %slice3A_212[0] : f32 from vector<1xf32>
        %mul3A_214 = vector.broadcast %squeeze3A_213 : f32 to vector<16xf32>
        %mul3A_215 = arith.mulf %get3A_211, %mul3A_214 : vector<16xf32>
        %swap3A_216 = arith.index_cast %scan3A_36 : i32 to index
        %swap3A_217 = arith.constant 96 : index
        %swap3A_218 = tpu.vector_load %arg10[%swap3A_216, %swap3A_217] {strides = array<i32>} : memref<128x144xf32, #tpu.memory_space<vmem>>, vector<1x16xf32>,
        %swap3A_219 = vector.shape_cast %swap3A_218 : vector<1x16xf32> to vector<16xf32>
        %swap3A_220 = vector.shape_cast %mul3A_215 : vector<16xf32> to vector<1x16xf32>
        tpu.vector_store %arg10[%swap3A_216, %swap3A_217], %swap3A_220 {strides = array<i32>} : memref<128x144xf32, #tpu.memory_space<vmem>>, vector<1x16xf32>,
        %get3A_221 = arith.index_cast %scan3A_36 : i32 to index
        %get3A_222 = arith.constant 240 : index
        %get3A_223 = tpu.vector_load %arg8[%get3A_221, %get3A_222] {strides = array<i32>} : memref<128x256xf32, #tpu.memory_space<vmem>>, vector<1x16xf32>,
        %get3A_224 = vector.shape_cast %get3A_223 : vector<1x16xf32> to vector<16xf32>
        %slice3A_225 = vector.extract_strided_slice %exp3A {offsets = [7], sizes = [1], strides = [1]} : vector<16xf32> to vector<1xf32>
        %squeeze3A_226 = vector.extract %slice3A_225[0] : f32 from vector<1xf32>
        %mul3A_227 = vector.broadcast %squeeze3A_226 : f32 to vector<16xf32>
        %mul3A_228 = arith.mulf %get3A_224, %mul3A_227 : vector<16xf32>
        %swap3A_229 = arith.index_cast %scan3A_36 : i32 to index
        %swap3A_230 = arith.constant 112 : index
        %swap3A_231 = tpu.vector_load %arg10[%swap3A_229, %swap3A_230] {strides = array<i32>} : memref<128x144xf32, #tpu.memory_space<vmem>>, vector<1x16xf32>,
        %swap3A_232 = vector.shape_cast %swap3A_231 : vector<1x16xf32> to vector<16xf32>
        %swap3A_233 = vector.shape_cast %mul3A_228 : vector<16xf32> to vector<1x16xf32>
        tpu.vector_store %arg10[%swap3A_229, %swap3A_230], %swap3A_233 {strides = array<i32>} : memref<128x144xf32, #tpu.memory_space<vmem>>, vector<1x16xf32>,
        %scan3A_234 = arith.constant 0 : i32
        scf.yield %scan3A_234 : i32
      }
      %scan3A_34 = arith.constant 128 : i32
      "tpu.region"() ({
        %run_scoped3A = tpu.sem_alloc : memref<!tpu.dma_semaphore, #tpu.memory_space<semaphore_mem>>
        %dma_start3A_36 = arith.constant 0 : i32
        %dma_start3A_37 = tpu.memref_slice %arg5[%add3A_17, %dma_start3A_36] : memref<323584x144xf32, #tpu.memory_space<hbm>> -> memref<128x144xf32, #tpu.memory_space<hbm>>
        %dma_start3A_38 = arith.constant 0 : i32
        %dma_start3A_39 = tpu.memref_slice %arg5[%add3A_17, %dma_start3A_38] : memref<323584x144xf32, #tpu.memory_space<hbm>> -> memref<128x144xf32, #tpu.memory_space<hbm>>
        tpu.enqueue_dma source(%arg10 : memref<128x144xf32, #tpu.memory_space<vmem>>) target(%dma_start3A_39 : memref<128x144xf32, #tpu.memory_space<hbm>>) target_semaphore(%run_scoped3A : memref<!tpu.dma_semaphore, #tpu.memory_space<semaphore_mem>>)
        %dma_wait3A_40 = arith.constant 0 : i32
        %dma_wait3A_41 = tpu.memref_slice %arg5[%add3A_17, %dma_wait3A_40] : memref<323584x144xf32, #tpu.memory_space<hbm>> -> memref<128x144xf32, #tpu.memory_space<hbm>>
        %dma_wait3A_42 = arith.constant 0 : i32
        %dma_wait3A_43 = tpu.memref_slice %arg5[%add3A_17, %dma_wait3A_42] : memref<323584x144xf32, #tpu.memory_space<hbm>> -> memref<128x144xf32, #tpu.memory_space<hbm>>
        tpu.wait_dma2 semaphore(%run_scoped3A : memref<!tpu.dma_semaphore, #tpu.memory_space<semaphore_mem>>) src(%arg10 : memref<128x144xf32, #tpu.memory_space<vmem>>) dst(%dma_wait3A_43 : memref<128x144xf32, #tpu.memory_space<hbm>>)
        tpu.yield
      }) : () -> ()
      %scan3A_35 = arith.constant 0 : i32
      scf.yield %scan3A_35 : i32
    }
    %scan3A_12 = arith.constant 79 : i32
    return
  }
}

module attributes {stable_mosaic.version = 14 : i64} {
  func.func @_tc0_body(%arg0: i32, %arg1: memref<2x20224xi32, #tpu.memory_space<vmem>>, %arg2: memref<1x20224xi32, #tpu.memory_space<vmem>>, %arg3: memref<1x20224xi32, #tpu.memory_space<vmem>>) attributes {dimension_semantics = [#tpu.dimension_semantics<arbitrary>], iteration_bounds = array<i64: 16>, scalar_prefetch = 0 : i64, scratch_operands = 0 : i64, tpu.core_type = #tpu.core_type<tc>, window_params = [{transform_indices = @transform_0, window_bounds = array<i64: 2, 20224>}, {transform_indices = @transform_1, window_bounds = array<i64: 1, 20224>}, {transform_indices = @transform_2, window_bounds = array<i64: 1, 20224>}]} {
    %iota3A = tpu.iota {dimensions = array<i32: 1>} : vector<1x20224xi32>
    %mul3A = arith.constant 20224 : i32
    %mul3A_0 = arith.muli %arg0, %mul3A : i32
    %add3A = vector.broadcast %mul3A_0 : i32 to vector<1x20224xi32>
    %add3A_1 = arith.addi %iota3A, %add3A : vector<1x20224xi32>
    %lt3A = arith.constant 320000 : i32
    %lt3A_2 = vector.broadcast %lt3A : i32 to vector<1x20224xi32>
    %lt3A_3 = arith.cmpi slt, %add3A_1, %lt3A_2 : vector<1x20224xi32>
    %get3A = arith.constant 0 : index
    %get3A_4 = arith.constant 0 : index
    %get3A_5 = vector.load %arg1[%get3A, %get3A_4] : memref<2x20224xi32, #tpu.memory_space<vmem>>, vector<1x20224xi32>
    %jit3A = arith.constant 10000 : i32
    %broadcast_in_dim3A = vector.broadcast %jit3A : i32 to vector<1x20224xi32>
    %select_n3A = arith.select %lt3A_3, %get3A_5, %broadcast_in_dim3A : vector<1x20224xi1>, vector<1x20224xi32>
    %swap3A = arith.constant 0 : index
    %swap3A_6 = arith.constant 0 : index
    %swap3A_7 = vector.load %arg2[%swap3A, %swap3A_6] : memref<1x20224xi32, #tpu.memory_space<vmem>>, vector<1x20224xi32>
    tpu.vector_store %arg2[%swap3A, %swap3A_6], %select_n3A {strides = array<i32>} : memref<1x20224xi32, #tpu.memory_space<vmem>>, vector<1x20224xi32>,
    %get3A_8 = arith.constant 1 : index
    %get3A_9 = arith.constant 0 : index
    %get3A_10 = vector.load %arg1[%get3A_8, %get3A_9] : memref<2x20224xi32, #tpu.memory_space<vmem>>, vector<1x20224xi32>
    %jit3A_11 = arith.constant 10000 : i32
    %broadcast_in_dim3A_12 = vector.broadcast %jit3A_11 : i32 to vector<1x20224xi32>
    %select_n3A_13 = arith.select %lt3A_3, %get3A_10, %broadcast_in_dim3A_12 : vector<1x20224xi1>, vector<1x20224xi32>
    %swap3A_14 = arith.constant 0 : index
    %swap3A_15 = arith.constant 0 : index
    %swap3A_16 = vector.load %arg3[%swap3A_14, %swap3A_15] : memref<1x20224xi32, #tpu.memory_space<vmem>>, vector<1x20224xi32>
    tpu.vector_store %arg3[%swap3A_14, %swap3A_15], %select_n3A_13 {strides = array<i32>} : memref<1x20224xi32, #tpu.memory_space<vmem>>, vector<1x20224xi32>,
    return
  }
  func.func @transform_0(%arg0: i32) -> (i32, i32) {
    %c0_i32 = arith.constant 0 : i32
    %c0_i32_0 = arith.constant 0 : i32
    return %c0_i32, %arg0 : i32, i32
  }
  func.func @transform_1(%arg0: i32) -> (i32, i32) {
    %c0_i32 = arith.constant 0 : i32
    %c0_i32_0 = arith.constant 0 : i32
    return %c0_i32, %arg0 : i32, i32
  }
  func.func @transform_2(%arg0: i32) -> (i32, i32) {
    %c0_i32 = arith.constant 0 : i32
    %c0_i32_0 = arith.constant 0 : i32
    return %c0_i32, %arg0 : i32, i32
  }
}

module attributes {stable_mosaic.version = 14 : i64} {
  func.func @_tc1_body(%arg0: i32, %arg1: memref<512x128xf32, #tpu.memory_space<vmem>>, %arg2: memref<128x128xf32, #tpu.memory_space<vmem>>, %arg3: memref<32x32x16xf32, #tpu.memory_space<vmem>>, %arg4: memref<512x128xf32, #tpu.memory_space<vmem>>, %arg5: memref<512x1xf32, #tpu.memory_space<vmem>>) attributes {dimension_semantics = [#tpu.dimension_semantics<arbitrary>], iteration_bounds = array<i64: 20>, scalar_prefetch = 0 : i64, scratch_operands = 0 : i64, tpu.core_type = #tpu.core_type<tc>, window_params = [{transform_indices = @transform_0, window_bounds = array<i64: 512, 128>}, {pipeline_mode = #tpu.pipeline_mode<synchronous>, transform_indices = @transform_1, window_bounds = array<i64: 128, 128>}, {transform_indices = @transform_2, window_bounds = array<i64: 32, 32, 16>}, {transform_indices = @transform_3, window_bounds = array<i64: 512, 128>}, {transform_indices = @transform_4, window_bounds = array<i64: 512, 1>}]} {
    %get3A = arith.constant 0 : index
    %get3A_0 = arith.constant 0 : index
    %get3A_1 = arith.constant 0 : index
    %get3A_2 = vector.load %arg3[%get3A, %get3A_0, %get3A_1] : memref<32x32x16xf32, #tpu.memory_space<vmem>>, vector<32x32x16xf32>
    %reduce_sum3A = arith.constant dense<0.000000e+00> : vector<32x16xf32>
    %reduce_sum3A_3 = vector.multi_reduction <add>, %get3A_2, %reduce_sum3A [0] : vector<32x32x16xf32> to vector<32x16xf32>
    %iota3A = tpu.iota {dimensions = array<i32: 0>} : vector<512x32xi32>
    %iota3A_4 = tpu.iota {dimensions = array<i32: 1>} : vector<512x32xi32>
    %shift_right_logical3A = arith.constant 4 : i32
    %shift_right_logical3A_5 = vector.broadcast %shift_right_logical3A : i32 to vector<512x32xi32>
    %shift_right_logical3A_6 = arith.shrui %iota3A, %shift_right_logical3A_5 : vector<512x32xi32>
    %eq3A = arith.cmpi eq, %shift_right_logical3A_6, %iota3A_4 : vector<512x32xi32>
    %jit3A = arith.constant 1.000000e+00 : f32
    %jit3A_7 = arith.constant 0.000000e+00 : f32
    %broadcast_in_dim3A = vector.broadcast %jit3A : f32 to vector<512x32xf32>
    %broadcast_in_dim3A_8 = vector.broadcast %jit3A_7 : f32 to vector<512x32xf32>
    %select_n3A = arith.select %eq3A, %broadcast_in_dim3A, %broadcast_in_dim3A_8 : vector<512x32xi1>, vector<512x32xf32>
    %dot_general3A = arith.constant dense<0.000000e+00> : vector<512x16xf32>
    %dot_general3A_9 = tpu.matmul %select_n3A, %reduce_sum3A_3, %dot_general3A {dimension_numbers = #tpu.dot_dimension_numbers<[1], [0], [0], [1], [0, 0, 1, 1], [], []>, transpose_lhs_hint = false} : vector<512x32xf32>, vector<32x16xf32>, vector<512x16xf32> -> vector<512x16xf32>
    %iota3A_10 = tpu.iota {dimensions = array<i32: 0>} : vector<512x16xi32>
    %iota3A_11 = tpu.iota {dimensions = array<i32: 1>} : vector<512x16xi32>
    %and3A = arith.constant 15 : i32
    %and3A_12 = vector.broadcast %and3A : i32 to vector<512x16xi32>
    %and3A_13 = arith.andi %iota3A_10, %and3A_12 : vector<512x16xi32>
    %eq3A_14 = arith.cmpi eq, %iota3A_11, %and3A_13 : vector<512x16xi32>
    %jit3A_15 = arith.constant 1.000000e+00 : f32
    %jit3A_16 = arith.constant 0.000000e+00 : f32
    %broadcast_in_dim3A_17 = vector.broadcast %jit3A_15 : f32 to vector<512x16xf32>
    %broadcast_in_dim3A_18 = vector.broadcast %jit3A_16 : f32 to vector<512x16xf32>
    %select_n3A_19 = arith.select %eq3A_14, %broadcast_in_dim3A_17, %broadcast_in_dim3A_18 : vector<512x16xi1>, vector<512x16xf32>
    %mul3A = arith.mulf %dot_general3A_9, %select_n3A_19 : vector<512x16xf32>
    %reduce_sum3A_20 = arith.constant dense<0.000000e+00> : vector<512xf32>
    %reduce_sum3A_21 = vector.multi_reduction <add>, %mul3A, %reduce_sum3A_20 [1] : vector<512x16xf32> to vector<512xf32>
    %broadcast_in_dim3A_22 = vector.shape_cast %reduce_sum3A_21 : vector<512xf32> to vector<512x1xf32>
    %add3A = arith.constant 1.000000e+00 : f32
    %add3A_23 = vector.broadcast %add3A : f32 to vector<512x1xf32>
    %add3A_24 = arith.addf %broadcast_in_dim3A_22, %add3A_23 : vector<512x1xf32>
    %rsqrt3A = math.rsqrt %add3A_24 : vector<512x1xf32>
    %swap3A = arith.constant 0 : index
    %swap3A_25 = arith.constant 0 : index
    %swap3A_26 = vector.load %arg5[%swap3A, %swap3A_25] : memref<512x1xf32, #tpu.memory_space<vmem>>, vector<512x1xf32>
    tpu.vector_store %arg5[%swap3A, %swap3A_25], %rsqrt3A {strides = array<i32>} : memref<512x1xf32, #tpu.memory_space<vmem>>, vector<512x1xf32>,
    %get3A_27 = arith.constant 0 : index
    %get3A_28 = arith.constant 0 : index
    %get3A_29 = vector.load %arg1[%get3A_27, %get3A_28] : memref<512x128xf32, #tpu.memory_space<vmem>>, vector<512x128xf32>
    %get3A_30 = arith.constant 0 : index
    %get3A_31 = arith.constant 0 : index
    %get3A_32 = vector.load %arg2[%get3A_30, %get3A_31] : memref<128x128xf32, #tpu.memory_space<vmem>>, vector<128x128xf32>
    %dot_general3A_33 = arith.constant dense<0.000000e+00> : vector<512x128xf32>
    %dot_general3A_34 = tpu.matmul %get3A_29, %get3A_32, %dot_general3A_33 {dimension_numbers = #tpu.dot_dimension_numbers<[1], [0], [0], [1], [0, 0, 1, 1], [], []>, transpose_lhs_hint = false} : vector<512x128xf32>, vector<128x128xf32>, vector<512x128xf32> -> vector<512x128xf32>
    %mul3A_35 = vector.broadcast %rsqrt3A : vector<512x1xf32> to vector<512x128xf32>
    %mul3A_36 = arith.mulf %dot_general3A_34, %mul3A_35 : vector<512x128xf32>
    %swap3A_37 = arith.constant 0 : index
    %swap3A_38 = arith.constant 0 : index
    %swap3A_39 = vector.load %arg4[%swap3A_37, %swap3A_38] : memref<512x128xf32, #tpu.memory_space<vmem>>, vector<512x128xf32>
    tpu.vector_store %arg4[%swap3A_37, %swap3A_38], %mul3A_36 {strides = array<i32>} : memref<512x128xf32, #tpu.memory_space<vmem>>, vector<512x128xf32>,
    return
  }
  func.func @transform_0(%arg0: i32) -> (i32, i32) {
    %c0_i32 = arith.constant 0 : i32
    %c0_i32_0 = arith.constant 0 : i32
    return %arg0, %c0_i32 : i32, i32
  }
  func.func @transform_1(%arg0: i32) -> (i32, i32) {
    %c0_i32 = arith.constant 0 : i32
    %c0_i32_0 = arith.constant 0 : i32
    %c0_i32_1 = arith.constant 0 : i32
    return %c0_i32, %c0_i32_0 : i32, i32
  }
  func.func @transform_2(%arg0: i32) -> (i32, i32, i32) {
    %c0_i32 = arith.constant 0 : i32
    %c0_i32_0 = arith.constant 0 : i32
    %c0_i32_1 = arith.constant 0 : i32
    return %c0_i32, %arg0, %c0_i32_0 : i32, i32, i32
  }
  func.func @transform_3(%arg0: i32) -> (i32, i32) {
    %c0_i32 = arith.constant 0 : i32
    %c0_i32_0 = arith.constant 0 : i32
    return %arg0, %c0_i32 : i32, i32
  }
  func.func @transform_4(%arg0: i32) -> (i32, i32) {
    %c0_i32 = arith.constant 0 : i32
    %c0_i32_0 = arith.constant 0 : i32
    return %arg0, %c0_i32 : i32, i32
  }
}

module attributes {stable_mosaic.version = 14 : i64} {
  func.func @_tc2_body(%arg0: i32, %arg1: memref<512x128xf32, #tpu.memory_space<vmem>>, %arg2: memref<512x128xf32, #tpu.memory_space<vmem>>, %arg3: memref<512x1xf32, #tpu.memory_space<vmem>>, %arg4: memref<512x128xf32, #tpu.memory_space<vmem>>, %arg5: memref<1x128xf32, #tpu.memory_space<vmem>>, %arg6: memref<1x128xf32, #tpu.memory_space<vmem>>, %arg7: memref<1x128xf32, #tpu.memory_space<vmem>>, %arg8: memref<128x128xf32, #tpu.memory_space<vmem>>, %arg9: memref<1x128xf32, #tpu.memory_space<vmem>>, %arg10: memref<128x128xf32, #tpu.memory_space<vmem>>, %arg11: memref<1x128xf32, #tpu.memory_space<vmem>>, %arg12: memref<512x384xf32, #tpu.memory_space<vmem>>) attributes {dimension_semantics = [#tpu.dimension_semantics<arbitrary>], iteration_bounds = array<i64: 20>, scalar_prefetch = 0 : i64, scratch_operands = 0 : i64, tpu.core_type = #tpu.core_type<tc>, window_params = [{transform_indices = @transform_0, window_bounds = array<i64: 512, 128>}, {transform_indices = @transform_1, window_bounds = array<i64: 512, 128>}, {transform_indices = @transform_2, window_bounds = array<i64: 512, 1>}, {transform_indices = @transform_3, window_bounds = array<i64: 512, 128>}, {pipeline_mode = #tpu.pipeline_mode<synchronous>, transform_indices = @transform_4, window_bounds = array<i64: 1, 128>}, {pipeline_mode = #tpu.pipeline_mode<synchronous>, transform_indices = @transform_5, window_bounds = array<i64: 1, 128>}, {pipeline_mode = #tpu.pipeline_mode<synchronous>, transform_indices = @transform_6, window_bounds = array<i64: 1, 128>}, {pipeline_mode = #tpu.pipeline_mode<synchronous>, transform_indices = @transform_7, window_bounds = array<i64: 128, 128>}, {pipeline_mode = #tpu.pipeline_mode<synchronous>, transform_indices = @transform_8, window_bounds = array<i64: 1, 128>}, {pipeline_mode = #tpu.pipeline_mode<synchronous>, transform_indices = @transform_9, window_bounds = array<i64: 128, 128>}, {pipeline_mode = #tpu.pipeline_mode<synchronous>, transform_indices = @transform_10, window_bounds = array<i64: 1, 128>}, {transform_indices = @transform_11, window_bounds = array<i64: 512, 384>}]} {
    %iota3A = tpu.iota {dimensions = array<i32: 0>} : vector<128x128xi32>
    %iota3A_0 = tpu.iota {dimensions = array<i32: 1>} : vector<128x128xi32>
    %jit3A = arith.constant 8 : i32
    %div3A = vector.broadcast %jit3A : i32 to vector<128x128xi32>
    %div3A_1 = arith.divsi %iota3A_0, %div3A : vector<128x128xi32>
    %sign3A = arith.constant 0 : i32
    %sign3A_2 = vector.broadcast %sign3A : i32 to vector<128x128xi32>
    %sign3A_3 = arith.cmpi sgt, %iota3A_0, %sign3A_2 : vector<128x128xi32>
    %sign3A_4 = arith.extui %sign3A_3 : vector<128x128xi1> to vector<128x128xi32>
    %sign3A_5 = arith.constant 0 : i32
    %sign3A_6 = vector.broadcast %sign3A_5 : i32 to vector<128x128xi32>
    %sign3A_7 = arith.cmpi slt, %iota3A_0, %sign3A_6 : vector<128x128xi32>
    %sign3A_8 = arith.extui %sign3A_7 : vector<128x128xi1> to vector<128x128xi32>
    %sign3A_9 = arith.subi %sign3A_4, %sign3A_8 : vector<128x128xi32>
    %sign3A_10 = arith.constant 0 : i32
    %sign3A_11 = arith.cmpi sgt, %jit3A, %sign3A_10 : i32
    %sign3A_12 = arith.extui %sign3A_11 : i1 to i32
    %sign3A_13 = arith.constant 0 : i32
    %sign3A_14 = arith.cmpi slt, %jit3A, %sign3A_13 : i32
    %sign3A_15 = arith.extui %sign3A_14 : i1 to i32
    %sign3A_16 = arith.subi %sign3A_12, %sign3A_15 : i32
    %ne3A = vector.broadcast %sign3A_16 : i32 to vector<128x128xi32>
    %ne3A_17 = arith.cmpi ne, %sign3A_9, %ne3A : vector<128x128xi32>
    %rem3A = vector.broadcast %jit3A : i32 to vector<128x128xi32>
    %rem3A_18 = arith.remsi %iota3A_0, %rem3A : vector<128x128xi32>
    %ne3A_19 = arith.constant 0 : i32
    %ne3A_20 = vector.broadcast %ne3A_19 : i32 to vector<128x128xi32>
    %ne3A_21 = arith.cmpi ne, %rem3A_18, %ne3A_20 : vector<128x128xi32>
    %and3A = arith.andi %ne3A_17, %ne3A_21 : vector<128x128xi1>
    %sub3A = arith.constant 1 : i32
    %sub3A_22 = vector.broadcast %sub3A : i32 to vector<128x128xi32>
    %sub3A_23 = arith.subi %div3A_1, %sub3A_22 : vector<128x128xi32>
    %select_n3A = arith.select %and3A, %sub3A_23, %div3A_1 : vector<128x128xi1>, vector<128x128xi32>
    %jit3A_24 = arith.constant 8 : i32
    %eq3A = arith.constant 0 : i32
    %eq3A_25 = arith.cmpi eq, %jit3A_24, %eq3A : i32
    %jit3A_26 = arith.constant 1 : i32
    %select_n3A_27 = arith.select %eq3A_25, %jit3A_26, %jit3A_24 : i32
    %rem3A_28 = vector.broadcast %select_n3A_27 : i32 to vector<128x128xi32>
    %rem3A_29 = arith.remsi %iota3A_0, %rem3A_28 : vector<128x128xi32>
    %ne3A_30 = arith.constant 0 : i32
    %ne3A_31 = vector.broadcast %ne3A_30 : i32 to vector<128x128xi32>
    %ne3A_32 = arith.cmpi ne, %rem3A_29, %ne3A_31 : vector<128x128xi32>
    %lt3A = arith.constant 0 : i32
    %lt3A_33 = vector.broadcast %lt3A : i32 to vector<128x128xi32>
    %lt3A_34 = arith.cmpi slt, %rem3A_29, %lt3A_33 : vector<128x128xi32>
    %lt3A_35 = arith.constant 0 : i32
    %lt3A_36 = arith.cmpi slt, %select_n3A_27, %lt3A_35 : i32
    %ne3A_37 = vector.broadcast %lt3A_36 : i1 to vector<128x128xi1>
    %ne3A_38 = vector.broadcast %ne3A_37 : vector<128x128xi1> to vector<128x128xi1>
    %ne3A_39 = arith.xori %lt3A_34, %ne3A_38 : vector<128x128xi1>
    %and3A_40 = arith.andi %ne3A_39, %ne3A_32 : vector<128x128xi1>
    %add3A = vector.broadcast %select_n3A_27 : i32 to vector<128x128xi32>
    %add3A_41 = arith.addi %rem3A_29, %add3A : vector<128x128xi32>
    %select_n3A_42 = arith.select %and3A_40, %add3A_41, %rem3A_29 : vector<128x128xi1>, vector<128x128xi32>
    %mul3A = arith.constant 16 : i32
    %mul3A_43 = vector.broadcast %mul3A : i32 to vector<128x128xi32>
    %mul3A_44 = arith.muli %select_n3A_42, %mul3A_43 : vector<128x128xi32>
    %add3A_45 = arith.addi %select_n3A, %mul3A_44 : vector<128x128xi32>
    %eq3A_46 = arith.cmpi eq, %iota3A, %add3A_45 : vector<128x128xi32>
    %jit3A_47 = arith.constant 1.000000e+00 : f32
    %jit3A_48 = arith.constant 0.000000e+00 : f32
    %broadcast_in_dim3A = vector.broadcast %jit3A_47 : f32 to vector<128x128xf32>
    %broadcast_in_dim3A_49 = vector.broadcast %jit3A_48 : f32 to vector<128x128xf32>
    %select_n3A_50 = arith.select %eq3A_46, %broadcast_in_dim3A, %broadcast_in_dim3A_49 : vector<128x128xi1>, vector<128x128xf32>
    %get3A = arith.constant 0 : index
    %get3A_51 = arith.constant 0 : index
    %get3A_52 = vector.load %arg3[%get3A, %get3A_51] : memref<512x1xf32, #tpu.memory_space<vmem>>, vector<512x1xf32>
    %get3A_53 = arith.constant 0 : index
    %get3A_54 = arith.constant 0 : index
    %get3A_55 = vector.load %arg1[%get3A_53, %get3A_54] : memref<512x128xf32, #tpu.memory_space<vmem>>, vector<512x128xf32>
    %get3A_56 = arith.constant 0 : index
    %get3A_57 = arith.constant 0 : index
    %get3A_58 = vector.load %arg2[%get3A_56, %get3A_57] : memref<512x128xf32, #tpu.memory_space<vmem>>, vector<512x128xf32>
    %add3A_59 = arith.addf %get3A_55, %get3A_58 : vector<512x128xf32>
    %mul3A_60 = vector.broadcast %get3A_52 : vector<512x1xf32> to vector<512x128xf32>
    %mul3A_61 = arith.mulf %mul3A_60, %add3A_59 : vector<512x128xf32>
    %get3A_62 = arith.constant 0 : index
    %get3A_63 = arith.constant 0 : index
    %get3A_64 = vector.load %arg5[%get3A_62, %get3A_63] : memref<1x128xf32, #tpu.memory_space<vmem>>, vector<1x128xf32>
    %add3A_65 = vector.broadcast %get3A_64 : vector<1x128xf32> to vector<512x128xf32>
    %add3A_66 = arith.addf %mul3A_61, %add3A_65 : vector<512x128xf32>
    %sqrt3A = arith.constant 1.000010e+00 : f32
    %sqrt3A_67 = math.sqrt %sqrt3A : f32
    %div3A_68 = arith.constant 1.000000e+00 : f32
    %div3A_69 = arith.divf %div3A_68, %sqrt3A_67 : f32
    %get3A_70 = arith.constant 0 : index
    %get3A_71 = arith.constant 0 : index
    %get3A_72 = vector.load %arg6[%get3A_70, %get3A_71] : memref<1x128xf32, #tpu.memory_space<vmem>>, vector<1x128xf32>
    %mul3A_73 = vector.broadcast %get3A_72 : vector<1x128xf32> to vector<512x128xf32>
    %mul3A_74 = arith.mulf %mul3A_73, %add3A_66 : vector<512x128xf32>
    %mul3A_75 = vector.broadcast %div3A_69 : f32 to vector<512x128xf32>
    %mul3A_76 = arith.mulf %mul3A_74, %mul3A_75 : vector<512x128xf32>
    %get3A_77 = arith.constant 0 : index
    %get3A_78 = arith.constant 0 : index
    %get3A_79 = vector.load %arg7[%get3A_77, %get3A_78] : memref<1x128xf32, #tpu.memory_space<vmem>>, vector<1x128xf32>
    %add3A_80 = vector.broadcast %get3A_79 : vector<1x128xf32> to vector<512x128xf32>
    %add3A_81 = arith.addf %mul3A_76, %add3A_80 : vector<512x128xf32>
    %get3A_82 = arith.constant 0 : index
    %get3A_83 = arith.constant 0 : index
    %get3A_84 = vector.load %arg8[%get3A_82, %get3A_83] : memref<128x128xf32, #tpu.memory_space<vmem>>, vector<128x128xf32>
    %dot_general3A = arith.constant dense<0.000000e+00> : vector<512x128xf32>
    %dot_general3A_85 = tpu.matmul %add3A_81, %get3A_84, %dot_general3A {dimension_numbers = #tpu.dot_dimension_numbers<[1], [0], [0], [1], [0, 0, 1, 1], [], []>, transpose_lhs_hint = false} : vector<512x128xf32>, vector<128x128xf32>, vector<512x128xf32> -> vector<512x128xf32>
    %get3A_86 = arith.constant 0 : index
    %get3A_87 = arith.constant 0 : index
    %get3A_88 = vector.load %arg9[%get3A_86, %get3A_87] : memref<1x128xf32, #tpu.memory_space<vmem>>, vector<1x128xf32>
    %add3A_89 = vector.broadcast %get3A_88 : vector<1x128xf32> to vector<512x128xf32>
    %add3A_90 = arith.addf %dot_general3A_85, %add3A_89 : vector<512x128xf32>
    %dot_general3A_91 = arith.constant dense<0.000000e+00> : vector<512x128xf32>
    %dot_general3A_92 = tpu.matmul %add3A_90, %select_n3A_50, %dot_general3A_91 {dimension_numbers = #tpu.dot_dimension_numbers<[1], [0], [0], [1], [0, 0, 1, 1], [], []>, transpose_lhs_hint = false} : vector<512x128xf32>, vector<128x128xf32>, vector<512x128xf32> -> vector<512x128xf32>
    %get3A_93 = arith.constant 0 : index
    %get3A_94 = arith.constant 0 : index
    %get3A_95 = vector.load %arg10[%get3A_93, %get3A_94] : memref<128x128xf32, #tpu.memory_space<vmem>>, vector<128x128xf32>
    %dot_general3A_96 = arith.constant dense<0.000000e+00> : vector<512x128xf32>
    %dot_general3A_97 = tpu.matmul %add3A_81, %get3A_95, %dot_general3A_96 {dimension_numbers = #tpu.dot_dimension_numbers<[1], [0], [0], [1], [0, 0, 1, 1], [], []>, transpose_lhs_hint = false} : vector<512x128xf32>, vector<128x128xf32>, vector<512x128xf32> -> vector<512x128xf32>
    %get3A_98 = arith.constant 0 : index
    %get3A_99 = arith.constant 0 : index
    %get3A_100 = vector.load %arg11[%get3A_98, %get3A_99] : memref<1x128xf32, #tpu.memory_space<vmem>>, vector<1x128xf32>
    %add3A_101 = vector.broadcast %get3A_100 : vector<1x128xf32> to vector<512x128xf32>
    %add3A_102 = arith.addf %dot_general3A_97, %add3A_101 : vector<512x128xf32>
    %get3A_103 = arith.constant 0 : index
    %get3A_104 = arith.constant 0 : index
    %get3A_105 = vector.load %arg4[%get3A_103, %get3A_104] : memref<512x128xf32, #tpu.memory_space<vmem>>, vector<512x128xf32>
    %dot_general3A_106 = arith.constant dense<0.000000e+00> : vector<512x128xf32>
    %dot_general3A_107 = tpu.matmul %get3A_105, %select_n3A_50, %dot_general3A_106 {dimension_numbers = #tpu.dot_dimension_numbers<[1], [0], [0], [1], [0, 0, 1, 1], [], []>, transpose_lhs_hint = false} : vector<512x128xf32>, vector<128x128xf32>, vector<512x128xf32> -> vector<512x128xf32>
    %concatenate3A = tpu.concatenate %dot_general3A_92, %add3A_102, %dot_general3A_107 in 1 : vector<512x128xf32>, vector<512x128xf32>, vector<512x128xf32> -> vector<512x384xf32>
    %swap3A = arith.constant 0 : index
    %swap3A_108 = arith.constant 0 : index
    %swap3A_109 = vector.load %arg12[%swap3A, %swap3A_108] : memref<512x384xf32, #tpu.memory_space<vmem>>, vector<512x384xf32>
    tpu.vector_store %arg12[%swap3A, %swap3A_108], %concatenate3A {strides = array<i32>} : memref<512x384xf32, #tpu.memory_space<vmem>>, vector<512x384xf32>,
    return
  }
  func.func @transform_0(%arg0: i32) -> (i32, i32) {
    %c0_i32 = arith.constant 0 : i32
    %c0_i32_0 = arith.constant 0 : i32
    return %arg0, %c0_i32 : i32, i32
  }
  func.func @transform_1(%arg0: i32) -> (i32, i32) {
    %c0_i32 = arith.constant 0 : i32
    %c0_i32_0 = arith.constant 0 : i32
    return %arg0, %c0_i32 : i32, i32
  }
  func.func @transform_2(%arg0: i32) -> (i32, i32) {
    %c0_i32 = arith.constant 0 : i32
    %c0_i32_0 = arith.constant 0 : i32
    return %arg0, %c0_i32 : i32, i32
  }
  func.func @transform_3(%arg0: i32) -> (i32, i32) {
    %c0_i32 = arith.constant 0 : i32
    %c0_i32_0 = arith.constant 0 : i32
    return %arg0, %c0_i32 : i32, i32
  }
  func.func @transform_4(%arg0: i32) -> (i32, i32) {
    %c0_i32 = arith.constant 0 : i32
    %c0_i32_0 = arith.constant 0 : i32
    %c0_i32_1 = arith.constant 0 : i32
    return %c0_i32, %c0_i32_0 : i32, i32
  }
  func.func @transform_5(%arg0: i32) -> (i32, i32) {
    %c0_i32 = arith.constant 0 : i32
    %c0_i32_0 = arith.constant 0 : i32
    %c0_i32_1 = arith.constant 0 : i32
    return %c0_i32, %c0_i32_0 : i32, i32
  }
  func.func @transform_6(%arg0: i32) -> (i32, i32) {
    %c0_i32 = arith.constant 0 : i32
    %c0_i32_0 = arith.constant 0 : i32
    %c0_i32_1 = arith.constant 0 : i32
    return %c0_i32, %c0_i32_0 : i32, i32
  }
  func.func @transform_7(%arg0: i32) -> (i32, i32) {
    %c0_i32 = arith.constant 0 : i32
    %c0_i32_0 = arith.constant 0 : i32
    %c0_i32_1 = arith.constant 0 : i32
    return %c0_i32, %c0_i32_0 : i32, i32
  }
  func.func @transform_8(%arg0: i32) -> (i32, i32) {
    %c0_i32 = arith.constant 0 : i32
    %c0_i32_0 = arith.constant 0 : i32
    %c0_i32_1 = arith.constant 0 : i32
    return %c0_i32, %c0_i32_0 : i32, i32
  }
  func.func @transform_9(%arg0: i32) -> (i32, i32) {
    %c0_i32 = arith.constant 0 : i32
    %c0_i32_0 = arith.constant 0 : i32
    %c0_i32_1 = arith.constant 0 : i32
    return %c0_i32, %c0_i32_0 : i32, i32
  }
  func.func @transform_10(%arg0: i32) -> (i32, i32) {
    %c0_i32 = arith.constant 0 : i32
    %c0_i32_0 = arith.constant 0 : i32
    %c0_i32_1 = arith.constant 0 : i32
    return %c0_i32, %c0_i32_0 : i32, i32
  }
  func.func @transform_11(%arg0: i32) -> (i32, i32) {
    %c0_i32 = arith.constant 0 : i32
    %c0_i32_0 = arith.constant 0 : i32
    return %arg0, %c0_i32 : i32, i32
  }
}

module attributes {stable_mosaic.version = 14 : i64} {
  func.func @_tc_reduce_body(%arg0: i32, %arg1: i32, %arg2: memref<512x128xf32, #tpu.memory_space<vmem>>, %arg3: memref<1x512xi32, #tpu.memory_space<vmem>>, %arg4: memref<5120x128xf32, #tpu.memory_space<vmem>>) attributes {dimension_semantics = [#tpu.dimension_semantics<arbitrary>, #tpu.dimension_semantics<arbitrary>], iteration_bounds = array<i64: 2, 632>, scalar_prefetch = 0 : i64, scratch_operands = 0 : i64, tpu.core_type = #tpu.core_type<tc>, window_params = [{transform_indices = @transform_0, window_bounds = array<i64: 512, 128>}, {transform_indices = @transform_1, window_bounds = array<i64: 1, 512>}, {transform_indices = @transform_2, window_bounds = array<i64: 5120, 128>}]} {
    %iota3A = tpu.iota {dimensions = array<i32: 0>} : vector<5120x512xi32>
    %mul3A = arith.constant 5120 : i32
    %mul3A_0 = arith.muli %arg0, %mul3A : i32
    %add3A = vector.broadcast %mul3A_0 : i32 to vector<5120x512xi32>
    %add3A_1 = arith.addi %iota3A, %add3A : vector<5120x512xi32>
    %get3A = arith.constant 0 : index
    %get3A_2 = arith.constant 0 : index
    %get3A_3 = vector.load %arg3[%get3A, %get3A_2] : memref<1x512xi32, #tpu.memory_space<vmem>>, vector<1x512xi32>
    %eq3A = vector.broadcast %get3A_3 : vector<1x512xi32> to vector<5120x512xi32>
    %eq3A_4 = arith.cmpi eq, %eq3A, %add3A_1 : vector<5120x512xi32>
    %jit3A = arith.constant 1.000000e+00 : f32
    %jit3A_5 = arith.constant 0.000000e+00 : f32
    %broadcast_in_dim3A = vector.broadcast %jit3A : f32 to vector<5120x512xf32>
    %broadcast_in_dim3A_6 = vector.broadcast %jit3A_5 : f32 to vector<5120x512xf32>
    %select_n3A = arith.select %eq3A_4, %broadcast_in_dim3A, %broadcast_in_dim3A_6 : vector<5120x512xi1>, vector<5120x512xf32>
    %convert_element_type3A = arith.truncf %select_n3A : vector<5120x512xf32> to vector<5120x512xbf16>
    %get3A_7 = arith.constant 0 : index
    %get3A_8 = arith.constant 0 : index
    %get3A_9 = vector.load %arg2[%get3A_7, %get3A_8] : memref<512x128xf32, #tpu.memory_space<vmem>>, vector<512x128xf32>
    %convert_element_type3A_10 = arith.truncf %get3A_9 : vector<512x128xf32> to vector<512x128xbf16>
    %dot_general3A = arith.constant dense<0.000000e+00> : vector<5120x128xf32>
    %dot_general3A_11 = tpu.matmul %convert_element_type3A, %convert_element_type3A_10, %dot_general3A {dimension_numbers = #tpu.dot_dimension_numbers<[1], [0], [0], [1], [0, 0, 1, 1], [], []>, transpose_lhs_hint = false} : vector<5120x512xbf16>, vector<512x128xbf16>, vector<5120x128xf32> -> vector<5120x128xf32>
    %eq3A_12 = arith.constant 0 : i32
    %eq3A_13 = arith.cmpi eq, %arg1, %eq3A_12 : i32
    %convert_element_type3A_14 = arith.extui %eq3A_13 : i1 to i32
    %cond3A = arith.constant 0 : i32
    %cond3A_15 = arith.cmpi ne, %convert_element_type3A_14, %cond3A : i32
    scf.if %cond3A_15 {
      %broadcast_in_dim3A_22 = arith.constant 0.000000e+00 : f32
      %broadcast_in_dim3A_23 = vector.broadcast %broadcast_in_dim3A_22 : f32 to vector<5120x128xf32>
      %swap3A_24 = arith.constant 0 : index
      %swap3A_25 = arith.constant 0 : index
      %swap3A_26 = vector.load %arg4[%swap3A_24, %swap3A_25] : memref<5120x128xf32, #tpu.memory_space<vmem>>, vector<5120x128xf32>
      tpu.vector_store %arg4[%swap3A_24, %swap3A_25], %broadcast_in_dim3A_23 {strides = array<i32>} : memref<5120x128xf32, #tpu.memory_space<vmem>>, vector<5120x128xf32>,
    } else {
    }
    %get3A_16 = arith.constant 0 : index
    %get3A_17 = arith.constant 0 : index
    %get3A_18 = vector.load %arg4[%get3A_16, %get3A_17] : memref<5120x128xf32, #tpu.memory_space<vmem>>, vector<5120x128xf32>
    %add3A_19 = arith.addf %get3A_18, %dot_general3A_11 : vector<5120x128xf32>
    %swap3A = arith.constant 0 : index
    %swap3A_20 = arith.constant 0 : index
    %swap3A_21 = vector.load %arg4[%swap3A, %swap3A_20] : memref<5120x128xf32, #tpu.memory_space<vmem>>, vector<5120x128xf32>
    tpu.vector_store %arg4[%swap3A, %swap3A_20], %add3A_19 {strides = array<i32>} : memref<5120x128xf32, #tpu.memory_space<vmem>>, vector<5120x128xf32>,
    return
  }
  func.func @transform_0(%arg0: i32, %arg1: i32) -> (i32, i32) {
    %c0_i32 = arith.constant 0 : i32
    %c0_i32_0 = arith.constant 0 : i32
    return %arg1, %c0_i32 : i32, i32
  }
  func.func @transform_1(%arg0: i32, %arg1: i32) -> (i32, i32) {
    %c0_i32 = arith.constant 0 : i32
    %c0_i32_0 = arith.constant 0 : i32
    return %c0_i32, %arg1 : i32, i32
  }
  func.func @transform_2(%arg0: i32, %arg1: i32) -> (i32, i32) {
    %c0_i32 = arith.constant 0 : i32
    %c0_i32_0 = arith.constant 0 : i32
    return %arg0, %c0_i32 : i32, i32
  }
}

module attributes {stable_mosaic.version = 14 : i64} {
  func.func @_tc_reduce_body(%arg0: i32, %arg1: i32, %arg2: memref<512x144xf32, #tpu.memory_space<vmem>>, %arg3: memref<1x512xi32, #tpu.memory_space<vmem>>, %arg4: memref<5120x144xf32, #tpu.memory_space<vmem>>) attributes {dimension_semantics = [#tpu.dimension_semantics<arbitrary>, #tpu.dimension_semantics<arbitrary>], iteration_bounds = array<i64: 2, 632>, scalar_prefetch = 0 : i64, scratch_operands = 0 : i64, tpu.core_type = #tpu.core_type<tc>, window_params = [{transform_indices = @transform_0, window_bounds = array<i64: 512, 144>}, {transform_indices = @transform_1, window_bounds = array<i64: 1, 512>}, {transform_indices = @transform_2, window_bounds = array<i64: 5120, 144>}]} {
    %iota3A = tpu.iota {dimensions = array<i32: 0>} : vector<5120x512xi32>
    %mul3A = arith.constant 5120 : i32
    %mul3A_0 = arith.muli %arg0, %mul3A : i32
    %add3A = vector.broadcast %mul3A_0 : i32 to vector<5120x512xi32>
    %add3A_1 = arith.addi %iota3A, %add3A : vector<5120x512xi32>
    %get3A = arith.constant 0 : index
    %get3A_2 = arith.constant 0 : index
    %get3A_3 = vector.load %arg3[%get3A, %get3A_2] : memref<1x512xi32, #tpu.memory_space<vmem>>, vector<1x512xi32>
    %eq3A = vector.broadcast %get3A_3 : vector<1x512xi32> to vector<5120x512xi32>
    %eq3A_4 = arith.cmpi eq, %eq3A, %add3A_1 : vector<5120x512xi32>
    %jit3A = arith.constant 1.000000e+00 : f32
    %jit3A_5 = arith.constant 0.000000e+00 : f32
    %broadcast_in_dim3A = vector.broadcast %jit3A : f32 to vector<5120x512xf32>
    %broadcast_in_dim3A_6 = vector.broadcast %jit3A_5 : f32 to vector<5120x512xf32>
    %select_n3A = arith.select %eq3A_4, %broadcast_in_dim3A, %broadcast_in_dim3A_6 : vector<5120x512xi1>, vector<5120x512xf32>
    %convert_element_type3A = arith.truncf %select_n3A : vector<5120x512xf32> to vector<5120x512xbf16>
    %get3A_7 = arith.constant 0 : index
    %get3A_8 = arith.constant 0 : index
    %get3A_9 = vector.load %arg2[%get3A_7, %get3A_8] : memref<512x144xf32, #tpu.memory_space<vmem>>, vector<512x144xf32>
    %convert_element_type3A_10 = arith.truncf %get3A_9 : vector<512x144xf32> to vector<512x144xbf16>
    %dot_general3A = arith.constant dense<0.000000e+00> : vector<5120x144xf32>
    %dot_general3A_11 = tpu.matmul %convert_element_type3A, %convert_element_type3A_10, %dot_general3A {dimension_numbers = #tpu.dot_dimension_numbers<[1], [0], [0], [1], [0, 0, 1, 1], [], []>, transpose_lhs_hint = false} : vector<5120x512xbf16>, vector<512x144xbf16>, vector<5120x144xf32> -> vector<5120x144xf32>
    %eq3A_12 = arith.constant 0 : i32
    %eq3A_13 = arith.cmpi eq, %arg1, %eq3A_12 : i32
    %convert_element_type3A_14 = arith.extui %eq3A_13 : i1 to i32
    %cond3A = arith.constant 0 : i32
    %cond3A_15 = arith.cmpi ne, %convert_element_type3A_14, %cond3A : i32
    scf.if %cond3A_15 {
      %broadcast_in_dim3A_22 = arith.constant 0.000000e+00 : f32
      %broadcast_in_dim3A_23 = vector.broadcast %broadcast_in_dim3A_22 : f32 to vector<5120x144xf32>
      %swap3A_24 = arith.constant 0 : index
      %swap3A_25 = arith.constant 0 : index
      %swap3A_26 = vector.load %arg4[%swap3A_24, %swap3A_25] : memref<5120x144xf32, #tpu.memory_space<vmem>>, vector<5120x144xf32>
      tpu.vector_store %arg4[%swap3A_24, %swap3A_25], %broadcast_in_dim3A_23 {strides = array<i32>} : memref<5120x144xf32, #tpu.memory_space<vmem>>, vector<5120x144xf32>,
    } else {
    }
    %get3A_16 = arith.constant 0 : index
    %get3A_17 = arith.constant 0 : index
    %get3A_18 = vector.load %arg4[%get3A_16, %get3A_17] : memref<5120x144xf32, #tpu.memory_space<vmem>>, vector<5120x144xf32>
    %add3A_19 = arith.addf %get3A_18, %dot_general3A_11 : vector<5120x144xf32>
    %swap3A = arith.constant 0 : index
    %swap3A_20 = arith.constant 0 : index
    %swap3A_21 = vector.load %arg4[%swap3A, %swap3A_20] : memref<5120x144xf32, #tpu.memory_space<vmem>>, vector<5120x144xf32>
    tpu.vector_store %arg4[%swap3A, %swap3A_20], %add3A_19 {strides = array<i32>} : memref<5120x144xf32, #tpu.memory_space<vmem>>, vector<5120x144xf32>,
    return
  }
  func.func @transform_0(%arg0: i32, %arg1: i32) -> (i32, i32) {
    %c0_i32 = arith.constant 0 : i32
    %c0_i32_0 = arith.constant 0 : i32
    return %arg1, %c0_i32 : i32, i32
  }
  func.func @transform_1(%arg0: i32, %arg1: i32) -> (i32, i32) {
    %c0_i32 = arith.constant 0 : i32
    %c0_i32_0 = arith.constant 0 : i32
    return %c0_i32, %arg1 : i32, i32
  }
  func.func @transform_2(%arg0: i32, %arg1: i32) -> (i32, i32) {
    %c0_i32 = arith.constant 0 : i32
    %c0_i32_0 = arith.constant 0 : i32
    return %arg0, %c0_i32 : i32, i32
  }
}

module attributes {stable_mosaic.version = 14 : i64} {
  func.func @_tc3_body(%arg0: i32, %arg1: memref<512x144xf32, #tpu.memory_space<vmem>>, %arg2: memref<512x128xf32, #tpu.memory_space<vmem>>, %arg3: memref<128x128xf32, #tpu.memory_space<vmem>>, %arg4: memref<1x128xf32, #tpu.memory_space<vmem>>, %arg5: memref<1x128xf32, #tpu.memory_space<vmem>>, %arg6: memref<1x128xf32, #tpu.memory_space<vmem>>, %arg7: memref<128x256xf32, #tpu.memory_space<vmem>>, %arg8: memref<1x256xf32, #tpu.memory_space<vmem>>, %arg9: memref<256x128xf32, #tpu.memory_space<vmem>>, %arg10: memref<1x128xf32, #tpu.memory_space<vmem>>, %arg11: memref<1x128xf32, #tpu.memory_space<vmem>>, %arg12: memref<1x128xf32, #tpu.memory_space<vmem>>, %arg13: memref<512x128xf32, #tpu.memory_space<vmem>>) attributes {dimension_semantics = [#tpu.dimension_semantics<arbitrary>], iteration_bounds = array<i64: 20>, scalar_prefetch = 0 : i64, scratch_operands = 0 : i64, tpu.core_type = #tpu.core_type<tc>, window_params = [{transform_indices = @transform_0, window_bounds = array<i64: 512, 144>}, {transform_indices = @transform_1, window_bounds = array<i64: 512, 128>}, {pipeline_mode = #tpu.pipeline_mode<synchronous>, transform_indices = @transform_2, window_bounds = array<i64: 128, 128>}, {pipeline_mode = #tpu.pipeline_mode<synchronous>, transform_indices = @transform_3, window_bounds = array<i64: 1, 128>}, {pipeline_mode = #tpu.pipeline_mode<synchronous>, transform_indices = @transform_4, window_bounds = array<i64: 1, 128>}, {pipeline_mode = #tpu.pipeline_mode<synchronous>, transform_indices = @transform_5, window_bounds = array<i64: 1, 128>}, {pipeline_mode = #tpu.pipeline_mode<synchronous>, transform_indices = @transform_6, window_bounds = array<i64: 128, 256>}, {pipeline_mode = #tpu.pipeline_mode<synchronous>, transform_indices = @transform_7, window_bounds = array<i64: 1, 256>}, {pipeline_mode = #tpu.pipeline_mode<synchronous>, transform_indices = @transform_8, window_bounds = array<i64: 256, 128>}, {pipeline_mode = #tpu.pipeline_mode<synchronous>, transform_indices = @transform_9, window_bounds = array<i64: 1, 128>}, {pipeline_mode = #tpu.pipeline_mode<synchronous>, transform_indices = @transform_10, window_bounds = array<i64: 1, 128>}, {pipeline_mode = #tpu.pipeline_mode<synchronous>, transform_indices = @transform_11, window_bounds = array<i64: 1, 128>}, {transform_indices = @transform_12, window_bounds = array<i64: 512, 128>}]} {
    %get3A = arith.constant 0 : index
    %get3A_0 = arith.constant 0 : index
    %get3A_1 = vector.load %arg1[%get3A, %get3A_0] : memref<512x144xf32, #tpu.memory_space<vmem>>, vector<512x128xf32>
    %reshape3A = vector.shape_cast %get3A_1 : vector<512x128xf32> to vector<512x8x16xf32>
    %get3A_2 = arith.constant 0 : index
    %get3A_3 = arith.constant 128 : index
    %get3A_4 = vector.load %arg1[%get3A_2, %get3A_3] : memref<512x144xf32, #tpu.memory_space<vmem>>, vector<512x8xf32>
    %reshape3A_5 = vector.shape_cast %get3A_4 : vector<512x8xf32> to vector<512x8x1xf32>
    %add3A = arith.constant 1.000000e-16 : f32
    %add3A_6 = vector.broadcast %add3A : f32 to vector<512x8x1xf32>
    %add3A_7 = arith.addf %reshape3A_5, %add3A_6 : vector<512x8x1xf32>
    %div3A = vector.broadcast %add3A_7 : vector<512x8x1xf32> to vector<512x8x16xf32>
    %div3A_8 = arith.divf %reshape3A, %div3A : vector<512x8x16xf32>
    %reshape3A_9 = vector.shape_cast %div3A_8 : vector<512x8x16xf32> to vector<512x128xf32>
    %get3A_10 = arith.constant 0 : index
    %get3A_11 = arith.constant 0 : index
    %get3A_12 = vector.load %arg3[%get3A_10, %get3A_11] : memref<128x128xf32, #tpu.memory_space<vmem>>, vector<128x128xf32>
    %dot_general3A = arith.constant dense<0.000000e+00> : vector<512x128xf32>
    %dot_general3A_13 = tpu.matmul %reshape3A_9, %get3A_12, %dot_general3A {dimension_numbers = #tpu.dot_dimension_numbers<[1], [0], [0], [1], [0, 0, 1, 1], [], []>, transpose_lhs_hint = false} : vector<512x128xf32>, vector<128x128xf32>, vector<512x128xf32> -> vector<512x128xf32>
    %get3A_14 = arith.constant 0 : index
    %get3A_15 = arith.constant 0 : index
    %get3A_16 = vector.load %arg4[%get3A_14, %get3A_15] : memref<1x128xf32, #tpu.memory_space<vmem>>, vector<1x128xf32>
    %add3A_17 = vector.broadcast %get3A_16 : vector<1x128xf32> to vector<512x128xf32>
    %add3A_18 = arith.addf %dot_general3A_13, %add3A_17 : vector<512x128xf32>
    %get3A_19 = arith.constant 0 : index
    %get3A_20 = arith.constant 0 : index
    %get3A_21 = vector.load %arg2[%get3A_19, %get3A_20] : memref<512x128xf32, #tpu.memory_space<vmem>>, vector<512x128xf32>
    %add3A_22 = arith.addf %add3A_18, %get3A_21 : vector<512x128xf32>
    %sqrt3A = arith.constant 1.000010e+00 : f32
    %sqrt3A_23 = math.sqrt %sqrt3A : f32
    %div3A_24 = arith.constant 1.000000e+00 : f32
    %div3A_25 = arith.divf %div3A_24, %sqrt3A_23 : f32
    %get3A_26 = arith.constant 0 : index
    %get3A_27 = arith.constant 0 : index
    %get3A_28 = vector.load %arg5[%get3A_26, %get3A_27] : memref<1x128xf32, #tpu.memory_space<vmem>>, vector<1x128xf32>
    %mul3A = vector.broadcast %get3A_28 : vector<1x128xf32> to vector<512x128xf32>
    %mul3A_29 = arith.mulf %mul3A, %add3A_22 : vector<512x128xf32>
    %mul3A_30 = vector.broadcast %div3A_25 : f32 to vector<512x128xf32>
    %mul3A_31 = arith.mulf %mul3A_29, %mul3A_30 : vector<512x128xf32>
    %get3A_32 = arith.constant 0 : index
    %get3A_33 = arith.constant 0 : index
    %get3A_34 = vector.load %arg6[%get3A_32, %get3A_33] : memref<1x128xf32, #tpu.memory_space<vmem>>, vector<1x128xf32>
    %add3A_35 = vector.broadcast %get3A_34 : vector<1x128xf32> to vector<512x128xf32>
    %add3A_36 = arith.addf %mul3A_31, %add3A_35 : vector<512x128xf32>
    %get3A_37 = arith.constant 0 : index
    %get3A_38 = arith.constant 0 : index
    %get3A_39 = vector.load %arg7[%get3A_37, %get3A_38] : memref<128x256xf32, #tpu.memory_space<vmem>>, vector<128x256xf32>
    %dot_general3A_40 = arith.constant dense<0.000000e+00> : vector<512x256xf32>
    %dot_general3A_41 = tpu.matmul %add3A_36, %get3A_39, %dot_general3A_40 {dimension_numbers = #tpu.dot_dimension_numbers<[1], [0], [0], [1], [0, 0, 1, 1], [], []>, transpose_lhs_hint = false} : vector<512x128xf32>, vector<128x256xf32>, vector<512x256xf32> -> vector<512x256xf32>
    %get3A_42 = arith.constant 0 : index
    %get3A_43 = arith.constant 0 : index
    %get3A_44 = vector.load %arg8[%get3A_42, %get3A_43] : memref<1x256xf32, #tpu.memory_space<vmem>>, vector<1x256xf32>
    %add3A_45 = vector.broadcast %get3A_44 : vector<1x256xf32> to vector<512x256xf32>
    %add3A_46 = arith.addf %dot_general3A_41, %add3A_45 : vector<512x256xf32>
    %max3A = arith.constant 0.000000e+00 : f32
    %max3A_47 = vector.broadcast %max3A : f32 to vector<512x256xf32>
    %max3A_48 = arith.maximumf %add3A_46, %max3A_47 : vector<512x256xf32>
    %get3A_49 = arith.constant 0 : index
    %get3A_50 = arith.constant 0 : index
    %get3A_51 = vector.load %arg9[%get3A_49, %get3A_50] : memref<256x128xf32, #tpu.memory_space<vmem>>, vector<256x128xf32>
    %dot_general3A_52 = arith.constant dense<0.000000e+00> : vector<512x128xf32>
    %dot_general3A_53 = tpu.matmul %max3A_48, %get3A_51, %dot_general3A_52 {dimension_numbers = #tpu.dot_dimension_numbers<[1], [0], [0], [1], [0, 0, 1, 1], [], []>, transpose_lhs_hint = false} : vector<512x256xf32>, vector<256x128xf32>, vector<512x128xf32> -> vector<512x128xf32>
    %get3A_54 = arith.constant 0 : index
    %get3A_55 = arith.constant 0 : index
    %get3A_56 = vector.load %arg10[%get3A_54, %get3A_55] : memref<1x128xf32, #tpu.memory_space<vmem>>, vector<1x128xf32>
    %add3A_57 = vector.broadcast %get3A_56 : vector<1x128xf32> to vector<512x128xf32>
    %add3A_58 = arith.addf %dot_general3A_53, %add3A_57 : vector<512x128xf32>
    %add3A_59 = arith.addf %add3A_36, %add3A_58 : vector<512x128xf32>
    %get3A_60 = arith.constant 0 : index
    %get3A_61 = arith.constant 0 : index
    %get3A_62 = vector.load %arg11[%get3A_60, %get3A_61] : memref<1x128xf32, #tpu.memory_space<vmem>>, vector<1x128xf32>
    %mul3A_63 = vector.broadcast %get3A_62 : vector<1x128xf32> to vector<512x128xf32>
    %mul3A_64 = arith.mulf %mul3A_63, %add3A_59 : vector<512x128xf32>
    %mul3A_65 = vector.broadcast %div3A_25 : f32 to vector<512x128xf32>
    %mul3A_66 = arith.mulf %mul3A_64, %mul3A_65 : vector<512x128xf32>
    %get3A_67 = arith.constant 0 : index
    %get3A_68 = arith.constant 0 : index
    %get3A_69 = vector.load %arg12[%get3A_67, %get3A_68] : memref<1x128xf32, #tpu.memory_space<vmem>>, vector<1x128xf32>
    %add3A_70 = vector.broadcast %get3A_69 : vector<1x128xf32> to vector<512x128xf32>
    %add3A_71 = arith.addf %mul3A_66, %add3A_70 : vector<512x128xf32>
    %swap3A = arith.constant 0 : index
    %swap3A_72 = arith.constant 0 : index
    %swap3A_73 = vector.load %arg13[%swap3A, %swap3A_72] : memref<512x128xf32, #tpu.memory_space<vmem>>, vector<512x128xf32>
    tpu.vector_store %arg13[%swap3A, %swap3A_72], %add3A_71 {strides = array<i32>} : memref<512x128xf32, #tpu.memory_space<vmem>>, vector<512x128xf32>,
    return
  }
  func.func @transform_0(%arg0: i32) -> (i32, i32) {
    %c0_i32 = arith.constant 0 : i32
    %c0_i32_0 = arith.constant 0 : i32
    return %arg0, %c0_i32 : i32, i32
  }
  func.func @transform_1(%arg0: i32) -> (i32, i32) {
    %c0_i32 = arith.constant 0 : i32
    %c0_i32_0 = arith.constant 0 : i32
    return %arg0, %c0_i32 : i32, i32
  }
  func.func @transform_2(%arg0: i32) -> (i32, i32) {
    %c0_i32 = arith.constant 0 : i32
    %c0_i32_0 = arith.constant 0 : i32
    %c0_i32_1 = arith.constant 0 : i32
    return %c0_i32, %c0_i32_0 : i32, i32
  }
  func.func @transform_3(%arg0: i32) -> (i32, i32) {
    %c0_i32 = arith.constant 0 : i32
    %c0_i32_0 = arith.constant 0 : i32
    %c0_i32_1 = arith.constant 0 : i32
    return %c0_i32, %c0_i32_0 : i32, i32
  }
  func.func @transform_4(%arg0: i32) -> (i32, i32) {
    %c0_i32 = arith.constant 0 : i32
    %c0_i32_0 = arith.constant 0 : i32
    %c0_i32_1 = arith.constant 0 : i32
    return %c0_i32, %c0_i32_0 : i32, i32
  }
  func.func @transform_5(%arg0: i32) -> (i32, i32) {
    %c0_i32 = arith.constant 0 : i32
    %c0_i32_0 = arith.constant 0 : i32
    %c0_i32_1 = arith.constant 0 : i32
    return %c0_i32, %c0_i32_0 : i32, i32
  }
  func.func @transform_6(%arg0: i32) -> (i32, i32) {
    %c0_i32 = arith.constant 0 : i32
    %c0_i32_0 = arith.constant 0 : i32
    %c0_i32_1 = arith.constant 0 : i32
    return %c0_i32, %c0_i32_0 : i32, i32
  }
  func.func @transform_7(%arg0: i32) -> (i32, i32) {
    %c0_i32 = arith.constant 0 : i32
    %c0_i32_0 = arith.constant 0 : i32
    %c0_i32_1 = arith.constant 0 : i32
    return %c0_i32, %c0_i32_0 : i32, i32
  }
  func.func @transform_8(%arg0: i32) -> (i32, i32) {
    %c0_i32 = arith.constant 0 : i32
    %c0_i32_0 = arith.constant 0 : i32
    %c0_i32_1 = arith.constant 0 : i32
    return %c0_i32, %c0_i32_0 : i32, i32
  }
  func.func @transform_9(%arg0: i32) -> (i32, i32) {
    %c0_i32 = arith.constant 0 : i32
    %c0_i32_0 = arith.constant 0 : i32
    %c0_i32_1 = arith.constant 0 : i32
    return %c0_i32, %c0_i32_0 : i32, i32
  }
  func.func @transform_10(%arg0: i32) -> (i32, i32) {
    %c0_i32 = arith.constant 0 : i32
    %c0_i32_0 = arith.constant 0 : i32
    %c0_i32_1 = arith.constant 0 : i32
    return %c0_i32, %c0_i32_0 : i32, i32
  }
  func.func @transform_11(%arg0: i32) -> (i32, i32) {
    %c0_i32 = arith.constant 0 : i32
    %c0_i32_0 = arith.constant 0 : i32
    %c0_i32_1 = arith.constant 0 : i32
    return %c0_i32, %c0_i32_0 : i32, i32
  }
  func.func @transform_12(%arg0: i32) -> (i32, i32) {
    %c0_i32 = arith.constant 0 : i32
    %c0_i32_0 = arith.constant 0 : i32
    return %arg0, %c0_i32 : i32, i32
  }
}

</mosaic_0001>

<sc_bundles>
// kernel: kernel.11.cloned.1.call-start
scs
__scs_entry_jumppad:
0x0: {  	(pc) =	sbr.rel $0x88, $3  }
0x1: {  	(tag) =	ssettag $0x0;
	lr =	simm.s32 $0x1  }
0x2: {  	[smem:$0x3F8D] =	sst lr;
	_ =	strace $0xD0000000  }
0x3: {  	_ = 	snop  }
0x4: {  	_ = 	snop  }
0x5: {  	_ = 	snop  }
0x6: {  	_ = 	snop  }
0x7: {  	_ = 	snop  }
__scs_overlays_trampoline_lowered:
0x8: {  	[smem:$0x3F9C] =	sst s0  }
0x9: {  	[smem:$0x3F9D] =	sst s1  }
0xa: {  	[smem:$0x3F9E] =	sst s2  }
0xb: {  	[smem:$0x3F9F] =	sst s3  }
0xc: {  	[smem:$0x3FA0] =	sst s4  }
0xd: {  	[smem:$0x3FA1] =	sst s5  }
0xe: {  	[smem:$0x3FA2] =	sst s6  }
0xf: {  	[smem:$0x3FA3] =	sst s7  }
0x10: {  	[smem:$0x3FA4] =	sst s8  }
0x11: {  	[smem:$0x3FA5] =	sst s9;
	s0 =	simm.s32 @!p0 $0x0  }
0x12: {  	s1 =	sld [smem:$0x3F8B];
	s0 =	simm.s32 @p0 $0x1  }
0x13: {  	[smem:$0x3FA6] =	sst s0;
	s0 =	simm.s32 @!p1 $0x0  }
0x14: {  	s2 =	sld [smem:$0x3F8A];
	s0 =	simm.s32 @p1 $0x1  }
0x15: {  	[smem:$0x3FA7] =	sst s0;
	s0 =	simm.s32 @!p2 $0x0  }
0x16: {  	s3 =	sld [smem:$0x3FDB];
	s0 =	simm.s32 @p2 $0x1  }
0x17: {  	s4 =	simm.s32 $0x1BF5;
	[smem:$0x3FA9] =	sst s0  }
0x18: {  	s0 =	sld [smem:$0x3F8C];
	_ =	swait.ge [sflag:s4], $0x0  }
0x19: {  	s7 =	sld [smem:$0x3F8D]  }
0x1a: {  	s8 =	sadd.s32 $0xFFFFE003, lr  }
0x1b: {  	s9 =	sadd.s32 $0xFFFFFEF7, lr;
	s5 =	simm.s32 $0xFFFFFFFF;
	p2 =	slt.u32 s8, $0xFFFFF086  }
0x1c: {  	p1 =	slt.u32 s9, $0xF7A;
	s5 =	simm.s32 @!p2 $0x0  }
0x1d: {  	s5 =	simm.s32 @p1 $0x1;
	p0 =	seq.s32 s7, s2  }
0x1e: {  	s7 =	smul.u32 @!p0 $0xF7A, s2;
	p2 =	seq.s32 @!p0 s5, $0x0  }
0x1f: {  	s9 =	smul.u32 $0xF7A, s1;
	s8 =	simm.s32 @!p0 $0x1BF5;
	p2 =	por !p2, p0  }
0x20: {  	[sflag:s8] =	ssyncset.s32 @!p0 $0xFFFFF086;
	s6 =	sadd.s32 @!p0 s3, s7;
	s7 =	simm.s32 @!p0 $0x108  }
0x21: {  	s3 =	sadd.s32 s3, s9;
	s6 =	sadd.s32 @!p0 $0x88, s6;
	s7 =	simm.s32 @p2 $0x1082  }
0x22: {  	[simem:s7], [sflag:s8] =	dma.local @!p0 [hbm:s6], $0xF7A  }
0x23: {  	s9 =	sor.u32 $0xD0000000, s2;
	s6 =	simm.s32 $0x108;
	_ =	swait.ge @!p0 [sflag:s8], $0x0  }
0x24: {  	s3 =	sadd.s32 $0x88, s3;
	s6 =	simm.s32 @!p1 $0x1082;
	[sflag:s4] =	ssyncset.s32 $0xFFFFF086  }
0x25: {  	[simem:s6], [sflag:s4] =	dma.local [hbm:s3], $0xF7A  }
0x26: {  	[smem:$0x3F8D] =	sst s1;
	(tag) =	ssettag s2;
	_ =	strace s9  }
0x27: {  	s1 =	sld [smem:$0x3F9D]  }
0x28: {  	s2 =	sld [smem:$0x3F9E]  }
0x29: {  	s4 =	sld [smem:$0x3FA0]  }
0x2a: {  	p0 =	seq.s32 s5, $0x0;
	s5 =	sld [smem:$0x3FA1]  }
0x2b: {  	s6 =	sld [smem:$0x3FA2]  }
0x2c: {  	s7 =	sld [smem:$0x3FA3]  }
0x2d: {  	s3 =	simm.s32 $0x108;
	s8 =	sld [smem:$0x3FA4]  }
0x2e: {  	s3 =	simm.s32 @!p0 $0x1082;
	s9 =	sld [smem:$0x3FA5]  }
0x2f: {  	lr =	sadd.s32 s0, s3;
	s0 =	sld [smem:$0x3F9C]  }
0x30: {  	s3 =	sld [smem:$0x3F9F]  }
0x31: {  	[smem:$0x3FA8] =	sst s10  }
0x32: {  	s10 =	sld [smem:$0x3FA6];
	_ =	sdelay $0x3  }
0x33: {  	p0 =	seq.s32 s10, $0x1;
	s10 =	sld [smem:$0x3FA8];
	_ =	sdelay $0x3  }
0x34: {  	[smem:$0x3FA8] =	sst s10  }
0x35: {  	s10 =	sld [smem:$0x3FA7];
	_ =	sdelay $0x3  }
0x36: {  	p1 =	seq.s32 s10, $0x1;
	s10 =	sld [smem:$0x3FA8];
	_ =	sdelay $0x3  }
0x37: {  	[smem:$0x3FA8] =	sst s10  }
0x38: {  	s10 =	sld [smem:$0x3FA9]  }
0x39: {  	_ = 	snop;
	(pc) =	sbr.ind lr, $3  }
0x3a: {  	_ = 	snop  }
0x3b: {  	_ = 	snop  }
0x3c: {  	p2 =	seq.s32 s10, $0x1;
	s10 =	sld [smem:$0x3FA8]  }
0x3d: {  	_ =	shalt  }
0x3e: {  	_ =	shalt  }
0x3f: {  	_ =	shalt  }
0x40: {  	_ =	shalt  }
0x41: {  	_ =	shalt  }
0x42: {  	_ =	shalt  }
0x43: {  	_ =	shalt  }
0x44: {  	_ =	shalt  }
0x45: {  	_ =	shalt  }
0x46: {  	_ =	shalt  }
0x47: {  	_ =	shalt  }
0x48: {  	_ =	shalt  }
0x49: {  	_ =	shalt  }
0x4a: {  	_ =	shalt  }
0x4b: {  	_ =	shalt  }
0x4c: {  	_ =	shalt  }
0x4d: {  	_ =	shalt  }
0x4e: {  	_ =	shalt  }
0x4f: {  	_ =	shalt  }
0x50: {  	_ =	shalt  }
0x51: {  	_ =	shalt  }
0x52: {  	_ =	shalt  }
0x53: {  	_ =	shalt  }
0x54: {  	_ =	shalt  }
0x55: {  	_ =	shalt  }
0x56: {  	_ =	shalt  }
0x57: {  	_ =	shalt  }
0x58: {  	_ =	shalt  }
0x59: {  	_ =	shalt  }
0x5a: {  	_ =	shalt  }
0x5b: {  	_ =	shalt  }
0x5c: {  	_ =	shalt  }
0x5d: {  	_ =	shalt  }
0x5e: {  	_ =	shalt  }
0x5f: {  	_ =	shalt  }
0x60: {  	_ =	shalt  }
0x61: {  	_ =	shalt  }
0x62: {  	_ =	shalt  }
0x63: {  	_ =	shalt  }
0x64: {  	_ =	shalt  }
0x65: {  	_ =	shalt  }
0x66: {  	_ =	shalt  }
0x67: {  	_ =	shalt  }
0x68: {  	_ =	shalt  }
0x69: {  	_ =	shalt  }
0x6a: {  	_ =	shalt  }
0x6b: {  	_ =	shalt  }
0x6c: {  	_ =	shalt  }
0x6d: {  	_ =	shalt  }
0x6e: {  	_ =	shalt  }
0x6f: {  	_ =	shalt  }
0x70: {  	_ =	shalt  }
0x71: {  	_ =	shalt  }
0x72: {  	_ =	shalt  }
0x73: {  	_ =	shalt  }
0x74: {  	_ =	shalt  }
0x75: {  	_ =	shalt  }
0x76: {  	_ =	shalt  }
0x77: {  	_ =	shalt  }
0x78: {  	_ =	shalt  }
0x79: {  	_ =	shalt  }
0x7a: {  	_ =	shalt  }
0x7b: {  	_ =	shalt  }
0x7c: {  	_ =	shalt  }
0x7d: {  	_ =	shalt  }
0x7e: {  	_ =	shalt  }
0x7f: {  	_ =	shalt  }
0x80: {  	_ =	shalt  }
0x81: {  	_ =	shalt  }
0x82: {  	_ =	shalt  }
0x83: {  	_ =	shalt  }
0x84: {  	_ =	shalt  }
0x85: {  	_ =	shalt  }
0x86: {  	_ =	shalt  }
0x87: {  	_ =	shalt  }
.Lfunc_end0:
.L_simem_size_0:
called_computation_lowered:
.L_overlay_start_0:
0x88: {  	s2 =	sld [smem:$0x3FD9]  }
0x89: {  	s3 =	sld [smem:$0x3FFE];
	_ =	sdelay $0x1  }
0x8a: {  	s1 =	srdreg.scid  }
0x8b: {  	s0 =	sand.u32 $0x1, s1  }
0x8c: {  	s17 =	sshll.u32 s0, $0xA;
	s2 =	sadd.s32 s3, s2  }
0x8d: {  	s2 =	sadd.s32 s2, s17  }
0x8e: {  	[smem:$0x3FB4] =	sst s2  }
0x8f: {  	_ = 	snop  }
0x90: {  	s2 =	sld [smem:$0x3FD0];
	(tm) =	ssettm $0x1  }
0x91: {  	s18 =	sld [smem:$0x3FFB];
	_ =	sdelay $0x3  }
0x92: {  	_ =	strace s18  }
0x93: {  	s3 =	sld [smem:$0x3FFC];
	_ =	sdelay $0x3  }
0x94: {  	_ =	strace s3  }
0x95: {  	s3 =	sld [smem:$0x3FFD];
	_ =	sdelay $0x3  }
0x96: {  	_ =	strace s3  }
0x97: {  	_ =	strace $0x8FFFFFFF  }
0x98: {  	s19 =	sld [smem:$0x3FDB];
	_ =	sdelay $0x1  }
0x99: {  	s4 =	simm.s32 $_scs_section_size  }
0x9a: {  	s5 =	simm.s32 $_size__tile_overlayer_lowered;
	s6 =	simm.s32 $_tile_overlayer_lowered  }
0x9b: {  	s22 =	simm.s32 $0x1BFF;
	s21 =	sshll.u32 s6, $0x1;
	s3 =	sadd.s32 s4, s19  }
0x9c: {  	s7 =	simm.s32 $0x0;
	s20 =	sshll.u32 s5, $0x1;
	s5 =	sadd.s32 s21, s3  }
0x9d: {  	[timem:s7], [sflag:s22] =	dma.local [hbm:s5], s20  }
0x9e: {  	_ =	swait.ge [sflag:s22], s20  }
0x9f: {  	s4 =	ssub.s32 $0x0, s20;
	[sflag:s22] =	ssyncset.done $0x0  }
0xa0: {  	[sflag:s22] =	ssyncadd.s32 s4;
	_ =	sdelay $0x1  }
0xa1: {  	s23 =	simm.s32 $0x1B8B  }
0xa2: {  	_ =	swait.ge [sflag:s23], $0x1  }
0xa3: {  	[sflag:s23] =	ssyncset.done $0x0  }
0xa4: {  	s25 =	simm.s32 $0x1B8E;
	s24 =	sld [smem:$0x3FFE];
	[sflag:s23] =	ssyncadd.s32 $0xFFFFFFFF  }
0xa5: {  	s26 =	simm.s32 $execute0_lowered;
	[smem:$0x3FD2] =	sst s25  }
0xa6: {  	s5 =	sshll.u32 s26, $0x1;
	_ =	strace $0x80000046;
	[dreg:$0x1] =	wrdreg $0xFFFFFFFF  }
0xa7: {  	s28 =	simm.s32 $_size_execute0_lowered;
	s3 =	sadd.s32 s3, s5;
	[dreg:$0x0] =	wrdreg $0x0  }
0xa8: {  	s5 =	sshll.u32 s28, $0x1;
	[dreg:$0x2] =	wrdreg s3  }
0xa9: {  	[dreg:$0x3] =	wrdreg s5  }
0xaa: {  	[dreg:$0x4] =	wrdreg $0xC0  }
0xab: {  	_ =	task [dreg:s7], $0x5FFFF  }
0xac: {  	[dreg:$0x1] =	wrdreg $0xFFFFFFFF  }
0xad: {  	[dreg:$0x0] =	wrdreg $0x60  }
0xae: {  	[dreg:$0x2] =	wrdreg s2  }
0xaf: {  	[dreg:$0x3] =	wrdreg s24  }
0xb0: {  	[dreg:$0x4] =	wrdreg $0x9  }
0xb1: {  	_ =	task.clear_ibuf [dreg:s7], $0x5FFFF;
	_ =	strace $0x90000046  }
0xb2: {  	s29 =	simm.s32 $0x9;
	_ =	strace $0x80000048  }
0xb3: {  	_ =	swait.ge [sflag:s29], $0x1  }
0xb4: {  	[sflag:s29] =	ssyncadd.s32 $0xFFFFFFFF  }
0xb5: {  	_ =	strace $0x90000048  }
0xb6: {  	_ =	sfence  }
0xb7: {  	s30 =	sld [smem:$0x0];
	_ =	sdelay $0x2  }
0xb8: {  	s31 =	sshll.u32 s1, $0xD;
	s1 =	sshrl.u32 s1, $0x2  }
0xb9: {  	s3 =	sand.u32 $0x4000, s31;
	s1 =	sadd.s32 s1, s30  }
0xba: {  	s0 =	sor.u32 s3, s0;
	s1 =	sshll.u32 s1, $0x11  }
0xbb: {  	s0 =	sor.u32 s1, s0  }
0xbc: {  	s0 =	sadd.s32 $0x8F2B, s0  }
0xbd: {  	[sflag:s0] =	ssyncadd.remote.s32 $0x1  }
0xbe: {  	_ =	sfence.sel $0xFFFF  }
0xbf: {  	[dreg:$0x0] =	wrdreg $0xFFFFFFFF;
	(pc) =	sbr.abs _section_cstart, $3  }
0xc0: {  	[dreg:$0x1] =	wrdreg $0xFFFFFFFF  }
0xc1: {  	_ =	task.clear_ibuf [dreg:s7], $0x2FFFF;
	_ =	strace $0x9FFFFFFF  }
0xc2: {  	(tm) =	ssettm $0x7FFFFFFF  }
0xc3: {  	_ =	shalt  }
tec
execute0_lowered:
.L_overlay_start_1:
0x0: {  	(tag) =	ssettag $0x1  }
0x1: {  	s0 =	srdreg.scid  }
0x2: {  	s3 =	rddreg [dreg:$0x0];
	s4 =	sand.u32 $0x1, s0  }
0x3: {  	s5 =	rddreg [dreg:$0x1];
	s1 =	stileid.u32;
	s2 =	sshll.u32 s4, $0x4  }
0x4: {  	s0 =	rddreg [dreg:$0x2];
	s6 =	sor.u32 s1, s2  }
0x5: {  	s4 =	ssub.s32 $0x2, s4;
	s2 =	simm.s32 $0x0;
	s7 =	smul.u32 $0x2800, s6  }
0x6: {  	s8 =	sshrl.u32 s4, $0x1;
	[smem:$0x7FF] =	sst s2;
	s6 =	smul.u32 $0x4F0, s6  }
0x7: {  	s31 =	ssub.s32 s4, s8;
	s8 =	simm.s32 $0x0;
	_ =	strace $0x80000047  }
0x8: {  	s5 =	sadd.s32 s7, s5;
	s3 =	sadd.s32 s3, s6;
	s6 =	simm.s32 $0x1  }
0x9: {  	v0 =	vimm.f32 $0.0e+00;
	v1 =	vlaneseq.u32;
	s7 =	simm.s32 $0x2780;
	s4 =	sadd.s32 $0x10200, s5;
	s5 =	smax.u32 s31, $0x1  }
.LBB2_1:
0xa: {  	s9 =	simm.s32 $0x200;
	s10 =	simm.s32 $0x0  }
.LBB2_2:
0xb: {  	p0 =	sne.s32 s9, $0x4FE00;
	[tilespmem:s10+$0x2780] =	vst v0;
	s10 =	smov.u32 s9;
	s9 =	sadd.s32 $0x200, s9  }
.Ltmp0:
0xc: {  	(pc) =	sbr.rel @p0 .LBB2_2-.Ltmp0, $2  }
0xd: {  	_ =	sdelay $0x2  }
0xe: {  	s10 =	sshra.s32 s10, $0x2  }
0xf: {  	[tilespmem:s10+$0x2780] =	vst v0;
	s9 =	simm.s32 $0x0  }
0x10: {  	[tilespmem:s9], [sflag:$0x1] =	stream.linear.gather [hbm4b:s3+s9], $0x2780, $0x38;
	[tilespmem:$0x16780] =	vst v63  }
0x11: {  	_ =	swait.ge [sflag:s6], $0x2780  }
0x12: {  	[sflag:s6] =	ssyncset.done $0x0  }
0x13: {  	s15 =	simm.s32 $0x0;
	[sflag:s6] =	ssyncadd.s32 $0xFFFFD880  }
0x14: {  	v2 =	vld [tilespmem:s15+$0x0];
	_ =	sdelay $0x4  }
0x15: {  	v3 =	vshrl.u32 v2, $0x4  }
0x16: {  	v3 =	vshll.u32 v3, $0x9  }
0x17: {  	v3 =	vshra.s32 v3, $0x2  }
0x18: {  	v3 =	vadd.s32 $0x2780, v3  }
0x19: {  	(v2sf) =	vpush v3, $0x0;
	_ =	sdelay $0x7  }
0x1a: {  	(v2sf) =	vpush v3, $0x1;
	_ =	sdelay $0x6  }
0x1b: {  	s16 =	spop (v2sf)  }
0x1c: {  	v2 =	vand.u32 $0xF, v2;
	(v2sf) =	vpush v3, $0x2;
	v4 =	vld [tilespmem:s16+$0x0]  }
0x1d: {  	v5 =	vbroadcast v2, $0x0;
	_ =	sdelay $0x1  }
0x1e: {  	vm0 =	veq.s32 v5, v1  }
0x1f: {  	v5 =	vsel vm0, $0x3F800000, v0  }
0x20: {  	v4 =	vadd.f32 v5, v4;
	_ =	sdelay $0x1  }
0x21: {  	s17 =	spop (v2sf);
	[tilespmem:s16+$0x0] =	vst v4  }
0x22: {  	(v2sf) =	vpush v3, $0x3;
	v4 =	vld [tilespmem:s17+$0x0]  }
0x23: {  	v51 =	vbroadcast v2, $0x1;
	_ =	sdelay $0x1  }
0x24: {  	vm13 =	veq.s32 v51, v1  }
0x25: {  	v5 =	vsel vm13, $0x3F800000, v0  }
0x26: {  	v4 =	vadd.f32 v5, v4;
	_ =	sdelay $0x1  }
0x27: {  	s18 =	spop (v2sf);
	[tilespmem:s17+$0x0] =	vst v4  }
0x28: {  	(v2sf) =	vpush v3, $0x4;
	v4 =	vld [tilespmem:s18+$0x0]  }
0x29: {  	v52 =	vbroadcast v2, $0x2;
	_ =	sdelay $0x1  }
0x2a: {  	vm14 =	veq.s32 v52, v1  }
0x2b: {  	v5 =	vsel vm14, $0x3F800000, v0  }
0x2c: {  	v4 =	vadd.f32 v4, v5;
	_ =	sdelay $0x1  }
0x2d: {  	s19 =	spop (v2sf);
	[tilespmem:s18+$0x0] =	vst v4  }
0x2e: {  	(v2sf) =	vpush v3, $0x5;
	v4 =	vld [tilespmem:s19+$0x0]  }
0x2f: {  	v53 =	vbroadcast v2, $0x3;
	_ =	sdelay $0x1  }
0x30: {  	vm15 =	veq.s32 v53, v1  }
0x31: {  	v5 =	vsel vm15, $0x3F800000, v0  }
0x32: {  	v4 =	vadd.f32 v4, v5;
	_ =	sdelay $0x1  }
0x33: {  	s20 =	spop (v2sf);
	[tilespmem:s19+$0x0] =	vst v4  }
0x34: {  	(v2sf) =	vpush v3, $0x6;
	v4 =	vld [tilespmem:s20+$0x0]  }
0x35: {  	v54 =	vbroadcast v2, $0x4;
	_ =	sdelay $0x1  }
0x36: {  	vm4 =	veq.s32 v54, v1  }
0x37: {  	v5 =	vsel vm4, $0x3F800000, v0  }
0x38: {  	v4 =	vadd.f32 v4, v5;
	_ =	sdelay $0x1  }
0x39: {  	s21 =	spop (v2sf);
	[tilespmem:s20+$0x0] =	vst v4  }
0x3a: {  	(v2sf) =	vpush v3, $0x7;
	v4 =	vld [tilespmem:s21+$0x0]  }
0x3b: {  	v55 =	vbroadcast v2, $0x5;
	_ =	sdelay $0x1  }
0x3c: {  	vm5 =	veq.s32 v55, v1  }
0x3d: {  	v5 =	vsel vm5, $0x3F800000, v0  }
0x3e: {  	v4 =	vadd.f32 v4, v5;
	_ =	sdelay $0x1  }
0x3f: {  	s22 =	spop (v2sf);
	[tilespmem:s21+$0x0] =	vst v4  }
0x40: {  	(v2sf) =	vpush v3, $0x8;
	v4 =	vld [tilespmem:s22+$0x0]  }
0x41: {  	v56 =	vbroadcast v2, $0x6;
	_ =	sdelay $0x1  }
0x42: {  	vm6 =	veq.s32 v56, v1  }
0x43: {  	v5 =	vsel vm6, $0x3F800000, v0  }
0x44: {  	v4 =	vadd.f32 v4, v5;
	_ =	sdelay $0x1  }
0x45: {  	s23 =	spop (v2sf);
	[tilespmem:s22+$0x0] =	vst v4  }
0x46: {  	(v2sf) =	vpush v3, $0x9;
	v4 =	vld [tilespmem:s23+$0x0]  }
0x47: {  	v57 =	vbroadcast v2, $0x7;
	_ =	sdelay $0x1  }
0x48: {  	vm7 =	veq.s32 v57, v1  }
0x49: {  	v5 =	vsel vm7, $0x3F800000, v0  }
0x4a: {  	v4 =	vadd.f32 v4, v5;
	_ =	sdelay $0x1  }
0x4b: {  	s24 =	spop (v2sf);
	[tilespmem:s23+$0x0] =	vst v4  }
0x4c: {  	(v2sf) =	vpush v3, $0xA;
	v4 =	vld [tilespmem:s24+$0x0]  }
0x4d: {  	v58 =	vbroadcast v2, $0x8;
	_ =	sdelay $0x1  }
0x4e: {  	vm8 =	veq.s32 v58, v1  }
0x4f: {  	v5 =	vsel vm8, $0x3F800000, v0  }
0x50: {  	v4 =	vadd.f32 v4, v5;
	_ =	sdelay $0x1  }
0x51: {  	s25 =	spop (v2sf);
	[tilespmem:s24+$0x0] =	vst v4  }
0x52: {  	(v2sf) =	vpush v3, $0xB;
	v4 =	vld [tilespmem:s25+$0x0]  }
0x53: {  	v59 =	vbroadcast v2, $0x9;
	_ =	sdelay $0x1  }
0x54: {  	vm9 =	veq.s32 v59, v1  }
0x55: {  	v5 =	vsel vm9, $0x3F800000, v0  }
0x56: {  	v4 =	vadd.f32 v4, v5;
	_ =	sdelay $0x1  }
0x57: {  	s26 =	spop (v2sf);
	[tilespmem:s25+$0x0] =	vst v4  }
0x58: {  	(v2sf) =	vpush v3, $0xC;
	v4 =	vld [tilespmem:s26+$0x0]  }
0x59: {  	v60 =	vbroadcast v2, $0xA;
	_ =	sdelay $0x1  }
0x5a: {  	vm10 =	veq.s32 v60, v1  }
0x5b: {  	v5 =	vsel vm10, $0x3F800000, v0  }
0x5c: {  	v4 =	vadd.f32 v4, v5;
	_ =	sdelay $0x1  }
0x5d: {  	s28 =	spop (v2sf);
	[tilespmem:s26+$0x0] =	vst v4  }
0x5e: {  	(v2sf) =	vpush v3, $0xD;
	v4 =	vld [tilespmem:s28+$0x0]  }
0x5f: {  	v61 =	vbroadcast v2, $0xB;
	_ =	sdelay $0x1  }
0x60: {  	vm11 =	veq.s32 v61, v1  }
0x61: {  	v5 =	vsel vm11, $0x3F800000, v0  }
0x62: {  	v4 =	vadd.f32 v4, v5;
	_ =	sdelay $0x1  }
0x63: {  	s29 =	spop (v2sf);
	[tilespmem:s28+$0x0] =	vst v4  }
0x64: {  	(v2sf) =	vpush v3, $0xE;
	v4 =	vld [tilespmem:s29+$0x0]  }
0x65: {  	v62 =	vbroadcast v2, $0xC;
	_ =	sdelay $0x1  }
0x66: {  	vm12 =	veq.s32 v62, v1  }
0x67: {  	v5 =	vsel vm12, $0x3F800000, v0  }
0x68: {  	v4 =	vadd.f32 v4, v5;
	_ =	sdelay $0x1  }
0x69: {  	s30 =	spop (v2sf);
	[tilespmem:s29+$0x0] =	vst v4  }
0x6a: {  	(v2sf) =	vpush v3, $0xF;
	v4 =	vld [tilespmem:s30+$0x0]  }
0x6b: {  	v3 =	vbroadcast v2, $0xD;
	_ =	sdelay $0x1  }
0x6c: {  	vm13 =	veq.s32 v3, v1  }
0x6d: {  	v3 =	vsel vm13, $0x3F800000, v0  }
0x6e: {  	v3 =	vadd.f32 v4, v3;
	_ =	sdelay $0x1  }
0x6f: {  	s31 =	spop (v2sf);
	[tilespmem:s30+$0x0] =	vst v3  }
0x70: {  	v3 =	vld [tilespmem:s31+$0x0]  }
0x71: {  	v63 =	vbroadcast v2, $0xE;
	_ =	sdelay $0x1  }
0x72: {  	vm14 =	veq.s32 v63, v1  }
0x73: {  	v4 =	vsel vm14, $0x3F800000, v0  }
0x74: {  	v3 =	vadd.f32 v3, v4;
	_ =	sdelay $0x1  }
0x75: {  	s11 =	spop (v2sf);
	[tilespmem:s31+$0x0] =	vst v3  }
0x76: {  	v3 =	vld [tilespmem:s11+$0x0]  }
0x77: {  	v2 =	vbroadcast v2, $0xF;
	_ =	sdelay $0x1  }
0x78: {  	vm15 =	veq.s32 v2, v1  }
0x79: {  	v2 =	vsel vm15, $0x3F800000, v0  }
0x7a: {  	s10 =	simm.s32 $0x80;
	s9 =	simm.s32 $0x40;
	v2 =	vadd.f32 v3, v2  }
.LBB2_4:
0x7b: {  	p0 =	sne.s32 s10, $0x9DC0  }
0x7c: {  	s12 =	sshra.s32 s9, $0x2;
	s9 =	smov.u32 s10;
	s10 =	sadd.s32 $0x40, s10;
	[tilespmem:s11+$0x0] =	vst v2  }
0x7d: {  	v2 =	vld [tilespmem:s12+$0x0];
	_ =	sdelay $0x4  }
0x7e: {  	v3 =	vshrl.u32 v2, $0x4;
	v4 =	vand.u32 $0xF, v2  }
0x7f: {  	v2 =	vshll.u32 v3, $0x9;
	v3 =	vbroadcast v4, $0x0;
	v5 =	vbroadcast v4, $0x1  }
0x80: {  	v6 =	vbroadcast v4, $0x2;
	v7 =	vbroadcast v4, $0x3;
	v2 =	vshra.s32 v2, $0x2  }
0x81: {  	v2 =	vadd.s32 $0x2780, v2;
	vm15 =	veq.s32 v3, v1;
	vm14 =	veq.s32 v5, v1  }
0x82: {  	vm13 =	veq.s32 v6, v1;
	vm12 =	veq.s32 v7, v1;
	(v2sf) =	vpush v2, $0x0  }
0x83: {  	v3 =	vbroadcast v4, $0x4;
	v5 =	vbroadcast v4, $0x5  }
0x84: {  	v6 =	vbroadcast v4, $0x6;
	v7 =	vbroadcast v4, $0x7  }
0x85: {  	vm11 =	veq.s32 v3, v1;
	vm10 =	veq.s32 v5, v1;
	v3 =	vbroadcast v4, $0x8  }
0x86: {  	vm9 =	veq.s32 v6, v1;
	vm8 =	veq.s32 v7, v1;
	v5 =	vbroadcast v4, $0x9  }
0x87: {  	v6 =	vbroadcast v4, $0xB;
	vm7 =	veq.s32 v3, v1;
	v3 =	vbroadcast v4, $0xA  }
0x88: {  	v7 =	vbroadcast v4, $0xD;
	vm6 =	veq.s32 v5, v1;
	v5 =	vbroadcast v4, $0xC  }
0x89: {  	vm4 =	veq.s32 v6, v1;
	vm5 =	veq.s32 v3, v1;
	v3 =	vbroadcast v4, $0xE  }
0x8a: {  	vm2 =	veq.s32 v7, v1;
	vm3 =	veq.s32 v5, v1;
	(v2sf) =	vpush v2, $0x1  }
0x8b: {  	vm1 =	veq.s32 v3, v1;
	v3 =	vbroadcast v4, $0xF;
	_ =	sdelay $0x1  }
0x8c: {  	vm0 =	veq.s32 v3, v1;
	_ =	sdelay $0x3  }
0x8d: {  	s11 =	spop (v2sf)  }
0x8e: {  	v3 =	vld [tilespmem:s11+$0x0];
	(v2sf) =	vpush v2, $0x2;
	_ =	sdelay $0x3  }
0x8f: {  	v4 =	vsel vm15, $0x3F800000, v0  }
0x90: {  	v3 =	vadd.f32 v4, v3;
	_ =	sdelay $0x1  }
0x91: {  	[tilespmem:s11+$0x0] =	vst v3;
	s11 =	spop (v2sf)  }
0x92: {  	v3 =	vld [tilespmem:s11+$0x0];
	(v2sf) =	vpush v2, $0x3;
	_ =	sdelay $0x3  }
0x93: {  	v4 =	vsel vm14, $0x3F800000, v0  }
0x94: {  	v3 =	vadd.f32 v4, v3;
	_ =	sdelay $0x1  }
0x95: {  	[tilespmem:s11+$0x0] =	vst v3;
	s11 =	spop (v2sf)  }
0x96: {  	v3 =	vld [tilespmem:s11+$0x0];
	(v2sf) =	vpush v2, $0x4;
	_ =	sdelay $0x3  }
0x97: {  	v4 =	vsel vm13, $0x3F800000, v0  }
0x98: {  	v3 =	vadd.f32 v3, v4;
	_ =	sdelay $0x1  }
0x99: {  	[tilespmem:s11+$0x0] =	vst v3;
	s11 =	spop (v2sf)  }
0x9a: {  	v3 =	vld [tilespmem:s11+$0x0];
	(v2sf) =	vpush v2, $0x5;
	_ =	sdelay $0x3  }
0x9b: {  	v4 =	vsel vm12, $0x3F800000, v0  }
0x9c: {  	v3 =	vadd.f32 v3, v4;
	_ =	sdelay $0x1  }
0x9d: {  	[tilespmem:s11+$0x0] =	vst v3;
	s11 =	spop (v2sf)  }
0x9e: {  	v3 =	vld [tilespmem:s11+$0x0];
	(v2sf) =	vpush v2, $0x6;
	_ =	sdelay $0x3  }
0x9f: {  	v4 =	vsel vm11, $0x3F800000, v0  }
0xa0: {  	v3 =	vadd.f32 v3, v4;
	_ =	sdelay $0x1  }
0xa1: {  	[tilespmem:s11+$0x0] =	vst v3;
	s11 =	spop (v2sf)  }
0xa2: {  	v3 =	vld [tilespmem:s11+$0x0];
	(v2sf) =	vpush v2, $0x7;
	_ =	sdelay $0x3  }
0xa3: {  	v4 =	vsel vm10, $0x3F800000, v0  }
0xa4: {  	v3 =	vadd.f32 v3, v4;
	_ =	sdelay $0x1  }
0xa5: {  	[tilespmem:s11+$0x0] =	vst v3;
	s11 =	spop (v2sf)  }
0xa6: {  	v3 =	vld [tilespmem:s11+$0x0];
	(v2sf) =	vpush v2, $0x8;
	_ =	sdelay $0x3  }
0xa7: {  	v4 =	vsel vm9, $0x3F800000, v0  }
0xa8: {  	v3 =	vadd.f32 v3, v4;
	_ =	sdelay $0x1  }
0xa9: {  	[tilespmem:s11+$0x0] =	vst v3;
	s11 =	spop (v2sf)  }
0xaa: {  	v3 =	vld [tilespmem:s11+$0x0];
	(v2sf) =	vpush v2, $0x9;
	_ =	sdelay $0x3  }
0xab: {  	v4 =	vsel vm8, $0x3F800000, v0  }
0xac: {  	v3 =	vadd.f32 v3, v4;
	_ =	sdelay $0x1  }
0xad: {  	[tilespmem:s11+$0x0] =	vst v3;
	s11 =	spop (v2sf)  }
0xae: {  	v3 =	vld [tilespmem:s11+$0x0];
	(v2sf) =	vpush v2, $0xA;
	_ =	sdelay $0x3  }
0xaf: {  	v4 =	vsel vm7, $0x3F800000, v0  }
0xb0: {  	v3 =	vadd.f32 v3, v4;
	_ =	sdelay $0x1  }
0xb1: {  	[tilespmem:s11+$0x0] =	vst v3;
	s11 =	spop (v2sf)  }
0xb2: {  	v3 =	vld [tilespmem:s11+$0x0];
	(v2sf) =	vpush v2, $0xB;
	_ =	sdelay $0x3  }
0xb3: {  	v4 =	vsel vm6, $0x3F800000, v0  }
0xb4: {  	v3 =	vadd.f32 v3, v4;
	_ =	sdelay $0x1  }
0xb5: {  	[tilespmem:s11+$0x0] =	vst v3;
	s11 =	spop (v2sf)  }
0xb6: {  	v3 =	vld [tilespmem:s11+$0x0];
	(v2sf) =	vpush v2, $0xC;
	_ =	sdelay $0x3  }
0xb7: {  	v4 =	vsel vm5, $0x3F800000, v0  }
0xb8: {  	v3 =	vadd.f32 v3, v4;
	_ =	sdelay $0x1  }
0xb9: {  	[tilespmem:s11+$0x0] =	vst v3;
	s11 =	spop (v2sf)  }
0xba: {  	v3 =	vld [tilespmem:s11+$0x0];
	(v2sf) =	vpush v2, $0xD;
	_ =	sdelay $0x3  }
0xbb: {  	v4 =	vsel vm4, $0x3F800000, v0  }
0xbc: {  	v3 =	vadd.f32 v3, v4;
	_ =	sdelay $0x1  }
0xbd: {  	[tilespmem:s11+$0x0] =	vst v3;
	s11 =	spop (v2sf)  }
0xbe: {  	v3 =	vld [tilespmem:s11+$0x0];
	(v2sf) =	vpush v2, $0xE;
	_ =	sdelay $0x3  }
0xbf: {  	v4 =	vsel vm3, $0x3F800000, v0  }
0xc0: {  	v3 =	vadd.f32 v3, v4;
	_ =	sdelay $0x1  }
0xc1: {  	[tilespmem:s11+$0x0] =	vst v3;
	s11 =	spop (v2sf)  }
0xc2: {  	v3 =	vld [tilespmem:s11+$0x0];
	(v2sf) =	vpush v2, $0xF;
	_ =	sdelay $0x3  }
0xc3: {  	v2 =	vsel vm2, $0x3F800000, v0  }
0xc4: {  	v2 =	vadd.f32 v3, v2;
	_ =	sdelay $0x1  }
0xc5: {  	[tilespmem:s11+$0x0] =	vst v2;
	s11 =	spop (v2sf)  }
0xc6: {  	v2 =	vld [tilespmem:s11+$0x0];
	_ =	sdelay $0x3  }
0xc7: {  	v3 =	vsel vm1, $0x3F800000, v0  }
0xc8: {  	v2 =	vadd.f32 v2, v3;
	_ =	sdelay $0x1  }
0xc9: {  	[tilespmem:s11+$0x0] =	vst v2;
	s11 =	spop (v2sf)  }
0xca: {  	v2 =	vld [tilespmem:s11+$0x0]  }
.Ltmp1:
0xcb: {  	(pc) =	sbr.rel @p0 .LBB2_4-.Ltmp1, $3  }
0xcc: {  	_ =	sdelay $0x1  }
0xcd: {  	v3 =	vsel vm0, $0x3F800000, v0  }
0xce: {  	v2 =	vadd.f32 v2, v3  }
0xcf: {  	_ = 	snop  }
0xd0: {  	s9 =	sshra.s32 s9, $0x2;
	[tilespmem:s11+$0x0] =	vst v2  }
0xd1: {  	v2 =	vld [tilespmem:s9+$0x0];
	_ =	sdelay $0x4  }
0xd2: {  	v3 =	vshrl.u32 v2, $0x4  }
0xd3: {  	v3 =	vshll.u32 v3, $0x9  }
0xd4: {  	v3 =	vshra.s32 v3, $0x2  }
0xd5: {  	v3 =	vadd.s32 $0x2780, v3  }
0xd6: {  	(v2sf) =	vpush v3, $0x0;
	_ =	sdelay $0x7  }
0xd7: {  	(v2sf) =	vpush v3, $0x1;
	_ =	sdelay $0x6  }
0xd8: {  	s15 =	spop (v2sf)  }
0xd9: {  	v2 =	vand.u32 $0xF, v2;
	(v2sf) =	vpush v3, $0x2;
	v4 =	vld [tilespmem:s15+$0x0]  }
0xda: {  	v5 =	vbroadcast v2, $0x0;
	_ =	sdelay $0x1  }
0xdb: {  	vm0 =	veq.s32 v5, v1  }
0xdc: {  	v5 =	vsel vm0, $0x3F800000, v0  }
0xdd: {  	v4 =	vadd.f32 v5, v4;
	_ =	sdelay $0x1  }
0xde: {  	s16 =	spop (v2sf);
	[tilespmem:s15+$0x0] =	vst v4  }
0xdf: {  	(v2sf) =	vpush v3, $0x3;
	v4 =	vld [tilespmem:s16+$0x0]  }
0xe0: {  	v51 =	vbroadcast v2, $0x1;
	_ =	sdelay $0x1  }
0xe1: {  	vm13 =	veq.s32 v51, v1  }
0xe2: {  	v5 =	vsel vm13, $0x3F800000, v0  }
0xe3: {  	v4 =	vadd.f32 v5, v4;
	_ =	sdelay $0x1  }
0xe4: {  	s17 =	spop (v2sf);
	[tilespmem:s16+$0x0] =	vst v4  }
0xe5: {  	(v2sf) =	vpush v3, $0x4;
	v4 =	vld [tilespmem:s17+$0x0]  }
0xe6: {  	v52 =	vbroadcast v2, $0x2;
	_ =	sdelay $0x1  }
0xe7: {  	vm14 =	veq.s32 v52, v1  }
0xe8: {  	v5 =	vsel vm14, $0x3F800000, v0  }
0xe9: {  	v4 =	vadd.f32 v4, v5;
	_ =	sdelay $0x1  }
0xea: {  	s18 =	spop (v2sf);
	[tilespmem:s17+$0x0] =	vst v4  }
0xeb: {  	(v2sf) =	vpush v3, $0x5;
	v4 =	vld [tilespmem:s18+$0x0]  }
0xec: {  	v53 =	vbroadcast v2, $0x3;
	_ =	sdelay $0x1  }
0xed: {  	vm15 =	veq.s32 v53, v1  }
0xee: {  	v5 =	vsel vm15, $0x3F800000, v0  }
0xef: {  	v4 =	vadd.f32 v4, v5;
	_ =	sdelay $0x1  }
0xf0: {  	s19 =	spop (v2sf);
	[tilespmem:s18+$0x0] =	vst v4  }
0xf1: {  	(v2sf) =	vpush v3, $0x6;
	v4 =	vld [tilespmem:s19+$0x0]  }
0xf2: {  	v54 =	vbroadcast v2, $0x4;
	_ =	sdelay $0x1  }
0xf3: {  	vm4 =	veq.s32 v54, v1  }
0xf4: {  	v5 =	vsel vm4, $0x3F800000, v0  }
0xf5: {  	v4 =	vadd.f32 v4, v5;
	_ =	sdelay $0x1  }
0xf6: {  	s20 =	spop (v2sf);
	[tilespmem:s19+$0x0] =	vst v4  }
0xf7: {  	(v2sf) =	vpush v3, $0x7;
	v4 =	vld [tilespmem:s20+$0x0]  }
0xf8: {  	v55 =	vbroadcast v2, $0x5;
	_ =	sdelay $0x1  }
0xf9: {  	vm5 =	veq.s32 v55, v1  }
0xfa: {  	v5 =	vsel vm5, $0x3F800000, v0  }
0xfb: {  	v4 =	vadd.f32 v4, v5;
	_ =	sdelay $0x1  }
0xfc: {  	s21 =	spop (v2sf);
	[tilespmem:s20+$0x0] =	vst v4  }
0xfd: {  	(v2sf) =	vpush v3, $0x8;
	v4 =	vld [tilespmem:s21+$0x0]  }
0xfe: {  	v56 =	vbroadcast v2, $0x6;
	_ =	sdelay $0x1  }
0xff: {  	vm6 =	veq.s32 v56, v1  }
0x100: {  	v5 =	vsel vm6, $0x3F800000, v0  }
0x101: {  	v4 =	vadd.f32 v4, v5;
	_ =	sdelay $0x1  }
0x102: {  	s22 =	spop (v2sf);
	[tilespmem:s21+$0x0] =	vst v4  }
0x103: {  	(v2sf) =	vpush v3, $0x9;
	v4 =	vld [tilespmem:s22+$0x0]  }
0x104: {  	v57 =	vbroadcast v2, $0x7;
	_ =	sdelay $0x1  }
0x105: {  	vm7 =	veq.s32 v57, v1  }
0x106: {  	v5 =	vsel vm7, $0x3F800000, v0  }
0x107: {  	v4 =	vadd.f32 v4, v5;
	_ =	sdelay $0x1  }
0x108: {  	s23 =	spop (v2sf);
	[tilespmem:s22+$0x0] =	vst v4  }
0x109: {  	(v2sf) =	vpush v3, $0xA;
	v4 =	vld [tilespmem:s23+$0x0]  }
0x10a: {  	v58 =	vbroadcast v2, $0x8;
	_ =	sdelay $0x1  }
0x10b: {  	vm8 =	veq.s32 v58, v1  }
0x10c: {  	v5 =	vsel vm8, $0x3F800000, v0  }
0x10d: {  	v4 =	vadd.f32 v4, v5;
	_ =	sdelay $0x1  }
0x10e: {  	s24 =	spop (v2sf);
	[tilespmem:s23+$0x0] =	vst v4  }
0x10f: {  	(v2sf) =	vpush v3, $0xB;
	v4 =	vld [tilespmem:s24+$0x0]  }
0x110: {  	v59 =	vbroadcast v2, $0x9;
	_ =	sdelay $0x1  }
0x111: {  	vm9 =	veq.s32 v59, v1  }
0x112: {  	v5 =	vsel vm9, $0x3F800000, v0  }
0x113: {  	v4 =	vadd.f32 v4, v5;
	_ =	sdelay $0x1  }
0x114: {  	s25 =	spop (v2sf);
	[tilespmem:s24+$0x0] =	vst v4  }
0x115: {  	(v2sf) =	vpush v3, $0xC;
	v4 =	vld [tilespmem:s25+$0x0]  }
0x116: {  	v60 =	vbroadcast v2, $0xA;
	_ =	sdelay $0x1  }
0x117: {  	vm10 =	veq.s32 v60, v1  }
0x118: {  	v5 =	vsel vm10, $0x3F800000, v0  }
0x119: {  	v4 =	vadd.f32 v4, v5;
	_ =	sdelay $0x1  }
0x11a: {  	s26 =	spop (v2sf);
	[tilespmem:s25+$0x0] =	vst v4  }
0x11b: {  	(v2sf) =	vpush v3, $0xD;
	v4 =	vld [tilespmem:s26+$0x0]  }
0x11c: {  	v61 =	vbroadcast v2, $0xB;
	_ =	sdelay $0x1  }
0x11d: {  	vm11 =	veq.s32 v61, v1  }
0x11e: {  	v5 =	vsel vm11, $0x3F800000, v0  }
0x11f: {  	v4 =	vadd.f32 v4, v5;
	_ =	sdelay $0x1  }
0x120: {  	s28 =	spop (v2sf);
	[tilespmem:s26+$0x0] =	vst v4  }
0x121: {  	(v2sf) =	vpush v3, $0xE;
	v4 =	vld [tilespmem:s28+$0x0]  }
0x122: {  	v62 =	vbroadcast v2, $0xC;
	_ =	sdelay $0x1  }
0x123: {  	vm12 =	veq.s32 v62, v1  }
0x124: {  	v5 =	vsel vm12, $0x3F800000, v0  }
0x125: {  	v4 =	vadd.f32 v4, v5;
	_ =	sdelay $0x1  }
0x126: {  	s29 =	spop (v2sf);
	[tilespmem:s28+$0x0] =	vst v4  }
0x127: {  	(v2sf) =	vpush v3, $0xF;
	v4 =	vld [tilespmem:s29+$0x0]  }
0x128: {  	v3 =	vbroadcast v2, $0xD;
	_ =	sdelay $0x1  }
0x129: {  	vm13 =	veq.s32 v3, v1  }
0x12a: {  	v3 =	vsel vm13, $0x3F800000, v0  }
0x12b: {  	v3 =	vadd.f32 v4, v3;
	_ =	sdelay $0x1  }
0x12c: {  	s30 =	spop (v2sf);
	[tilespmem:s29+$0x0] =	vst v3  }
0x12d: {  	v3 =	vld [tilespmem:s30+$0x0]  }
0x12e: {  	v63 =	vbroadcast v2, $0xE;
	_ =	sdelay $0x1  }
0x12f: {  	vm14 =	veq.s32 v63, v1  }
0x130: {  	v4 =	vsel vm14, $0x3F800000, v0  }
0x131: {  	v3 =	vadd.f32 v3, v4;
	_ =	sdelay $0x1  }
0x132: {  	s31 =	spop (v2sf);
	[tilespmem:s30+$0x0] =	vst v3  }
0x133: {  	v3 =	vld [tilespmem:s31+$0x0]  }
0x134: {  	v2 =	vbroadcast v2, $0xF;
	_ =	sdelay $0x1  }
0x135: {  	vm15 =	veq.s32 v2, v1  }
0x136: {  	v2 =	vsel vm15, $0x3F800000, v0  }
0x137: {  	s8 =	sadd.s32 $0x1, s8;
	v2 =	vadd.f32 v3, v2  }
0x138: {  	p0 =	sne.s32 s8, s5  }
.Ltmp2:
0x139: {  	[tilespmem:s31+$0x0] =	vst v2;
	(pc) =	sbr.rel @p0 .LBB2_1-.Ltmp2, $4  }
0x13a: {  	[hbm4b:s4+s2] =	stream.linear.scatter [tilespmem:s7], [sflag:$0x1], $0x14000, $0x38;
	[tilespmem:$0x16780] =	vst v63  }
0x13b: {  	_ =	swait.ge [sflag:s6], $0x14000  }
0x13c: {  	[sflag:s6] =	ssyncset.done $0x0  }
0x13d: {  	[sflag:s6] =	ssyncadd.s32 $0xFFFEC000  }
0x13e: {  	_ =	sfence.sel $0x180000  }
0x13f: {  	[bflag:$0x0] =	sbarrier.arrive $0xFFFF  }
0x140: {  	p0 =	sne.s32 s1, $0x0;
	_ =	strace $0x90000047  }
0x141: {  	s0 =	sadd.s32 @!p0 $0x100000, s0;
	[bflag:$0x2] =	sbarrier.arrive $0xFFFF  }
0x142: {  	[sflag:s0] =	ssyncadd.tile.s32 @!p0 $0x1;
	_ =	shalt  }
.Lfunc_end2:
_tile_overlayer_lowered:
.L_overlay_start_2:
0x143: {  	(tag) =	ssettag $0x2  }
0x144: {  	s0 =	rddreg [dreg:$0x0];
	s2 =	stileid.u32  }
0x145: {  	s1 =	rddreg [dreg:$0x1];
	p0 =	sne.s32 s2, $0x0  }
0x146: {  	s3 =	rddreg [dreg:$0x2];
	[bflag:$0x3] =	sbarrier.arrive $0xFFFF;
	s2 =	simm.s32 @!p0 $0x1C01  }
0x147: {  	[timem:s3], [sflag:s2] =	dma.local @!p0 [hbm:s0], s1  }
0x148: {  	s0 =	simm.s32 @!p0 $0x1  }
0x149: {  	_ =	swait.ge @!p0 [sflag:s0], s1  }
0x14a: {  	s1 =	ssub.s32 @!p0 $0x0, s1;
	[sflag:s0] =	ssyncset.done @!p0 $0x0  }
0x14b: {  	[sflag:s0] =	ssyncadd.s32 @!p0 s1  }
0x14c: {  	[bflag:$0x3] =	sbarrier.arrive $0xFFFF  }
0x14d: {  	_ =	shalt  }

// kernel: kernel.14.cloned.1.call-start
scs
__scs_entry_jumppad:
0x0: {  	(pc) =	sbr.rel $0x88, $3  }
0x1: {  	(tag) =	ssettag $0x0;
	lr =	simm.s32 $0x1  }
0x2: {  	[smem:$0x3F8D] =	sst lr;
	_ =	strace $0xD0000000  }
0x3: {  	_ = 	snop  }
0x4: {  	_ = 	snop  }
0x5: {  	_ = 	snop  }
0x6: {  	_ = 	snop  }
0x7: {  	_ = 	snop  }
__scs_overlays_trampoline_lowered:
0x8: {  	[smem:$0x3F9C] =	sst s0  }
0x9: {  	[smem:$0x3F9D] =	sst s1  }
0xa: {  	[smem:$0x3F9E] =	sst s2  }
0xb: {  	[smem:$0x3F9F] =	sst s3  }
0xc: {  	[smem:$0x3FA0] =	sst s4  }
0xd: {  	[smem:$0x3FA1] =	sst s5  }
0xe: {  	[smem:$0x3FA2] =	sst s6  }
0xf: {  	[smem:$0x3FA3] =	sst s7  }
0x10: {  	[smem:$0x3FA4] =	sst s8  }
0x11: {  	[smem:$0x3FA5] =	sst s9;
	s0 =	simm.s32 @!p0 $0x0  }
0x12: {  	s1 =	sld [smem:$0x3F8B];
	s0 =	simm.s32 @p0 $0x1  }
0x13: {  	[smem:$0x3FA6] =	sst s0;
	s0 =	simm.s32 @!p1 $0x0  }
0x14: {  	s2 =	sld [smem:$0x3F8A];
	s0 =	simm.s32 @p1 $0x1  }
0x15: {  	[smem:$0x3FA7] =	sst s0;
	s0 =	simm.s32 @!p2 $0x0  }
0x16: {  	s3 =	sld [smem:$0x3FDB];
	s0 =	simm.s32 @p2 $0x1  }
0x17: {  	s4 =	simm.s32 $0x1BF5;
	[smem:$0x3FA9] =	sst s0  }
0x18: {  	s0 =	sld [smem:$0x3F8C];
	_ =	swait.ge [sflag:s4], $0x0  }
0x19: {  	s7 =	sld [smem:$0x3F8D]  }
0x1a: {  	s8 =	sadd.s32 $0xFFFFE003, lr  }
0x1b: {  	s9 =	sadd.s32 $0xFFFFFEF7, lr;
	s5 =	simm.s32 $0xFFFFFFFF;
	p2 =	slt.u32 s8, $0xFFFFF086  }
0x1c: {  	p1 =	slt.u32 s9, $0xF7A;
	s5 =	simm.s32 @!p2 $0x0  }
0x1d: {  	s5 =	simm.s32 @p1 $0x1;
	p0 =	seq.s32 s7, s2  }
0x1e: {  	s7 =	smul.u32 @!p0 $0xF7A, s2;
	p2 =	seq.s32 @!p0 s5, $0x0  }
0x1f: {  	s9 =	smul.u32 $0xF7A, s1;
	s8 =	simm.s32 @!p0 $0x1BF5;
	p2 =	por !p2, p0  }
0x20: {  	[sflag:s8] =	ssyncset.s32 @!p0 $0xFFFFF086;
	s6 =	sadd.s32 @!p0 s3, s7;
	s7 =	simm.s32 @!p0 $0x108  }
0x21: {  	s3 =	sadd.s32 s3, s9;
	s6 =	sadd.s32 @!p0 $0x88, s6;
	s7 =	simm.s32 @p2 $0x1082  }
0x22: {  	[simem:s7], [sflag:s8] =	dma.local @!p0 [hbm:s6], $0xF7A  }
0x23: {  	s9 =	sor.u32 $0xD0000000, s2;
	s6 =	simm.s32 $0x108;
	_ =	swait.ge @!p0 [sflag:s8], $0x0  }
0x24: {  	s3 =	sadd.s32 $0x88, s3;
	s6 =	simm.s32 @!p1 $0x1082;
	[sflag:s4] =	ssyncset.s32 $0xFFFFF086  }
0x25: {  	[simem:s6], [sflag:s4] =	dma.local [hbm:s3], $0xF7A  }
0x26: {  	[smem:$0x3F8D] =	sst s1;
	(tag) =	ssettag s2;
	_ =	strace s9  }
0x27: {  	s1 =	sld [smem:$0x3F9D]  }
0x28: {  	s2 =	sld [smem:$0x3F9E]  }
0x29: {  	s4 =	sld [smem:$0x3FA0]  }
0x2a: {  	p0 =	seq.s32 s5, $0x0;
	s5 =	sld [smem:$0x3FA1]  }
0x2b: {  	s6 =	sld [smem:$0x3FA2]  }
0x2c: {  	s7 =	sld [smem:$0x3FA3]  }
0x2d: {  	s3 =	simm.s32 $0x108;
	s8 =	sld [smem:$0x3FA4]  }
0x2e: {  	s3 =	simm.s32 @!p0 $0x1082;
	s9 =	sld [smem:$0x3FA5]  }
0x2f: {  	lr =	sadd.s32 s0, s3;
	s0 =	sld [smem:$0x3F9C]  }
0x30: {  	s3 =	sld [smem:$0x3F9F]  }
0x31: {  	[smem:$0x3FA8] =	sst s10  }
0x32: {  	s10 =	sld [smem:$0x3FA6];
	_ =	sdelay $0x3  }
0x33: {  	p0 =	seq.s32 s10, $0x1;
	s10 =	sld [smem:$0x3FA8];
	_ =	sdelay $0x3  }
0x34: {  	[smem:$0x3FA8] =	sst s10  }
0x35: {  	s10 =	sld [smem:$0x3FA7];
	_ =	sdelay $0x3  }
0x36: {  	p1 =	seq.s32 s10, $0x1;
	s10 =	sld [smem:$0x3FA8];
	_ =	sdelay $0x3  }
0x37: {  	[smem:$0x3FA8] =	sst s10  }
0x38: {  	s10 =	sld [smem:$0x3FA9]  }
0x39: {  	_ = 	snop;
	(pc) =	sbr.ind lr, $3  }
0x3a: {  	_ = 	snop  }
0x3b: {  	_ = 	snop  }
0x3c: {  	p2 =	seq.s32 s10, $0x1;
	s10 =	sld [smem:$0x3FA8]  }
0x3d: {  	_ =	shalt  }
0x3e: {  	_ =	shalt  }
0x3f: {  	_ =	shalt  }
0x40: {  	_ =	shalt  }
0x41: {  	_ =	shalt  }
0x42: {  	_ =	shalt  }
0x43: {  	_ =	shalt  }
0x44: {  	_ =	shalt  }
0x45: {  	_ =	shalt  }
0x46: {  	_ =	shalt  }
0x47: {  	_ =	shalt  }
0x48: {  	_ =	shalt  }
0x49: {  	_ =	shalt  }
0x4a: {  	_ =	shalt  }
0x4b: {  	_ =	shalt  }
0x4c: {  	_ =	shalt  }
0x4d: {  	_ =	shalt  }
0x4e: {  	_ =	shalt  }
0x4f: {  	_ =	shalt  }
0x50: {  	_ =	shalt  }
0x51: {  	_ =	shalt  }
0x52: {  	_ =	shalt  }
0x53: {  	_ =	shalt  }
0x54: {  	_ =	shalt  }
0x55: {  	_ =	shalt  }
0x56: {  	_ =	shalt  }
0x57: {  	_ =	shalt  }
0x58: {  	_ =	shalt  }
0x59: {  	_ =	shalt  }
0x5a: {  	_ =	shalt  }
0x5b: {  	_ =	shalt  }
0x5c: {  	_ =	shalt  }
0x5d: {  	_ =	shalt  }
0x5e: {  	_ =	shalt  }
0x5f: {  	_ =	shalt  }
0x60: {  	_ =	shalt  }
0x61: {  	_ =	shalt  }
0x62: {  	_ =	shalt  }
0x63: {  	_ =	shalt  }
0x64: {  	_ =	shalt  }
0x65: {  	_ =	shalt  }
0x66: {  	_ =	shalt  }
0x67: {  	_ =	shalt  }
0x68: {  	_ =	shalt  }
0x69: {  	_ =	shalt  }
0x6a: {  	_ =	shalt  }
0x6b: {  	_ =	shalt  }
0x6c: {  	_ =	shalt  }
0x6d: {  	_ =	shalt  }
0x6e: {  	_ =	shalt  }
0x6f: {  	_ =	shalt  }
0x70: {  	_ =	shalt  }
0x71: {  	_ =	shalt  }
0x72: {  	_ =	shalt  }
0x73: {  	_ =	shalt  }
0x74: {  	_ =	shalt  }
0x75: {  	_ =	shalt  }
0x76: {  	_ =	shalt  }
0x77: {  	_ =	shalt  }
0x78: {  	_ =	shalt  }
0x79: {  	_ =	shalt  }
0x7a: {  	_ =	shalt  }
0x7b: {  	_ =	shalt  }
0x7c: {  	_ =	shalt  }
0x7d: {  	_ =	shalt  }
0x7e: {  	_ =	shalt  }
0x7f: {  	_ =	shalt  }
0x80: {  	_ =	shalt  }
0x81: {  	_ =	shalt  }
0x82: {  	_ =	shalt  }
0x83: {  	_ =	shalt  }
0x84: {  	_ =	shalt  }
0x85: {  	_ =	shalt  }
0x86: {  	_ =	shalt  }
0x87: {  	_ =	shalt  }
.Lfunc_end0:
.L_simem_size_0:
called_computation.1_lowered:
.L_overlay_start_0:
0x88: {  	s2 =	sld [smem:$0x3FD9]  }
0x89: {  	s3 =	sld [smem:$0x3FFE];
	_ =	sdelay $0x1  }
0x8a: {  	s1 =	srdreg.scid  }
0x8b: {  	s0 =	sand.u32 $0x1, s1  }
0x8c: {  	s16 =	sshll.u32 s0, $0xA;
	s2 =	sadd.s32 s3, s2  }
0x8d: {  	s2 =	sadd.s32 s2, s16  }
0x8e: {  	[smem:$0x3FB4] =	sst s2  }
0x8f: {  	_ = 	snop  }
0x90: {  	(tm) =	ssettm $0x1  }
0x91: {  	s17 =	sld [smem:$0x3FFB];
	_ =	sdelay $0x3  }
0x92: {  	_ =	strace s17  }
0x93: {  	s2 =	sld [smem:$0x3FFC];
	_ =	sdelay $0x3  }
0x94: {  	_ =	strace s2  }
0x95: {  	s2 =	sld [smem:$0x3FFD];
	_ =	sdelay $0x3  }
0x96: {  	_ =	strace s2  }
0x97: {  	_ =	strace $0x8FFFFFFF  }
0x98: {  	s18 =	sld [smem:$0x3FDB];
	_ =	sdelay $0x1  }
0x99: {  	s19 =	simm.s32 $_scs_section_size  }
0x9a: {  	s4 =	simm.s32 $_size__tile_overlayer_lowered;
	s5 =	simm.s32 $_tile_overlayer_lowered  }
0x9b: {  	s22 =	simm.s32 $0x1BFF;
	s21 =	sshll.u32 s5, $0x1;
	s2 =	sadd.s32 s19, s18  }
0x9c: {  	s6 =	simm.s32 $0x0;
	s20 =	sshll.u32 s4, $0x1;
	s4 =	sadd.s32 s21, s2  }
0x9d: {  	[timem:s6], [sflag:s22] =	dma.local [hbm:s4], s20  }
0x9e: {  	_ =	swait.ge [sflag:s22], s20  }
0x9f: {  	s3 =	ssub.s32 $0x0, s20;
	[sflag:s22] =	ssyncset.done $0x0  }
0xa0: {  	[sflag:s22] =	ssyncadd.s32 s3;
	_ =	sdelay $0x1  }
0xa1: {  	s23 =	simm.s32 $0x1B8B  }
0xa2: {  	_ =	swait.ge [sflag:s23], $0x1  }
0xa3: {  	[sflag:s23] =	ssyncset.done $0x0  }
0xa4: {  	s25 =	simm.s32 $0x1B8E;
	s24 =	sld [smem:$0x3FFE];
	[sflag:s23] =	ssyncadd.s32 $0xFFFFFFFF  }
0xa5: {  	s26 =	simm.s32 $execute0_lowered;
	[smem:$0x3FD2] =	sst s25  }
0xa6: {  	s4 =	sshll.u32 s26, $0x1;
	_ =	strace $0x80000049;
	[dreg:$0x1] =	wrdreg $0xFFFFFFFF  }
0xa7: {  	s28 =	simm.s32 $_size_execute0_lowered;
	s2 =	sadd.s32 s2, s4;
	[dreg:$0x0] =	wrdreg $0x0  }
0xa8: {  	s4 =	sshll.u32 s28, $0x1;
	[dreg:$0x2] =	wrdreg s2  }
0xa9: {  	[dreg:$0x3] =	wrdreg s4  }
0xaa: {  	[dreg:$0x4] =	wrdreg $0xC0  }
0xab: {  	_ =	task [dreg:s6], $0x5FFFF  }
0xac: {  	[dreg:$0x1] =	wrdreg $0xFFFFFFFF  }
0xad: {  	[dreg:$0x0] =	wrdreg $0x60  }
0xae: {  	[dreg:$0x2] =	wrdreg s24  }
0xaf: {  	[dreg:$0x3] =	wrdreg $0x9  }
0xb0: {  	_ =	task.clear_ibuf [dreg:s6], $0x4FFFF;
	_ =	strace $0x90000049  }
0xb1: {  	s29 =	simm.s32 $0x9;
	_ =	strace $0x8000004B  }
0xb2: {  	_ =	swait.ge [sflag:s29], $0x1  }
0xb3: {  	[sflag:s29] =	ssyncadd.s32 $0xFFFFFFFF  }
0xb4: {  	_ =	strace $0x9000004B  }
0xb5: {  	_ =	sfence  }
0xb6: {  	s30 =	sld [smem:$0x0];
	_ =	sdelay $0x2  }
0xb7: {  	s31 =	sshll.u32 s1, $0xD;
	s1 =	sshrl.u32 s1, $0x2  }
0xb8: {  	s3 =	sand.u32 $0x4000, s31;
	s1 =	sadd.s32 s1, s30  }
0xb9: {  	s0 =	sor.u32 s3, s0;
	s1 =	sshll.u32 s1, $0x11  }
0xba: {  	s0 =	sor.u32 s1, s0  }
0xbb: {  	s0 =	sadd.s32 $0x8F2B, s0  }
0xbc: {  	[sflag:s0] =	ssyncadd.remote.s32 $0x1  }
0xbd: {  	_ =	sfence.sel $0xFFFF  }
0xbe: {  	[dreg:$0x0] =	wrdreg $0xFFFFFFFF;
	(pc) =	sbr.abs _section_cstart, $3  }
0xbf: {  	[dreg:$0x1] =	wrdreg $0xFFFFFFFF  }
0xc0: {  	_ =	task.clear_ibuf [dreg:s6], $0x2FFFF;
	_ =	strace $0x9FFFFFFF  }
0xc1: {  	(tm) =	ssettm $0x7FFFFFFF  }
tec
execute0_lowered:
.L_overlay_start_1:
0x0: {  	(tag) =	ssettag $0x1  }
0x1: {  	s4 =	rddreg [dreg:$0x0];
	s1 =	srdreg.scid  }
0x2: {  	s0 =	rddreg [dreg:$0x1];
	s5 =	sand.u32 $0x1, s1  }
0x3: {  	s2 =	simm.s32 $0x0;
	s1 =	stileid.u32;
	s6 =	smul.u32 $0x27800, s5  }
0x4: {  	s10 =	simm.s32 $0x0;
	[smem:$0x7FF] =	sst s2;
	s7 =	smul.u32 $0x2780, s1  }
0x5: {  	s3 =	sadd.s32 $0x10200, s4;
	s8 =	smul.u32 $0x278000, s5;
	s5 =	ssub.s32 $0x2, s5  }
0x6: {  	_ =	strace $0x8000004A;
	s9 =	smul.u32 $0x27800, s1;
	s30 =	sshrl.u32 s5, $0x1  }
0x7: {  	s6 =	sadd.s32 s7, s6;
	s8 =	sadd.s32 s8, s4;
	s5 =	ssub.s32 s5, s30  }
0x8: {  	s7 =	simm.s32 $0x2;
	s6 =	sshrl.u32 s6, $0x3;
	s31 =	sadd.s32 s9, s8  }
0x9: {  	s8 =	simm.s32 $0x80;
	s9 =	simm.s32 $0x1;
	s6 =	sadd.s32 s6, s4  }
0xa: {  	s4 =	smax.u32 s5, $0x1;
	s5 =	sadd.s32 $0x60200, s31;
	s6 =	sadd.s32 $0x6400, s6  }
.LBB2_1:
0xb: {  	s11 =	sadd.s32 $0x0, s6  }
0xc: {  	[tilespmem:s2], [sflag:$0x2] =	stream.linear.gather [hbm4b:s11+s2], $0x80, $0x38;
	[tilespmem:$0x4080] =	vst v63  }
0xd: {  	_ =	swait.ge [sflag:s7], $0x80  }
0xe: {  	[sflag:s7] =	ssyncset.done $0x0  }
0xf: {  	[sflag:s7] =	ssyncadd.s32 $0xFFFFFF80  }
0x10: {  	[tilespmem:s8], [sflag:$0x1] =	stream.indirect.gather [hbm4b:s3+s8], $0x80, s2, s8, $0xb8;
	[tilespmem:$0x4080] =	vst v63  }
0x11: {  	_ =	swait.ge [sflag:s9], $0x4000  }
0x12: {  	[sflag:s9] =	ssyncset.done $0x0  }
0x13: {  	[sflag:s9] =	ssyncadd.s32 $0xFFFFC000  }
0x14: {  	[hbm4b:s5+s2] =	stream.linear.scatter [tilespmem:s8], [sflag:$0x2], $0x4000, $0x38;
	[tilespmem:$0x4080] =	vst v63  }
0x15: {  	s12 =	simm.s32 $0x10;
	_ =	swait.ge [sflag:s7], $0x4000  }
0x16: {  	s13 =	simm.s32 $0x20;
	s11 =	sadd.s32 $0x800, s5;
	[sflag:s7] =	ssyncset.done $0x0  }
.LBB2_2:
0x17: {  	s14 =	sadd.s32 s12, s6  }
0x18: {  	[sflag:s7] =	ssyncadd.s32 $0xFFFFC000;
	s12 =	smov.u32 s13;
	s15 =	sadd.s32 $0x10, s13  }
0x19: {  	[tilespmem:s2], [sflag:$0x2] =	stream.linear.gather [hbm4b:s14+s2], $0x80, $0x38;
	[tilespmem:$0x4080] =	vst v63  }
0x1a: {  	p0 =	sne.s32 s13, $0x4E0;
	_ =	swait.ge [sflag:s7], $0x80  }
0x1b: {  	[sflag:s7] =	ssyncset.done $0x0  }
0x1c: {  	[sflag:s7] =	ssyncadd.s32 $0xFFFFFF80  }
0x1d: {  	[tilespmem:s8], [sflag:$0x1] =	stream.indirect.gather [hbm4b:s3+s8], $0x80, s2, s8, $0xb8;
	[tilespmem:$0x4080] =	vst v63  }
0x1e: {  	_ =	swait.ge [sflag:s9], $0x4000  }
.Ltmp0:
0x1f: {  	[sflag:s9] =	ssyncset.done $0x0;
	(pc) =	sbr.rel @p0 .LBB2_2-.Ltmp0, $4  }
0x20: {  	[sflag:s9] =	ssyncadd.s32 $0xFFFFC000  }
0x21: {  	[hbm4b:s11+s2] =	stream.linear.scatter [tilespmem:s8], [sflag:$0x2], $0x4000, $0x38;
	[tilespmem:$0x4080] =	vst v63  }
0x22: {  	_ =	swait.ge [sflag:s7], $0x4000  }
0x23: {  	s13 =	smov.u32 s15;
	s11 =	sadd.s32 $0x800, s11;
	[sflag:s7] =	ssyncset.done $0x0  }
0x24: {  	s12 =	sadd.s32 s12, s6;
	[sflag:s7] =	ssyncadd.s32 $0xFFFFC000  }
0x25: {  	[tilespmem:s2], [sflag:$0x2] =	stream.linear.gather [hbm4b:s12+s2], $0x80, $0x38;
	[tilespmem:$0x4080] =	vst v63  }
0x26: {  	_ =	swait.ge [sflag:s7], $0x80  }
0x27: {  	[sflag:s7] =	ssyncset.done $0x0  }
0x28: {  	[sflag:s7] =	ssyncadd.s32 $0xFFFFFF80  }
0x29: {  	[tilespmem:s8], [sflag:$0x1] =	stream.indirect.gather [hbm4b:s3+s8], $0x80, s2, s8, $0xb8;
	[tilespmem:$0x4080] =	vst v63  }
0x2a: {  	s10 =	sadd.s32 $0x1, s10;
	_ =	swait.ge [sflag:s9], $0x4000  }
0x2b: {  	p0 =	sne.s32 s10, s4;
	[sflag:s9] =	ssyncset.done $0x0  }
.Ltmp1:
0x2c: {  	[sflag:s9] =	ssyncadd.s32 $0xFFFFC000;
	(pc) =	sbr.rel @p0 .LBB2_1-.Ltmp1, $4  }
0x2d: {  	[hbm4b:s11+s2] =	stream.linear.scatter [tilespmem:s8], [sflag:$0x2], $0x4000, $0x38;
	[tilespmem:$0x4080] =	vst v63  }
0x2e: {  	_ =	swait.ge [sflag:s7], $0x4000  }
0x2f: {  	[sflag:s7] =	ssyncset.done $0x0  }
0x30: {  	[sflag:s7] =	ssyncadd.s32 $0xFFFFC000  }
0x31: {  	_ =	sfence.sel $0x180000  }
0x32: {  	[bflag:$0x0] =	sbarrier.arrive $0xFFFF  }
0x33: {  	p0 =	sne.s32 s1, $0x0;
	_ =	strace $0x9000004A  }
0x34: {  	s0 =	sadd.s32 @!p0 $0x100000, s0;
	[bflag:$0x2] =	sbarrier.arrive $0xFFFF  }
0x35: {  	[sflag:s0] =	ssyncadd.tile.s32 @!p0 $0x1;
	_ =	shalt  }
.Lfunc_end2:
_tile_overlayer_lowered:
.L_overlay_start_2:
0x36: {  	(tag) =	ssettag $0x2  }
0x37: {  	s0 =	rddreg [dreg:$0x0];
	s2 =	stileid.u32  }
0x38: {  	s1 =	rddreg [dreg:$0x1];
	p0 =	sne.s32 s2, $0x0  }
0x39: {  	s3 =	rddreg [dreg:$0x2];
	[bflag:$0x3] =	sbarrier.arrive $0xFFFF;
	s2 =	simm.s32 @!p0 $0x1C02  }
0x3a: {  	[timem:s3], [sflag:s2] =	dma.local @!p0 [hbm:s0], s1  }
0x3b: {  	s0 =	simm.s32 @!p0 $0x2  }
0x3c: {  	_ =	swait.ge @!p0 [sflag:s0], s1  }
0x3d: {  	s1 =	ssub.s32 @!p0 $0x0, s1;
	[sflag:s0] =	ssyncset.done @!p0 $0x0  }
0x3e: {  	[sflag:s0] =	ssyncadd.s32 @!p0 s1  }
0x3f: {  	[bflag:$0x3] =	sbarrier.arrive $0xFFFF  }
0x40: {  	_ =	shalt  }

// kernel: kernel.17.cloned.1.call-start
scs
__scs_entry_jumppad:
0x0: {  	(pc) =	sbr.rel $0x88, $3  }
0x1: {  	(tag) =	ssettag $0x0;
	lr =	simm.s32 $0x1  }
0x2: {  	[smem:$0x3F8D] =	sst lr;
	_ =	strace $0xD0000000  }
0x3: {  	_ = 	snop  }
0x4: {  	_ = 	snop  }
0x5: {  	_ = 	snop  }
0x6: {  	_ = 	snop  }
0x7: {  	_ = 	snop  }
__scs_overlays_trampoline_lowered:
0x8: {  	[smem:$0x3F9C] =	sst s0  }
0x9: {  	[smem:$0x3F9D] =	sst s1  }
0xa: {  	[smem:$0x3F9E] =	sst s2  }
0xb: {  	[smem:$0x3F9F] =	sst s3  }
0xc: {  	[smem:$0x3FA0] =	sst s4  }
0xd: {  	[smem:$0x3FA1] =	sst s5  }
0xe: {  	[smem:$0x3FA2] =	sst s6  }
0xf: {  	[smem:$0x3FA3] =	sst s7  }
0x10: {  	[smem:$0x3FA4] =	sst s8  }
0x11: {  	[smem:$0x3FA5] =	sst s9;
	s0 =	simm.s32 @!p0 $0x0  }
0x12: {  	s1 =	sld [smem:$0x3F8B];
	s0 =	simm.s32 @p0 $0x1  }
0x13: {  	[smem:$0x3FA6] =	sst s0;
	s0 =	simm.s32 @!p1 $0x0  }
0x14: {  	s2 =	sld [smem:$0x3F8A];
	s0 =	simm.s32 @p1 $0x1  }
0x15: {  	[smem:$0x3FA7] =	sst s0;
	s0 =	simm.s32 @!p2 $0x0  }
0x16: {  	s3 =	sld [smem:$0x3FDB];
	s0 =	simm.s32 @p2 $0x1  }
0x17: {  	s4 =	simm.s32 $0x1BF5;
	[smem:$0x3FA9] =	sst s0  }
0x18: {  	s0 =	sld [smem:$0x3F8C];
	_ =	swait.ge [sflag:s4], $0x0  }
0x19: {  	s7 =	sld [smem:$0x3F8D]  }
0x1a: {  	s8 =	sadd.s32 $0xFFFFE003, lr  }
0x1b: {  	s9 =	sadd.s32 $0xFFFFFEF7, lr;
	s5 =	simm.s32 $0xFFFFFFFF;
	p2 =	slt.u32 s8, $0xFFFFF086  }
0x1c: {  	p1 =	slt.u32 s9, $0xF7A;
	s5 =	simm.s32 @!p2 $0x0  }
0x1d: {  	s5 =	simm.s32 @p1 $0x1;
	p0 =	seq.s32 s7, s2  }
0x1e: {  	s7 =	smul.u32 @!p0 $0xF7A, s2;
	p2 =	seq.s32 @!p0 s5, $0x0  }
0x1f: {  	s9 =	smul.u32 $0xF7A, s1;
	s8 =	simm.s32 @!p0 $0x1BF5;
	p2 =	por !p2, p0  }
0x20: {  	[sflag:s8] =	ssyncset.s32 @!p0 $0xFFFFF086;
	s6 =	sadd.s32 @!p0 s3, s7;
	s7 =	simm.s32 @!p0 $0x108  }
0x21: {  	s3 =	sadd.s32 s3, s9;
	s6 =	sadd.s32 @!p0 $0x88, s6;
	s7 =	simm.s32 @p2 $0x1082  }
0x22: {  	[simem:s7], [sflag:s8] =	dma.local @!p0 [hbm:s6], $0xF7A  }
0x23: {  	s9 =	sor.u32 $0xD0000000, s2;
	s6 =	simm.s32 $0x108;
	_ =	swait.ge @!p0 [sflag:s8], $0x0  }
0x24: {  	s3 =	sadd.s32 $0x88, s3;
	s6 =	simm.s32 @!p1 $0x1082;
	[sflag:s4] =	ssyncset.s32 $0xFFFFF086  }
0x25: {  	[simem:s6], [sflag:s4] =	dma.local [hbm:s3], $0xF7A  }
0x26: {  	[smem:$0x3F8D] =	sst s1;
	(tag) =	ssettag s2;
	_ =	strace s9  }
0x27: {  	s1 =	sld [smem:$0x3F9D]  }
0x28: {  	s2 =	sld [smem:$0x3F9E]  }
0x29: {  	s4 =	sld [smem:$0x3FA0]  }
0x2a: {  	p0 =	seq.s32 s5, $0x0;
	s5 =	sld [smem:$0x3FA1]  }
0x2b: {  	s6 =	sld [smem:$0x3FA2]  }
0x2c: {  	s7 =	sld [smem:$0x3FA3]  }
0x2d: {  	s3 =	simm.s32 $0x108;
	s8 =	sld [smem:$0x3FA4]  }
0x2e: {  	s3 =	simm.s32 @!p0 $0x1082;
	s9 =	sld [smem:$0x3FA5]  }
0x2f: {  	lr =	sadd.s32 s0, s3;
	s0 =	sld [smem:$0x3F9C]  }
0x30: {  	s3 =	sld [smem:$0x3F9F]  }
0x31: {  	[smem:$0x3FA8] =	sst s10  }
0x32: {  	s10 =	sld [smem:$0x3FA6];
	_ =	sdelay $0x3  }
0x33: {  	p0 =	seq.s32 s10, $0x1;
	s10 =	sld [smem:$0x3FA8];
	_ =	sdelay $0x3  }
0x34: {  	[smem:$0x3FA8] =	sst s10  }
0x35: {  	s10 =	sld [smem:$0x3FA7];
	_ =	sdelay $0x3  }
0x36: {  	p1 =	seq.s32 s10, $0x1;
	s10 =	sld [smem:$0x3FA8];
	_ =	sdelay $0x3  }
0x37: {  	[smem:$0x3FA8] =	sst s10  }
0x38: {  	s10 =	sld [smem:$0x3FA9]  }
0x39: {  	_ = 	snop;
	(pc) =	sbr.ind lr, $3  }
0x3a: {  	_ = 	snop  }
0x3b: {  	_ = 	snop  }
0x3c: {  	p2 =	seq.s32 s10, $0x1;
	s10 =	sld [smem:$0x3FA8]  }
0x3d: {  	_ =	shalt  }
0x3e: {  	_ =	shalt  }
0x3f: {  	_ =	shalt  }
0x40: {  	_ =	shalt  }
0x41: {  	_ =	shalt  }
0x42: {  	_ =	shalt  }
0x43: {  	_ =	shalt  }
0x44: {  	_ =	shalt  }
0x45: {  	_ =	shalt  }
0x46: {  	_ =	shalt  }
0x47: {  	_ =	shalt  }
0x48: {  	_ =	shalt  }
0x49: {  	_ =	shalt  }
0x4a: {  	_ =	shalt  }
0x4b: {  	_ =	shalt  }
0x4c: {  	_ =	shalt  }
0x4d: {  	_ =	shalt  }
0x4e: {  	_ =	shalt  }
0x4f: {  	_ =	shalt  }
0x50: {  	_ =	shalt  }
0x51: {  	_ =	shalt  }
0x52: {  	_ =	shalt  }
0x53: {  	_ =	shalt  }
0x54: {  	_ =	shalt  }
0x55: {  	_ =	shalt  }
0x56: {  	_ =	shalt  }
0x57: {  	_ =	shalt  }
0x58: {  	_ =	shalt  }
0x59: {  	_ =	shalt  }
0x5a: {  	_ =	shalt  }
0x5b: {  	_ =	shalt  }
0x5c: {  	_ =	shalt  }
0x5d: {  	_ =	shalt  }
0x5e: {  	_ =	shalt  }
0x5f: {  	_ =	shalt  }
0x60: {  	_ =	shalt  }
0x61: {  	_ =	shalt  }
0x62: {  	_ =	shalt  }
0x63: {  	_ =	shalt  }
0x64: {  	_ =	shalt  }
0x65: {  	_ =	shalt  }
0x66: {  	_ =	shalt  }
0x67: {  	_ =	shalt  }
0x68: {  	_ =	shalt  }
0x69: {  	_ =	shalt  }
0x6a: {  	_ =	shalt  }
0x6b: {  	_ =	shalt  }
0x6c: {  	_ =	shalt  }
0x6d: {  	_ =	shalt  }
0x6e: {  	_ =	shalt  }
0x6f: {  	_ =	shalt  }
0x70: {  	_ =	shalt  }
0x71: {  	_ =	shalt  }
0x72: {  	_ =	shalt  }
0x73: {  	_ =	shalt  }
0x74: {  	_ =	shalt  }
0x75: {  	_ =	shalt  }
0x76: {  	_ =	shalt  }
0x77: {  	_ =	shalt  }
0x78: {  	_ =	shalt  }
0x79: {  	_ =	shalt  }
0x7a: {  	_ =	shalt  }
0x7b: {  	_ =	shalt  }
0x7c: {  	_ =	shalt  }
0x7d: {  	_ =	shalt  }
0x7e: {  	_ =	shalt  }
0x7f: {  	_ =	shalt  }
0x80: {  	_ =	shalt  }
0x81: {  	_ =	shalt  }
0x82: {  	_ =	shalt  }
0x83: {  	_ =	shalt  }
0x84: {  	_ =	shalt  }
0x85: {  	_ =	shalt  }
0x86: {  	_ =	shalt  }
0x87: {  	_ =	shalt  }
.Lfunc_end0:
.L_simem_size_0:
called_computation.2_lowered:
.L_overlay_start_0:
0x88: {  	s2 =	sld [smem:$0x3FD9]  }
0x89: {  	s3 =	sld [smem:$0x3FFE];
	_ =	sdelay $0x1  }
0x8a: {  	s1 =	srdreg.scid  }
0x8b: {  	s0 =	sand.u32 $0x1, s1  }
0x8c: {  	s17 =	sshll.u32 s0, $0xA;
	s2 =	sadd.s32 s3, s2  }
0x8d: {  	s2 =	sadd.s32 s2, s17  }
0x8e: {  	[smem:$0x3FB4] =	sst s2  }
0x8f: {  	_ = 	snop  }
0x90: {  	s2 =	sld [smem:$0x3FD0];
	(tm) =	ssettm $0x1  }
0x91: {  	s18 =	sld [smem:$0x3FFB];
	_ =	sdelay $0x3  }
0x92: {  	_ =	strace s18  }
0x93: {  	s3 =	sld [smem:$0x3FFC];
	_ =	sdelay $0x3  }
0x94: {  	_ =	strace s3  }
0x95: {  	s3 =	sld [smem:$0x3FFD];
	_ =	sdelay $0x3  }
0x96: {  	_ =	strace s3  }
0x97: {  	_ =	strace $0x8FFFFFFF  }
0x98: {  	s19 =	sld [smem:$0x3FDB];
	_ =	sdelay $0x1  }
0x99: {  	s4 =	simm.s32 $_scs_section_size  }
0x9a: {  	s5 =	simm.s32 $_size__tile_overlayer_lowered;
	s6 =	simm.s32 $_tile_overlayer_lowered  }
0x9b: {  	s22 =	simm.s32 $0x1BFF;
	s21 =	sshll.u32 s6, $0x1;
	s3 =	sadd.s32 s4, s19  }
0x9c: {  	s7 =	simm.s32 $0x0;
	s20 =	sshll.u32 s5, $0x1;
	s5 =	sadd.s32 s21, s3  }
0x9d: {  	[timem:s7], [sflag:s22] =	dma.local [hbm:s5], s20  }
0x9e: {  	_ =	swait.ge [sflag:s22], s20  }
0x9f: {  	s4 =	ssub.s32 $0x0, s20;
	[sflag:s22] =	ssyncset.done $0x0  }
0xa0: {  	[sflag:s22] =	ssyncadd.s32 s4;
	_ =	sdelay $0x1  }
0xa1: {  	s23 =	simm.s32 $0x1B8B  }
0xa2: {  	_ =	swait.ge [sflag:s23], $0x1  }
0xa3: {  	[sflag:s23] =	ssyncset.done $0x0  }
0xa4: {  	s25 =	simm.s32 $0x1B8E;
	s24 =	sld [smem:$0x3FFE];
	[sflag:s23] =	ssyncadd.s32 $0xFFFFFFFF  }
0xa5: {  	s26 =	simm.s32 $execute0_lowered;
	[smem:$0x3FD2] =	sst s25  }
0xa6: {  	s5 =	sshll.u32 s26, $0x1;
	_ =	strace $0x8000004C;
	[dreg:$0x1] =	wrdreg $0xFFFFFFFF  }
0xa7: {  	s28 =	simm.s32 $_size_execute0_lowered;
	s3 =	sadd.s32 s3, s5;
	[dreg:$0x0] =	wrdreg $0x0  }
0xa8: {  	s5 =	sshll.u32 s28, $0x1;
	[dreg:$0x2] =	wrdreg s3  }
0xa9: {  	[dreg:$0x3] =	wrdreg s5  }
0xaa: {  	[dreg:$0x4] =	wrdreg $0xC0  }
0xab: {  	_ =	task [dreg:s7], $0x5FFFF  }
0xac: {  	[dreg:$0x1] =	wrdreg $0xFFFFFFFF  }
0xad: {  	[dreg:$0x0] =	wrdreg $0x60  }
0xae: {  	[dreg:$0x2] =	wrdreg s24  }
0xaf: {  	[dreg:$0x3] =	wrdreg s2  }
0xb0: {  	[dreg:$0x4] =	wrdreg $0x9  }
0xb1: {  	_ =	task.clear_ibuf [dreg:s7], $0x5FFFF;
	_ =	strace $0x9000004C  }
0xb2: {  	s29 =	simm.s32 $0x9;
	_ =	strace $0x8000004E  }
0xb3: {  	_ =	swait.ge [sflag:s29], $0x1  }
0xb4: {  	[sflag:s29] =	ssyncadd.s32 $0xFFFFFFFF  }
0xb5: {  	_ =	strace $0x9000004E  }
0xb6: {  	_ =	sfence  }
0xb7: {  	s30 =	sld [smem:$0x0];
	_ =	sdelay $0x2  }
0xb8: {  	s31 =	sshll.u32 s1, $0xD;
	s1 =	sshrl.u32 s1, $0x2  }
0xb9: {  	s3 =	sand.u32 $0x4000, s31;
	s1 =	sadd.s32 s1, s30  }
0xba: {  	s0 =	sor.u32 s3, s0;
	s1 =	sshll.u32 s1, $0x11  }
0xbb: {  	s0 =	sor.u32 s1, s0  }
0xbc: {  	s0 =	sadd.s32 $0x8F2B, s0  }
0xbd: {  	[sflag:s0] =	ssyncadd.remote.s32 $0x1  }
0xbe: {  	_ =	sfence.sel $0xFFFF  }
0xbf: {  	[dreg:$0x0] =	wrdreg $0xFFFFFFFF;
	(pc) =	sbr.abs _section_cstart, $3  }
0xc0: {  	[dreg:$0x1] =	wrdreg $0xFFFFFFFF  }
0xc1: {  	_ =	task.clear_ibuf [dreg:s7], $0x2FFFF;
	_ =	strace $0x9FFFFFFF  }
0xc2: {  	(tm) =	ssettm $0x7FFFFFFF  }
0xc3: {  	_ =	shalt  }
tec
execute0_lowered:
.L_overlay_start_1:
0x0: {  	(tag) =	ssettag $0x1  }
0x1: {  	s0 =	rddreg [dreg:$0x0];
	s1 =	simm.s32 $0x0  }
0x2: {  	s25 =	srdreg.scid;
	s7 =	stileid.u32;
	s10 =	simm.s32 $0x3  }
0x3: {  	s17 =	simm.s32 $0xBA00;
	s18 =	simm.s32 $0xBA80;
	s19 =	simm.s32 $0xBB00  }
0x4: {  	s20 =	simm.s32 $0xBB80;
	s21 =	simm.s32 $0xBC00;
	s22 =	simm.s32 $0xBC80  }
0x5: {  	v7 =	vlaneseq.u32;
	s23 =	simm.s32 $0xBD00;
	s24 =	simm.s32 $0xBD80;
	s28 =	simm.s32 $0xBF00  }
0x6: {  	v0 =	vimm.f32 $0.0e+00;
	v2 =	vimm.s32 $0x7;
	v4 =	vimm.s32 $0x3;
	s29 =	simm.s32 $0xBF80;
	s30 =	simm.s32 $0xC000;
	s31 =	simm.s32 $0xC080  }
0x7: {  	vm0 =	vmmov $0xffff;
	v6 =	vimm.s32 $0x0;
	vm1 =	vmmov $0x1;
	s9 =	simm.s32 $0xC100;
	[smem:$0x7FF] =	sst s1;
	s1 =	sand.u32 $0x1, s25  }
0x8: {  	v8 =	vimm.s32 $0x1;
	v9 =	vimm.s32 $0x2;
	v10 =	vimm.s32 $0x4;
	s4 =	sadd.s32 $0x10200, s0;
	s5 =	sadd.s32 $0x6400, s0;
	s6 =	sadd.s32 $0x88200, s0  }
0x9: {  	v11 =	vimm.s32 $0x5;
	v12 =	vimm.s32 $0x6;
	v13 =	vimm.s32 $0x8;
	s8 =	sadd.s32 $0x10300, s0;
	s25 =	simm.s32 $0xBE00;
	s2 =	ssub.s32 $0x2, s1  }
0xa: {  	v14 =	vimm.s32 $0x9;
	v15 =	vimm.s32 $0xA;
	v16 =	vimm.s32 $0xB;
	s0 =	simm.s32 $0x1;
	s1 =	sshll.u32 s1, $0x4;
	s3 =	sshrl.u32 s2, $0x1  }
0xb: {  	v17 =	vimm.s32 $0xC;
	v18 =	vimm.s32 $0xD;
	v19 =	vimm.s32 $0xE;
	_ =	strace $0x8000004D;
	s1 =	sor.u32 s7, s1;
	s2 =	ssub.s32 s2, s3  }
0xc: {  	v20 =	vimm.s32 $0xF;
	v1 =	vand.u32 $0x7, v7;
	v3 =	vshrl.u32 v7, $0x3;
	s7 =	smul.u32 $0x2780, s1;
	s3 =	simm.s32 $0x2;
	s26 =	smax.u32 s2, $0x1  }
0xd: {  	v5 =	vor.u32 $0x8, v7;
	v7 =	vmul.u32 $0x8, v7;
	v3 =	vmul.u32 $0x8, v3;
	s2 =	simm.s32 $0x0;
	[dreg:$0x3] =	wrdreg s26;
	s26 =	simm.s32 $0xBE80  }
.LBB2_1:
0xe: {  	[dreg:$0x4] =	wrdreg s2;
	[tilespmem:$0x14110] =	vst v0;
	s1 =	simm.s32 $0x0  }
.LBB2_2:
0xf: {  	s2 =	sshll.u32 s1, $0x7  }
0x10: {  	s2 =	sadd.s32 s7, s2  }
0x11: {  	s12 =	sshrl.u32 s2, $0x3  }
0x12: {  	s11 =	simm.s32 $0x0;
	s13 =	sadd.s32 s5, s12  }
0x13: {  	[tilespmem:s11], [sflag:$0x3] =	stream.linear.gather [hbm4b:s13+s11], $0x80, $0x38;
	[tilespmem:$0x14180] =	vst v63  }
0x14: {  	_ =	swait.ge [sflag:s10], $0x80  }
0x15: {  	[sflag:s10] =	ssyncset.done $0x0  }
0x16: {  	[sflag:s10] =	ssyncadd.s32 $0xFFFFFF80  }
0x17: {  	s15 =	rddreg [dreg:$0x1]  }
0x18: {  	s16 =	simm.s32 $0x80;
	s12 =	sadd.s32 s15, s12  }
0x19: {  	[tilespmem:s16], [sflag:$0x3] =	stream.linear.gather [hbm4b:s12+s11], $0x80, $0x38;
	[tilespmem:$0x14180] =	vst v63  }
0x1a: {  	_ =	swait.ge [sflag:s10], $0x80  }
0x1b: {  	[sflag:s10] =	ssyncset.done $0x0  }
0x1c: {  	[sflag:s10] =	ssyncadd.s32 $0xFFFFFF80  }
0x1d: {  	v21 =	vld [tilespmem:$0x0];
	_ =	sdelay $0x4  }
0x1e: {  	v22 =	vshrl.u32 v21, $0x3  }
0x1f: {  	v22 =	vmul.u32 $0x18, v22  }
0x20: {  	v21 =	vand.u32 $0x7, v21  }
0x21: {  	v21 =	vor.u32 v21, v22  }
0x22: {  	v22 =	vperm.xlane v21, v1;
	_ =	sdelay $0x1  }
0x23: {  	v21 =	vperm.xlane v21, v5;
	v22 =	vadd.s32 v3, v22;
	_ =	sdelay $0x1  }
0x24: {  	v21 =	vadd.s32 v3, v21;
	_ =	sdelay $0x1  }
0x25: {  	s13 =	simm.s32 $0x100  }
0x26: {  	[tilespmem:s13], [sflag:$0x1] =	stream.indirect_vreg.gather [hbm4b:s4+s11], $0x80, v22, vm0, $0xb8;
	[tilespmem:$0x14180] =	vst v63  }
0x27: {  	s14 =	simm.s32 $0x900  }
0x28: {  	[tilespmem:s14], [sflag:$0x1] =	stream.indirect_vreg.gather [hbm4b:s4+s11], $0x80, v21, vm0, $0xb8;
	[tilespmem:$0x14180] =	vst v63  }
0x29: {  	v21 =	vld [tilespmem:$0x10];
	_ =	sdelay $0x4  }
0x2a: {  	v22 =	vshrl.u32 v21, $0x3  }
0x2b: {  	v22 =	vmul.u32 $0x18, v22  }
0x2c: {  	v21 =	vand.u32 $0x7, v21  }
0x2d: {  	v21 =	vor.u32 v21, v22  }
0x2e: {  	v22 =	vperm.xlane v21, v1;
	_ =	sdelay $0x1  }
0x2f: {  	v21 =	vperm.xlane v21, v5;
	v22 =	vadd.s32 v3, v22;
	_ =	sdelay $0x1  }
0x30: {  	v21 =	vadd.s32 v3, v21;
	_ =	sdelay $0x1  }
0x31: {  	s15 =	simm.s32 $0x1100  }
0x32: {  	[tilespmem:s15], [sflag:$0x1] =	stream.indirect_vreg.gather [hbm4b:s4+s11], $0x80, v22, vm0, $0xb8;
	[tilespmem:$0x14180] =	vst v63  }
0x33: {  	s16 =	simm.s32 $0x1900  }
0x34: {  	[tilespmem:s16], [sflag:$0x1] =	stream.indirect_vreg.gather [hbm4b:s4+s11], $0x80, v21, vm0, $0xb8;
	[tilespmem:$0x14180] =	vst v63  }
0x35: {  	v21 =	vld [tilespmem:$0x20];
	_ =	sdelay $0x4  }
0x36: {  	v22 =	vshrl.u32 v21, $0x3  }
0x37: {  	v22 =	vmul.u32 $0x18, v22  }
0x38: {  	v21 =	vand.u32 $0x7, v21  }
0x39: {  	v21 =	vor.u32 v21, v22  }
0x3a: {  	v22 =	vperm.xlane v21, v1;
	_ =	sdelay $0x1  }
0x3b: {  	v21 =	vperm.xlane v21, v5;
	v22 =	vadd.s32 v3, v22;
	_ =	sdelay $0x1  }
0x3c: {  	v21 =	vadd.s32 v3, v21;
	_ =	sdelay $0x1  }
0x3d: {  	s13 =	simm.s32 $0x2100  }
0x3e: {  	[tilespmem:s13], [sflag:$0x1] =	stream.indirect_vreg.gather [hbm4b:s4+s11], $0x80, v22, vm0, $0xb8;
	[tilespmem:$0x14180] =	vst v63  }
0x3f: {  	s14 =	simm.s32 $0x2900  }
0x40: {  	[tilespmem:s14], [sflag:$0x1] =	stream.indirect_vreg.gather [hbm4b:s4+s11], $0x80, v21, vm0, $0xb8;
	[tilespmem:$0x14180] =	vst v63  }
0x41: {  	v21 =	vld [tilespmem:$0x30];
	_ =	sdelay $0x4  }
0x42: {  	v22 =	vshrl.u32 v21, $0x3  }
0x43: {  	v22 =	vmul.u32 $0x18, v22  }
0x44: {  	v21 =	vand.u32 $0x7, v21  }
0x45: {  	v21 =	vor.u32 v21, v22  }
0x46: {  	v22 =	vperm.xlane v21, v1;
	_ =	sdelay $0x1  }
0x47: {  	v21 =	vperm.xlane v21, v5;
	v22 =	vadd.s32 v3, v22;
	_ =	sdelay $0x1  }
0x48: {  	v21 =	vadd.s32 v3, v21;
	_ =	sdelay $0x1  }
0x49: {  	s15 =	simm.s32 $0x3100  }
0x4a: {  	[tilespmem:s15], [sflag:$0x1] =	stream.indirect_vreg.gather [hbm4b:s4+s11], $0x80, v22, vm0, $0xb8;
	[tilespmem:$0x14180] =	vst v63  }
0x4b: {  	s16 =	simm.s32 $0x3900  }
0x4c: {  	[tilespmem:s16], [sflag:$0x1] =	stream.indirect_vreg.gather [hbm4b:s4+s11], $0x80, v21, vm0, $0xb8;
	[tilespmem:$0x14180] =	vst v63  }
0x4d: {  	v21 =	vld [tilespmem:$0x40];
	_ =	sdelay $0x4  }
0x4e: {  	v22 =	vshrl.u32 v21, $0x3  }
0x4f: {  	v22 =	vmul.u32 $0x18, v22  }
0x50: {  	v21 =	vand.u32 $0x7, v21  }
0x51: {  	v21 =	vor.u32 v21, v22  }
0x52: {  	v22 =	vperm.xlane v21, v1;
	_ =	sdelay $0x1  }
0x53: {  	v21 =	vperm.xlane v21, v5;
	v22 =	vadd.s32 v3, v22;
	_ =	sdelay $0x1  }
0x54: {  	v21 =	vadd.s32 v3, v21;
	_ =	sdelay $0x1  }
0x55: {  	s13 =	simm.s32 $0x4100  }
0x56: {  	[tilespmem:s13], [sflag:$0x1] =	stream.indirect_vreg.gather [hbm4b:s4+s11], $0x80, v22, vm0, $0xb8;
	[tilespmem:$0x14180] =	vst v63  }
0x57: {  	s14 =	simm.s32 $0x4900  }
0x58: {  	[tilespmem:s14], [sflag:$0x1] =	stream.indirect_vreg.gather [hbm4b:s4+s11], $0x80, v21, vm0, $0xb8;
	[tilespmem:$0x14180] =	vst v63  }
0x59: {  	v21 =	vld [tilespmem:$0x50];
	_ =	sdelay $0x4  }
0x5a: {  	v22 =	vshrl.u32 v21, $0x3  }
0x5b: {  	v22 =	vmul.u32 $0x18, v22  }
0x5c: {  	v21 =	vand.u32 $0x7, v21  }
0x5d: {  	v21 =	vor.u32 v21, v22  }
0x5e: {  	v22 =	vperm.xlane v21, v1;
	_ =	sdelay $0x1  }
0x5f: {  	v21 =	vperm.xlane v21, v5;
	v22 =	vadd.s32 v3, v22;
	_ =	sdelay $0x1  }
0x60: {  	v21 =	vadd.s32 v3, v21;
	_ =	sdelay $0x1  }
0x61: {  	s15 =	simm.s32 $0x5100  }
0x62: {  	[tilespmem:s15], [sflag:$0x1] =	stream.indirect_vreg.gather [hbm4b:s4+s11], $0x80, v22, vm0, $0xb8;
	[tilespmem:$0x14180] =	vst v63  }
0x63: {  	s16 =	simm.s32 $0x5900  }
0x64: {  	[tilespmem:s16], [sflag:$0x1] =	stream.indirect_vreg.gather [hbm4b:s4+s11], $0x80, v21, vm0, $0xb8;
	[tilespmem:$0x14180] =	vst v63  }
0x65: {  	v21 =	vld [tilespmem:$0x60];
	_ =	sdelay $0x4  }
0x66: {  	v22 =	vshrl.u32 v21, $0x3  }
0x67: {  	v22 =	vmul.u32 $0x18, v22  }
0x68: {  	v21 =	vand.u32 $0x7, v21  }
0x69: {  	v21 =	vor.u32 v21, v22  }
0x6a: {  	v22 =	vperm.xlane v21, v1;
	_ =	sdelay $0x1  }
0x6b: {  	v21 =	vperm.xlane v21, v5;
	v22 =	vadd.s32 v3, v22;
	_ =	sdelay $0x1  }
0x6c: {  	v21 =	vadd.s32 v3, v21;
	_ =	sdelay $0x1  }
0x6d: {  	s13 =	simm.s32 $0x6100  }
0x6e: {  	[tilespmem:s13], [sflag:$0x1] =	stream.indirect_vreg.gather [hbm4b:s4+s11], $0x80, v22, vm0, $0xb8;
	[tilespmem:$0x14180] =	vst v63  }
0x6f: {  	s14 =	simm.s32 $0x6900  }
0x70: {  	[tilespmem:s14], [sflag:$0x1] =	stream.indirect_vreg.gather [hbm4b:s4+s11], $0x80, v21, vm0, $0xb8;
	[tilespmem:$0x14180] =	vst v63  }
0x71: {  	v21 =	vld [tilespmem:$0x70];
	_ =	sdelay $0x4  }
0x72: {  	v22 =	vshrl.u32 v21, $0x3  }
0x73: {  	v22 =	vmul.u32 $0x18, v22  }
0x74: {  	v21 =	vand.u32 $0x7, v21  }
0x75: {  	v21 =	vor.u32 v21, v22  }
0x76: {  	v22 =	vperm.xlane v21, v1;
	_ =	sdelay $0x1  }
0x77: {  	v21 =	vperm.xlane v21, v5;
	v22 =	vadd.s32 v3, v22;
	_ =	sdelay $0x1  }
0x78: {  	v21 =	vadd.s32 v3, v21;
	_ =	sdelay $0x1  }
0x79: {  	s15 =	simm.s32 $0x7100  }
0x7a: {  	[tilespmem:s15], [sflag:$0x1] =	stream.indirect_vreg.gather [hbm4b:s4+s11], $0x80, v22, vm0, $0xb8;
	[tilespmem:$0x14180] =	vst v63  }
0x7b: {  	s16 =	simm.s32 $0x7900  }
0x7c: {  	[tilespmem:s16], [sflag:$0x1] =	stream.indirect_vreg.gather [hbm4b:s4+s11], $0x80, v21, vm0, $0xb8;
	[tilespmem:$0x14180] =	vst v63  }
0x7d: {  	v21 =	vld [tilespmem:$0x80];
	_ =	sdelay $0x4  }
0x7e: {  	v22 =	vshrl.u32 v21, $0x3  }
0x7f: {  	v22 =	vmul.u32 $0x18, v22  }
0x80: {  	v21 =	vand.u32 $0x7, v21  }
0x81: {  	v21 =	vor.u32 v21, v22  }
0x82: {  	v22 =	vperm.xlane v21, v6;
	_ =	sdelay $0x1  }
0x83: {  	v23 =	vperm.xlane v21, v8;
	v22 =	vadd.s32 v7, v22;
	_ =	sdelay $0x1  }
0x84: {  	v24 =	vperm.xlane v21, v9;
	v23 =	vadd.s32 v7, v23;
	_ =	sdelay $0x1  }
0x85: {  	s13 =	simm.s32 $0x8100;
	v25 =	vperm.xlane v21, v4;
	v24 =	vadd.s32 v7, v24  }
0x86: {  	[tilespmem:s13], [sflag:$0x2] =	stream.indirect_vreg.gather [hbm4b:s8+s11], $0x80, v22, vm1, $0xb8;
	[tilespmem:$0x14180] =	vst v63  }
0x87: {  	s14 =	simm.s32 $0x8180;
	v22 =	vadd.s32 v7, v25;
	v25 =	vperm.xlane v21, v10  }
0x88: {  	[tilespmem:s14], [sflag:$0x2] =	stream.indirect_vreg.gather [hbm4b:s8+s11], $0x80, v23, vm1, $0xb8;
	[tilespmem:$0x14180] =	vst v63  }
0x89: {  	s15 =	simm.s32 $0x8200;
	v23 =	vadd.s32 v7, v25;
	v25 =	vperm.xlane v21, v11  }
0x8a: {  	[tilespmem:s15], [sflag:$0x2] =	stream.indirect_vreg.gather [hbm4b:s8+s11], $0x80, v24, vm1, $0xb8;
	[tilespmem:$0x14180] =	vst v63  }
0x8b: {  	s16 =	simm.s32 $0x8280;
	v24 =	vadd.s32 v7, v25;
	v25 =	vperm.xlane v21, v12  }
0x8c: {  	[tilespmem:s16], [sflag:$0x2] =	stream.indirect_vreg.gather [hbm4b:s8+s11], $0x80, v22, vm1, $0xb8;
	[tilespmem:$0x14180] =	vst v63  }
0x8d: {  	s13 =	simm.s32 $0x8300;
	v22 =	vadd.s32 v7, v25;
	v25 =	vperm.xlane v21, v2  }
0x8e: {  	[tilespmem:s13], [sflag:$0x2] =	stream.indirect_vreg.gather [hbm4b:s8+s11], $0x80, v23, vm1, $0xb8;
	[tilespmem:$0x14180] =	vst v63  }
0x8f: {  	s14 =	simm.s32 $0x8380;
	v23 =	vadd.s32 v7, v25;
	v25 =	vperm.xlane v21, v13  }
0x90: {  	[tilespmem:s14], [sflag:$0x2] =	stream.indirect_vreg.gather [hbm4b:s8+s11], $0x80, v24, vm1, $0xb8;
	[tilespmem:$0x14180] =	vst v63  }
0x91: {  	s15 =	simm.s32 $0x8400;
	v24 =	vadd.s32 v7, v25;
	v25 =	vperm.xlane v21, v14  }
0x92: {  	[tilespmem:s15], [sflag:$0x2] =	stream.indirect_vreg.gather [hbm4b:s8+s11], $0x80, v22, vm1, $0xb8;
	[tilespmem:$0x14180] =	vst v63  }
0x93: {  	s16 =	simm.s32 $0x8480;
	v22 =	vadd.s32 v7, v25;
	v25 =	vperm.xlane v21, v15  }
0x94: {  	[tilespmem:s16], [sflag:$0x2] =	stream.indirect_vreg.gather [hbm4b:s8+s11], $0x80, v23, vm1, $0xb8;
	[tilespmem:$0x14180] =	vst v63  }
0x95: {  	s13 =	simm.s32 $0x8500;
	v23 =	vadd.s32 v7, v25;
	v25 =	vperm.xlane v21, v16  }
0x96: {  	[tilespmem:s13], [sflag:$0x2] =	stream.indirect_vreg.gather [hbm4b:s8+s11], $0x80, v24, vm1, $0xb8;
	[tilespmem:$0x14180] =	vst v63  }
0x97: {  	s14 =	simm.s32 $0x8580;
	v24 =	vadd.s32 v7, v25;
	v25 =	vperm.xlane v21, v17  }
0x98: {  	[tilespmem:s14], [sflag:$0x2] =	stream.indirect_vreg.gather [hbm4b:s8+s11], $0x80, v22, vm1, $0xb8;
	[tilespmem:$0x14180] =	vst v63  }
0x99: {  	s15 =	simm.s32 $0x8600;
	v22 =	vadd.s32 v7, v25;
	v25 =	vperm.xlane v21, v18  }
0x9a: {  	[tilespmem:s15], [sflag:$0x2] =	stream.indirect_vreg.gather [hbm4b:s8+s11], $0x80, v23, vm1, $0xb8;
	[tilespmem:$0x14180] =	vst v63  }
0x9b: {  	s16 =	simm.s32 $0x8680;
	v23 =	vadd.s32 v7, v25;
	v25 =	vperm.xlane v21, v19  }
0x9c: {  	[tilespmem:s16], [sflag:$0x2] =	stream.indirect_vreg.gather [hbm4b:s8+s11], $0x80, v24, vm1, $0xb8;
	[tilespmem:$0x14180] =	vst v63  }
0x9d: {  	s13 =	simm.s32 $0x8700;
	v21 =	vperm.xlane v21, v20;
	v24 =	vadd.s32 v7, v25  }
0x9e: {  	[tilespmem:s13], [sflag:$0x2] =	stream.indirect_vreg.gather [hbm4b:s8+s11], $0x80, v22, vm1, $0xb8;
	[tilespmem:$0x14180] =	vst v63  }
0x9f: {  	s14 =	simm.s32 $0x8780;
	v21 =	vadd.s32 v7, v21  }
0xa0: {  	[tilespmem:s14], [sflag:$0x2] =	stream.indirect_vreg.gather [hbm4b:s8+s11], $0x80, v23, vm1, $0xb8;
	[tilespmem:$0x14180] =	vst v63  }
0xa1: {  	s15 =	simm.s32 $0x8800  }
0xa2: {  	[tilespmem:s15], [sflag:$0x2] =	stream.indirect_vreg.gather [hbm4b:s8+s11], $0x80, v24, vm1, $0xb8;
	[tilespmem:$0x14180] =	vst v63  }
0xa3: {  	s16 =	simm.s32 $0x8880  }
0xa4: {  	[tilespmem:s16], [sflag:$0x2] =	stream.indirect_vreg.gather [hbm4b:s8+s11], $0x80, v21, vm1, $0xb8;
	[tilespmem:$0x14180] =	vst v63  }
0xa5: {  	v21 =	vld [tilespmem:$0x90];
	_ =	sdelay $0x4  }
0xa6: {  	v22 =	vshrl.u32 v21, $0x3  }
0xa7: {  	v22 =	vmul.u32 $0x18, v22  }
0xa8: {  	v21 =	vand.u32 $0x7, v21  }
0xa9: {  	v21 =	vor.u32 v21, v22  }
0xaa: {  	v22 =	vperm.xlane v21, v6;
	_ =	sdelay $0x1  }
0xab: {  	v23 =	vperm.xlane v21, v8;
	v22 =	vadd.s32 v7, v22;
	_ =	sdelay $0x1  }
0xac: {  	v24 =	vperm.xlane v21, v9;
	v23 =	vadd.s32 v7, v23;
	_ =	sdelay $0x1  }
0xad: {  	s13 =	simm.s32 $0x8900;
	v25 =	vperm.xlane v21, v4;
	v24 =	vadd.s32 v7, v24  }
0xae: {  	[tilespmem:s13], [sflag:$0x2] =	stream.indirect_vreg.gather [hbm4b:s8+s11], $0x80, v22, vm1, $0xb8;
	[tilespmem:$0x14180] =	vst v63  }
0xaf: {  	s14 =	simm.s32 $0x8980;
	v22 =	vadd.s32 v7, v25;
	v25 =	vperm.xlane v21, v10  }
0xb0: {  	[tilespmem:s14], [sflag:$0x2] =	stream.indirect_vreg.gather [hbm4b:s8+s11], $0x80, v23, vm1, $0xb8;
	[tilespmem:$0x14180] =	vst v63  }
0xb1: {  	s15 =	simm.s32 $0x8A00;
	v23 =	vadd.s32 v7, v25;
	v25 =	vperm.xlane v21, v11  }
0xb2: {  	[tilespmem:s15], [sflag:$0x2] =	stream.indirect_vreg.gather [hbm4b:s8+s11], $0x80, v24, vm1, $0xb8;
	[tilespmem:$0x14180] =	vst v63  }
0xb3: {  	s16 =	simm.s32 $0x8A80;
	v24 =	vadd.s32 v7, v25;
	v25 =	vperm.xlane v21, v12  }
0xb4: {  	[tilespmem:s16], [sflag:$0x2] =	stream.indirect_vreg.gather [hbm4b:s8+s11], $0x80, v22, vm1, $0xb8;
	[tilespmem:$0x14180] =	vst v63  }
0xb5: {  	s13 =	simm.s32 $0x8B00;
	v22 =	vadd.s32 v7, v25;
	v25 =	vperm.xlane v21, v2  }
0xb6: {  	[tilespmem:s13], [sflag:$0x2] =	stream.indirect_vreg.gather [hbm4b:s8+s11], $0x80, v23, vm1, $0xb8;
	[tilespmem:$0x14180] =	vst v63  }
0xb7: {  	s14 =	simm.s32 $0x8B80;
	v23 =	vadd.s32 v7, v25;
	v25 =	vperm.xlane v21, v13  }
0xb8: {  	[tilespmem:s14], [sflag:$0x2] =	stream.indirect_vreg.gather [hbm4b:s8+s11], $0x80, v24, vm1, $0xb8;
	[tilespmem:$0x14180] =	vst v63  }
0xb9: {  	s15 =	simm.s32 $0x8C00;
	v24 =	vadd.s32 v7, v25;
	v25 =	vperm.xlane v21, v14  }
0xba: {  	[tilespmem:s15], [sflag:$0x2] =	stream.indirect_vreg.gather [hbm4b:s8+s11], $0x80, v22, vm1, $0xb8;
	[tilespmem:$0x14180] =	vst v63  }
0xbb: {  	s16 =	simm.s32 $0x8C80;
	v22 =	vadd.s32 v7, v25;
	v25 =	vperm.xlane v21, v15  }
0xbc: {  	[tilespmem:s16], [sflag:$0x2] =	stream.indirect_vreg.gather [hbm4b:s8+s11], $0x80, v23, vm1, $0xb8;
	[tilespmem:$0x14180] =	vst v63  }
0xbd: {  	s13 =	simm.s32 $0x8D00;
	v23 =	vadd.s32 v7, v25;
	v25 =	vperm.xlane v21, v16  }
0xbe: {  	[tilespmem:s13], [sflag:$0x2] =	stream.indirect_vreg.gather [hbm4b:s8+s11], $0x80, v24, vm1, $0xb8;
	[tilespmem:$0x14180] =	vst v63  }
0xbf: {  	s14 =	simm.s32 $0x8D80;
	v24 =	vadd.s32 v7, v25;
	v25 =	vperm.xlane v21, v17  }
0xc0: {  	[tilespmem:s14], [sflag:$0x2] =	stream.indirect_vreg.gather [hbm4b:s8+s11], $0x80, v22, vm1, $0xb8;
	[tilespmem:$0x14180] =	vst v63  }
0xc1: {  	s15 =	simm.s32 $0x8E00;
	v22 =	vadd.s32 v7, v25;
	v25 =	vperm.xlane v21, v18  }
0xc2: {  	[tilespmem:s15], [sflag:$0x2] =	stream.indirect_vreg.gather [hbm4b:s8+s11], $0x80, v23, vm1, $0xb8;
	[tilespmem:$0x14180] =	vst v63  }
0xc3: {  	s16 =	simm.s32 $0x8E80;
	v23 =	vadd.s32 v7, v25;
	v25 =	vperm.xlane v21, v19  }
0xc4: {  	[tilespmem:s16], [sflag:$0x2] =	stream.indirect_vreg.gather [hbm4b:s8+s11], $0x80, v24, vm1, $0xb8;
	[tilespmem:$0x14180] =	vst v63  }
0xc5: {  	s13 =	simm.s32 $0x8F00;
	v21 =	vperm.xlane v21, v20;
	v24 =	vadd.s32 v7, v25  }
0xc6: {  	[tilespmem:s13], [sflag:$0x2] =	stream.indirect_vreg.gather [hbm4b:s8+s11], $0x80, v22, vm1, $0xb8;
	[tilespmem:$0x14180] =	vst v63  }
0xc7: {  	s14 =	simm.s32 $0x8F80;
	v21 =	vadd.s32 v7, v21  }
0xc8: {  	[tilespmem:s14], [sflag:$0x2] =	stream.indirect_vreg.gather [hbm4b:s8+s11], $0x80, v23, vm1, $0xb8;
	[tilespmem:$0x14180] =	vst v63  }
0xc9: {  	s15 =	simm.s32 $0x9000  }
0xca: {  	[tilespmem:s15], [sflag:$0x2] =	stream.indirect_vreg.gather [hbm4b:s8+s11], $0x80, v24, vm1, $0xb8;
	[tilespmem:$0x14180] =	vst v63  }
0xcb: {  	s16 =	simm.s32 $0x9080  }
0xcc: {  	[tilespmem:s16], [sflag:$0x2] =	stream.indirect_vreg.gather [hbm4b:s8+s11], $0x80, v21, vm1, $0xb8;
	[tilespmem:$0x14180] =	vst v63  }
0xcd: {  	v21 =	vld [tilespmem:$0xA0];
	_ =	sdelay $0x4  }
0xce: {  	v22 =	vshrl.u32 v21, $0x3  }
0xcf: {  	v22 =	vmul.u32 $0x18, v22  }
0xd0: {  	v21 =	vand.u32 $0x7, v21  }
0xd1: {  	v21 =	vor.u32 v21, v22  }
0xd2: {  	v22 =	vperm.xlane v21, v6;
	_ =	sdelay $0x1  }
0xd3: {  	v23 =	vperm.xlane v21, v8;
	v22 =	vadd.s32 v7, v22;
	_ =	sdelay $0x1  }
0xd4: {  	v24 =	vperm.xlane v21, v9;
	v23 =	vadd.s32 v7, v23;
	_ =	sdelay $0x1  }
0xd5: {  	s13 =	simm.s32 $0x9100;
	v25 =	vperm.xlane v21, v4;
	v24 =	vadd.s32 v7, v24  }
0xd6: {  	[tilespmem:s13], [sflag:$0x2] =	stream.indirect_vreg.gather [hbm4b:s8+s11], $0x80, v22, vm1, $0xb8;
	[tilespmem:$0x14180] =	vst v63  }
0xd7: {  	s14 =	simm.s32 $0x9180;
	v22 =	vadd.s32 v7, v25;
	v25 =	vperm.xlane v21, v10  }
0xd8: {  	[tilespmem:s14], [sflag:$0x2] =	stream.indirect_vreg.gather [hbm4b:s8+s11], $0x80, v23, vm1, $0xb8;
	[tilespmem:$0x14180] =	vst v63  }
0xd9: {  	s15 =	simm.s32 $0x9200;
	v23 =	vadd.s32 v7, v25;
	v25 =	vperm.xlane v21, v11  }
0xda: {  	[tilespmem:s15], [sflag:$0x2] =	stream.indirect_vreg.gather [hbm4b:s8+s11], $0x80, v24, vm1, $0xb8;
	[tilespmem:$0x14180] =	vst v63  }
0xdb: {  	s16 =	simm.s32 $0x9280;
	v24 =	vadd.s32 v7, v25;
	v25 =	vperm.xlane v21, v12  }
0xdc: {  	[tilespmem:s16], [sflag:$0x2] =	stream.indirect_vreg.gather [hbm4b:s8+s11], $0x80, v22, vm1, $0xb8;
	[tilespmem:$0x14180] =	vst v63  }
0xdd: {  	s13 =	simm.s32 $0x9300;
	v22 =	vadd.s32 v7, v25;
	v25 =	vperm.xlane v21, v2  }
0xde: {  	[tilespmem:s13], [sflag:$0x2] =	stream.indirect_vreg.gather [hbm4b:s8+s11], $0x80, v23, vm1, $0xb8;
	[tilespmem:$0x14180] =	vst v63  }
0xdf: {  	s14 =	simm.s32 $0x9380;
	v23 =	vadd.s32 v7, v25;
	v25 =	vperm.xlane v21, v13  }
0xe0: {  	[tilespmem:s14], [sflag:$0x2] =	stream.indirect_vreg.gather [hbm4b:s8+s11], $0x80, v24, vm1, $0xb8;
	[tilespmem:$0x14180] =	vst v63  }
0xe1: {  	s15 =	simm.s32 $0x9400;
	v24 =	vadd.s32 v7, v25;
	v25 =	vperm.xlane v21, v14  }
0xe2: {  	[tilespmem:s15], [sflag:$0x2] =	stream.indirect_vreg.gather [hbm4b:s8+s11], $0x80, v22, vm1, $0xb8;
	[tilespmem:$0x14180] =	vst v63  }
0xe3: {  	s16 =	simm.s32 $0x9480;
	v22 =	vadd.s32 v7, v25;
	v25 =	vperm.xlane v21, v15  }
0xe4: {  	[tilespmem:s16], [sflag:$0x2] =	stream.indirect_vreg.gather [hbm4b:s8+s11], $0x80, v23, vm1, $0xb8;
	[tilespmem:$0x14180] =	vst v63  }
0xe5: {  	s13 =	simm.s32 $0x9500;
	v23 =	vadd.s32 v7, v25;
	v25 =	vperm.xlane v21, v16  }
0xe6: {  	[tilespmem:s13], [sflag:$0x2] =	stream.indirect_vreg.gather [hbm4b:s8+s11], $0x80, v24, vm1, $0xb8;
	[tilespmem:$0x14180] =	vst v63  }
0xe7: {  	s14 =	simm.s32 $0x9580;
	v24 =	vadd.s32 v7, v25;
	v25 =	vperm.xlane v21, v17  }
0xe8: {  	[tilespmem:s14], [sflag:$0x2] =	stream.indirect_vreg.gather [hbm4b:s8+s11], $0x80, v22, vm1, $0xb8;
	[tilespmem:$0x14180] =	vst v63  }
0xe9: {  	s15 =	simm.s32 $0x9600;
	v22 =	vadd.s32 v7, v25;
	v25 =	vperm.xlane v21, v18  }
0xea: {  	[tilespmem:s15], [sflag:$0x2] =	stream.indirect_vreg.gather [hbm4b:s8+s11], $0x80, v23, vm1, $0xb8;
	[tilespmem:$0x14180] =	vst v63  }
0xeb: {  	s16 =	simm.s32 $0x9680;
	v23 =	vadd.s32 v7, v25;
	v25 =	vperm.xlane v21, v19  }
0xec: {  	[tilespmem:s16], [sflag:$0x2] =	stream.indirect_vreg.gather [hbm4b:s8+s11], $0x80, v24, vm1, $0xb8;
	[tilespmem:$0x14180] =	vst v63  }
0xed: {  	s13 =	simm.s32 $0x9700;
	v21 =	vperm.xlane v21, v20;
	v24 =	vadd.s32 v7, v25  }
0xee: {  	[tilespmem:s13], [sflag:$0x2] =	stream.indirect_vreg.gather [hbm4b:s8+s11], $0x80, v22, vm1, $0xb8;
	[tilespmem:$0x14180] =	vst v63  }
0xef: {  	s14 =	simm.s32 $0x9780;
	v21 =	vadd.s32 v7, v21  }
0xf0: {  	[tilespmem:s14], [sflag:$0x2] =	stream.indirect_vreg.gather [hbm4b:s8+s11], $0x80, v23, vm1, $0xb8;
	[tilespmem:$0x14180] =	vst v63  }
0xf1: {  	s15 =	simm.s32 $0x9800  }
0xf2: {  	[tilespmem:s15], [sflag:$0x2] =	stream.indirect_vreg.gather [hbm4b:s8+s11], $0x80, v24, vm1, $0xb8;
	[tilespmem:$0x14180] =	vst v63  }
0xf3: {  	s16 =	simm.s32 $0x9880  }
0xf4: {  	[tilespmem:s16], [sflag:$0x2] =	stream.indirect_vreg.gather [hbm4b:s8+s11], $0x80, v21, vm1, $0xb8;
	[tilespmem:$0x14180] =	vst v63  }
0xf5: {  	v21 =	vld [tilespmem:$0xB0];
	_ =	sdelay $0x4  }
0xf6: {  	v22 =	vshrl.u32 v21, $0x3  }
0xf7: {  	v22 =	vmul.u32 $0x18, v22  }
0xf8: {  	v21 =	vand.u32 $0x7, v21  }
0xf9: {  	v21 =	vor.u32 v21, v22  }
0xfa: {  	v22 =	vperm.xlane v21, v6;
	_ =	sdelay $0x1  }
0xfb: {  	v23 =	vperm.xlane v21, v8;
	v22 =	vadd.s32 v7, v22;
	_ =	sdelay $0x1  }
0xfc: {  	v24 =	vperm.xlane v21, v9;
	v23 =	vadd.s32 v7, v23;
	_ =	sdelay $0x1  }
0xfd: {  	s13 =	simm.s32 $0x9900;
	v25 =	vperm.xlane v21, v4;
	v24 =	vadd.s32 v7, v24  }
0xfe: {  	[tilespmem:s13], [sflag:$0x2] =	stream.indirect_vreg.gather [hbm4b:s8+s11], $0x80, v22, vm1, $0xb8;
	[tilespmem:$0x14180] =	vst v63  }
0xff: {  	s14 =	simm.s32 $0x9980;
	v22 =	vadd.s32 v7, v25;
	v25 =	vperm.xlane v21, v10  }
0x100: {  	[tilespmem:s14], [sflag:$0x2] =	stream.indirect_vreg.gather [hbm4b:s8+s11], $0x80, v23, vm1, $0xb8;
	[tilespmem:$0x14180] =	vst v63  }
0x101: {  	s15 =	simm.s32 $0x9A00;
	v23 =	vadd.s32 v7, v25;
	v25 =	vperm.xlane v21, v11  }
0x102: {  	[tilespmem:s15], [sflag:$0x2] =	stream.indirect_vreg.gather [hbm4b:s8+s11], $0x80, v24, vm1, $0xb8;
	[tilespmem:$0x14180] =	vst v63  }
0x103: {  	s16 =	simm.s32 $0x9A80;
	v24 =	vadd.s32 v7, v25;
	v25 =	vperm.xlane v21, v12  }
0x104: {  	[tilespmem:s16], [sflag:$0x2] =	stream.indirect_vreg.gather [hbm4b:s8+s11], $0x80, v22, vm1, $0xb8;
	[tilespmem:$0x14180] =	vst v63  }
0x105: {  	s13 =	simm.s32 $0x9B00;
	v22 =	vadd.s32 v7, v25;
	v25 =	vperm.xlane v21, v2  }
0x106: {  	[tilespmem:s13], [sflag:$0x2] =	stream.indirect_vreg.gather [hbm4b:s8+s11], $0x80, v23, vm1, $0xb8;
	[tilespmem:$0x14180] =	vst v63  }
0x107: {  	s14 =	simm.s32 $0x9B80;
	v23 =	vadd.s32 v7, v25;
	v25 =	vperm.xlane v21, v13  }
0x108: {  	[tilespmem:s14], [sflag:$0x2] =	stream.indirect_vreg.gather [hbm4b:s8+s11], $0x80, v24, vm1, $0xb8;
	[tilespmem:$0x14180] =	vst v63  }
0x109: {  	s15 =	simm.s32 $0x9C00;
	v24 =	vadd.s32 v7, v25;
	v25 =	vperm.xlane v21, v14  }
0x10a: {  	[tilespmem:s15], [sflag:$0x2] =	stream.indirect_vreg.gather [hbm4b:s8+s11], $0x80, v22, vm1, $0xb8;
	[tilespmem:$0x14180] =	vst v63  }
0x10b: {  	s16 =	simm.s32 $0x9C80;
	v22 =	vadd.s32 v7, v25;
	v25 =	vperm.xlane v21, v15  }
0x10c: {  	[tilespmem:s16], [sflag:$0x2] =	stream.indirect_vreg.gather [hbm4b:s8+s11], $0x80, v23, vm1, $0xb8;
	[tilespmem:$0x14180] =	vst v63  }
0x10d: {  	s13 =	simm.s32 $0x9D00;
	v23 =	vadd.s32 v7, v25;
	v25 =	vperm.xlane v21, v16  }
0x10e: {  	[tilespmem:s13], [sflag:$0x2] =	stream.indirect_vreg.gather [hbm4b:s8+s11], $0x80, v24, vm1, $0xb8;
	[tilespmem:$0x14180] =	vst v63  }
0x10f: {  	s14 =	simm.s32 $0x9D80;
	v24 =	vadd.s32 v7, v25;
	v25 =	vperm.xlane v21, v17  }
0x110: {  	[tilespmem:s14], [sflag:$0x2] =	stream.indirect_vreg.gather [hbm4b:s8+s11], $0x80, v22, vm1, $0xb8;
	[tilespmem:$0x14180] =	vst v63  }
0x111: {  	s15 =	simm.s32 $0x9E00;
	v22 =	vadd.s32 v7, v25;
	v25 =	vperm.xlane v21, v18  }
0x112: {  	[tilespmem:s15], [sflag:$0x2] =	stream.indirect_vreg.gather [hbm4b:s8+s11], $0x80, v23, vm1, $0xb8;
	[tilespmem:$0x14180] =	vst v63  }
0x113: {  	s16 =	simm.s32 $0x9E80;
	v23 =	vadd.s32 v7, v25;
	v25 =	vperm.xlane v21, v19  }
0x114: {  	[tilespmem:s16], [sflag:$0x2] =	stream.indirect_vreg.gather [hbm4b:s8+s11], $0x80, v24, vm1, $0xb8;
	[tilespmem:$0x14180] =	vst v63  }
0x115: {  	s13 =	simm.s32 $0x9F00;
	v21 =	vperm.xlane v21, v20;
	v24 =	vadd.s32 v7, v25  }
0x116: {  	[tilespmem:s13], [sflag:$0x2] =	stream.indirect_vreg.gather [hbm4b:s8+s11], $0x80, v22, vm1, $0xb8;
	[tilespmem:$0x14180] =	vst v63  }
0x117: {  	s14 =	simm.s32 $0x9F80;
	v21 =	vadd.s32 v7, v21  }
0x118: {  	[tilespmem:s14], [sflag:$0x2] =	stream.indirect_vreg.gather [hbm4b:s8+s11], $0x80, v23, vm1, $0xb8;
	[tilespmem:$0x14180] =	vst v63  }
0x119: {  	s15 =	simm.s32 $0xA000  }
0x11a: {  	[tilespmem:s15], [sflag:$0x2] =	stream.indirect_vreg.gather [hbm4b:s8+s11], $0x80, v24, vm1, $0xb8;
	[tilespmem:$0x14180] =	vst v63  }
0x11b: {  	s16 =	simm.s32 $0xA080  }
0x11c: {  	[tilespmem:s16], [sflag:$0x2] =	stream.indirect_vreg.gather [hbm4b:s8+s11], $0x80, v21, vm1, $0xb8;
	[tilespmem:$0x14180] =	vst v63  }
0x11d: {  	v21 =	vld [tilespmem:$0xC0];
	_ =	sdelay $0x4  }
0x11e: {  	v22 =	vshrl.u32 v21, $0x3  }
0x11f: {  	v22 =	vmul.u32 $0x18, v22  }
0x120: {  	v21 =	vand.u32 $0x7, v21  }
0x121: {  	v21 =	vor.u32 v21, v22  }
0x122: {  	v22 =	vperm.xlane v21, v6;
	_ =	sdelay $0x1  }
0x123: {  	v23 =	vperm.xlane v21, v8;
	v22 =	vadd.s32 v7, v22;
	_ =	sdelay $0x1  }
0x124: {  	v24 =	vperm.xlane v21, v9;
	v23 =	vadd.s32 v7, v23;
	_ =	sdelay $0x1  }
0x125: {  	s13 =	simm.s32 $0xA100;
	v25 =	vperm.xlane v21, v4;
	v24 =	vadd.s32 v7, v24  }
0x126: {  	[tilespmem:s13], [sflag:$0x2] =	stream.indirect_vreg.gather [hbm4b:s8+s11], $0x80, v22, vm1, $0xb8;
	[tilespmem:$0x14180] =	vst v63  }
0x127: {  	s14 =	simm.s32 $0xA180;
	v22 =	vadd.s32 v7, v25;
	v25 =	vperm.xlane v21, v10  }
0x128: {  	[tilespmem:s14], [sflag:$0x2] =	stream.indirect_vreg.gather [hbm4b:s8+s11], $0x80, v23, vm1, $0xb8;
	[tilespmem:$0x14180] =	vst v63  }
0x129: {  	s15 =	simm.s32 $0xA200;
	v23 =	vadd.s32 v7, v25;
	v25 =	vperm.xlane v21, v11  }
0x12a: {  	[tilespmem:s15], [sflag:$0x2] =	stream.indirect_vreg.gather [hbm4b:s8+s11], $0x80, v24, vm1, $0xb8;
	[tilespmem:$0x14180] =	vst v63  }
0x12b: {  	s16 =	simm.s32 $0xA280;
	v24 =	vadd.s32 v7, v25;
	v25 =	vperm.xlane v21, v12  }
0x12c: {  	[tilespmem:s16], [sflag:$0x2] =	stream.indirect_vreg.gather [hbm4b:s8+s11], $0x80, v22, vm1, $0xb8;
	[tilespmem:$0x14180] =	vst v63  }
0x12d: {  	s13 =	simm.s32 $0xA300;
	v22 =	vadd.s32 v7, v25;
	v25 =	vperm.xlane v21, v2  }
0x12e: {  	[tilespmem:s13], [sflag:$0x2] =	stream.indirect_vreg.gather [hbm4b:s8+s11], $0x80, v23, vm1, $0xb8;
	[tilespmem:$0x14180] =	vst v63  }
0x12f: {  	s14 =	simm.s32 $0xA380;
	v23 =	vadd.s32 v7, v25;
	v25 =	vperm.xlane v21, v13  }
0x130: {  	[tilespmem:s14], [sflag:$0x2] =	stream.indirect_vreg.gather [hbm4b:s8+s11], $0x80, v24, vm1, $0xb8;
	[tilespmem:$0x14180] =	vst v63  }
0x131: {  	s15 =	simm.s32 $0xA400;
	v24 =	vadd.s32 v7, v25;
	v25 =	vperm.xlane v21, v14  }
0x132: {  	[tilespmem:s15], [sflag:$0x2] =	stream.indirect_vreg.gather [hbm4b:s8+s11], $0x80, v22, vm1, $0xb8;
	[tilespmem:$0x14180] =	vst v63  }
0x133: {  	s16 =	simm.s32 $0xA480;
	v22 =	vadd.s32 v7, v25;
	v25 =	vperm.xlane v21, v15  }
0x134: {  	[tilespmem:s16], [sflag:$0x2] =	stream.indirect_vreg.gather [hbm4b:s8+s11], $0x80, v23, vm1, $0xb8;
	[tilespmem:$0x14180] =	vst v63  }
0x135: {  	s13 =	simm.s32 $0xA500;
	v23 =	vadd.s32 v7, v25;
	v25 =	vperm.xlane v21, v16  }
0x136: {  	[tilespmem:s13], [sflag:$0x2] =	stream.indirect_vreg.gather [hbm4b:s8+s11], $0x80, v24, vm1, $0xb8;
	[tilespmem:$0x14180] =	vst v63  }
0x137: {  	s14 =	simm.s32 $0xA580;
	v24 =	vadd.s32 v7, v25;
	v25 =	vperm.xlane v21, v17  }
0x138: {  	[tilespmem:s14], [sflag:$0x2] =	stream.indirect_vreg.gather [hbm4b:s8+s11], $0x80, v22, vm1, $0xb8;
	[tilespmem:$0x14180] =	vst v63  }
0x139: {  	s15 =	simm.s32 $0xA600;
	v22 =	vadd.s32 v7, v25;
	v25 =	vperm.xlane v21, v18  }
0x13a: {  	[tilespmem:s15], [sflag:$0x2] =	stream.indirect_vreg.gather [hbm4b:s8+s11], $0x80, v23, vm1, $0xb8;
	[tilespmem:$0x14180] =	vst v63  }
0x13b: {  	s16 =	simm.s32 $0xA680;
	v23 =	vadd.s32 v7, v25;
	v25 =	vperm.xlane v21, v19  }
0x13c: {  	[tilespmem:s16], [sflag:$0x2] =	stream.indirect_vreg.gather [hbm4b:s8+s11], $0x80, v24, vm1, $0xb8;
	[tilespmem:$0x14180] =	vst v63  }
0x13d: {  	s13 =	simm.s32 $0xA700;
	v21 =	vperm.xlane v21, v20;
	v24 =	vadd.s32 v7, v25  }
0x13e: {  	[tilespmem:s13], [sflag:$0x2] =	stream.indirect_vreg.gather [hbm4b:s8+s11], $0x80, v22, vm1, $0xb8;
	[tilespmem:$0x14180] =	vst v63  }
0x13f: {  	s14 =	simm.s32 $0xA780;
	v21 =	vadd.s32 v7, v21  }
0x140: {  	[tilespmem:s14], [sflag:$0x2] =	stream.indirect_vreg.gather [hbm4b:s8+s11], $0x80, v23, vm1, $0xb8;
	[tilespmem:$0x14180] =	vst v63  }
0x141: {  	s15 =	simm.s32 $0xA800  }
0x142: {  	[tilespmem:s15], [sflag:$0x2] =	stream.indirect_vreg.gather [hbm4b:s8+s11], $0x80, v24, vm1, $0xb8;
	[tilespmem:$0x14180] =	vst v63  }
0x143: {  	s16 =	simm.s32 $0xA880  }
0x144: {  	[tilespmem:s16], [sflag:$0x2] =	stream.indirect_vreg.gather [hbm4b:s8+s11], $0x80, v21, vm1, $0xb8;
	[tilespmem:$0x14180] =	vst v63  }
0x145: {  	v21 =	vld [tilespmem:$0xD0];
	_ =	sdelay $0x4  }
0x146: {  	v22 =	vshrl.u32 v21, $0x3  }
0x147: {  	v22 =	vmul.u32 $0x18, v22  }
0x148: {  	v21 =	vand.u32 $0x7, v21  }
0x149: {  	v21 =	vor.u32 v21, v22  }
0x14a: {  	v22 =	vperm.xlane v21, v6;
	_ =	sdelay $0x1  }
0x14b: {  	v23 =	vperm.xlane v21, v8;
	v22 =	vadd.s32 v7, v22;
	_ =	sdelay $0x1  }
0x14c: {  	v24 =	vperm.xlane v21, v9;
	v23 =	vadd.s32 v7, v23;
	_ =	sdelay $0x1  }
0x14d: {  	s13 =	simm.s32 $0xA900;
	v25 =	vperm.xlane v21, v4;
	v24 =	vadd.s32 v7, v24  }
0x14e: {  	[tilespmem:s13], [sflag:$0x2] =	stream.indirect_vreg.gather [hbm4b:s8+s11], $0x80, v22, vm1, $0xb8;
	[tilespmem:$0x14180] =	vst v63  }
0x14f: {  	s14 =	simm.s32 $0xA980;
	v22 =	vadd.s32 v7, v25;
	v25 =	vperm.xlane v21, v10  }
0x150: {  	[tilespmem:s14], [sflag:$0x2] =	stream.indirect_vreg.gather [hbm4b:s8+s11], $0x80, v23, vm1, $0xb8;
	[tilespmem:$0x14180] =	vst v63  }
0x151: {  	s15 =	simm.s32 $0xAA00;
	v23 =	vadd.s32 v7, v25;
	v25 =	vperm.xlane v21, v11  }
0x152: {  	[tilespmem:s15], [sflag:$0x2] =	stream.indirect_vreg.gather [hbm4b:s8+s11], $0x80, v24, vm1, $0xb8;
	[tilespmem:$0x14180] =	vst v63  }
0x153: {  	s16 =	simm.s32 $0xAA80;
	v24 =	vadd.s32 v7, v25;
	v25 =	vperm.xlane v21, v12  }
0x154: {  	[tilespmem:s16], [sflag:$0x2] =	stream.indirect_vreg.gather [hbm4b:s8+s11], $0x80, v22, vm1, $0xb8;
	[tilespmem:$0x14180] =	vst v63  }
0x155: {  	s13 =	simm.s32 $0xAB00;
	v22 =	vadd.s32 v7, v25;
	v25 =	vperm.xlane v21, v2  }
0x156: {  	[tilespmem:s13], [sflag:$0x2] =	stream.indirect_vreg.gather [hbm4b:s8+s11], $0x80, v23, vm1, $0xb8;
	[tilespmem:$0x14180] =	vst v63  }
0x157: {  	s14 =	simm.s32 $0xAB80;
	v23 =	vadd.s32 v7, v25;
	v25 =	vperm.xlane v21, v13  }
0x158: {  	[tilespmem:s14], [sflag:$0x2] =	stream.indirect_vreg.gather [hbm4b:s8+s11], $0x80, v24, vm1, $0xb8;
	[tilespmem:$0x14180] =	vst v63  }
0x159: {  	s15 =	simm.s32 $0xAC00;
	v24 =	vadd.s32 v7, v25;
	v25 =	vperm.xlane v21, v14  }
0x15a: {  	[tilespmem:s15], [sflag:$0x2] =	stream.indirect_vreg.gather [hbm4b:s8+s11], $0x80, v22, vm1, $0xb8;
	[tilespmem:$0x14180] =	vst v63  }
0x15b: {  	s16 =	simm.s32 $0xAC80;
	v22 =	vadd.s32 v7, v25;
	v25 =	vperm.xlane v21, v15  }
0x15c: {  	[tilespmem:s16], [sflag:$0x2] =	stream.indirect_vreg.gather [hbm4b:s8+s11], $0x80, v23, vm1, $0xb8;
	[tilespmem:$0x14180] =	vst v63  }
0x15d: {  	s13 =	simm.s32 $0xAD00;
	v23 =	vadd.s32 v7, v25;
	v25 =	vperm.xlane v21, v16  }
0x15e: {  	[tilespmem:s13], [sflag:$0x2] =	stream.indirect_vreg.gather [hbm4b:s8+s11], $0x80, v24, vm1, $0xb8;
	[tilespmem:$0x14180] =	vst v63  }
0x15f: {  	s14 =	simm.s32 $0xAD80;
	v24 =	vadd.s32 v7, v25;
	v25 =	vperm.xlane v21, v17  }
0x160: {  	[tilespmem:s14], [sflag:$0x2] =	stream.indirect_vreg.gather [hbm4b:s8+s11], $0x80, v22, vm1, $0xb8;
	[tilespmem:$0x14180] =	vst v63  }
0x161: {  	s15 =	simm.s32 $0xAE00;
	v22 =	vadd.s32 v7, v25;
	v25 =	vperm.xlane v21, v18  }
0x162: {  	[tilespmem:s15], [sflag:$0x2] =	stream.indirect_vreg.gather [hbm4b:s8+s11], $0x80, v23, vm1, $0xb8;
	[tilespmem:$0x14180] =	vst v63  }
0x163: {  	s16 =	simm.s32 $0xAE80;
	v23 =	vadd.s32 v7, v25;
	v25 =	vperm.xlane v21, v19  }
0x164: {  	[tilespmem:s16], [sflag:$0x2] =	stream.indirect_vreg.gather [hbm4b:s8+s11], $0x80, v24, vm1, $0xb8;
	[tilespmem:$0x14180] =	vst v63  }
0x165: {  	s13 =	simm.s32 $0xAF00;
	v21 =	vperm.xlane v21, v20;
	v24 =	vadd.s32 v7, v25  }
0x166: {  	[tilespmem:s13], [sflag:$0x2] =	stream.indirect_vreg.gather [hbm4b:s8+s11], $0x80, v22, vm1, $0xb8;
	[tilespmem:$0x14180] =	vst v63  }
0x167: {  	s14 =	simm.s32 $0xAF80;
	v21 =	vadd.s32 v7, v21  }
0x168: {  	[tilespmem:s14], [sflag:$0x2] =	stream.indirect_vreg.gather [hbm4b:s8+s11], $0x80, v23, vm1, $0xb8;
	[tilespmem:$0x14180] =	vst v63  }
0x169: {  	s15 =	simm.s32 $0xB000  }
0x16a: {  	[tilespmem:s15], [sflag:$0x2] =	stream.indirect_vreg.gather [hbm4b:s8+s11], $0x80, v24, vm1, $0xb8;
	[tilespmem:$0x14180] =	vst v63  }
0x16b: {  	s16 =	simm.s32 $0xB080  }
0x16c: {  	[tilespmem:s16], [sflag:$0x2] =	stream.indirect_vreg.gather [hbm4b:s8+s11], $0x80, v21, vm1, $0xb8;
	[tilespmem:$0x14180] =	vst v63  }
0x16d: {  	v21 =	vld [tilespmem:$0xE0];
	_ =	sdelay $0x4  }
0x16e: {  	v22 =	vshrl.u32 v21, $0x3  }
0x16f: {  	v22 =	vmul.u32 $0x18, v22  }
0x170: {  	v21 =	vand.u32 $0x7, v21  }
0x171: {  	v21 =	vor.u32 v21, v22  }
0x172: {  	v22 =	vperm.xlane v21, v6;
	_ =	sdelay $0x1  }
0x173: {  	v23 =	vperm.xlane v21, v8;
	v22 =	vadd.s32 v7, v22;
	_ =	sdelay $0x1  }
0x174: {  	v24 =	vperm.xlane v21, v9;
	v23 =	vadd.s32 v7, v23;
	_ =	sdelay $0x1  }
0x175: {  	s13 =	simm.s32 $0xB100;
	v25 =	vperm.xlane v21, v4;
	v24 =	vadd.s32 v7, v24  }
0x176: {  	[tilespmem:s13], [sflag:$0x2] =	stream.indirect_vreg.gather [hbm4b:s8+s11], $0x80, v22, vm1, $0xb8;
	[tilespmem:$0x14180] =	vst v63  }
0x177: {  	s14 =	simm.s32 $0xB180;
	v22 =	vadd.s32 v7, v25;
	v25 =	vperm.xlane v21, v10  }
0x178: {  	[tilespmem:s14], [sflag:$0x2] =	stream.indirect_vreg.gather [hbm4b:s8+s11], $0x80, v23, vm1, $0xb8;
	[tilespmem:$0x14180] =	vst v63  }
0x179: {  	s15 =	simm.s32 $0xB200;
	v23 =	vadd.s32 v7, v25;
	v25 =	vperm.xlane v21, v11  }
0x17a: {  	[tilespmem:s15], [sflag:$0x2] =	stream.indirect_vreg.gather [hbm4b:s8+s11], $0x80, v24, vm1, $0xb8;
	[tilespmem:$0x14180] =	vst v63  }
0x17b: {  	s16 =	simm.s32 $0xB280;
	v24 =	vadd.s32 v7, v25;
	v25 =	vperm.xlane v21, v12  }
0x17c: {  	[tilespmem:s16], [sflag:$0x2] =	stream.indirect_vreg.gather [hbm4b:s8+s11], $0x80, v22, vm1, $0xb8;
	[tilespmem:$0x14180] =	vst v63  }
0x17d: {  	s13 =	simm.s32 $0xB300;
	v22 =	vadd.s32 v7, v25;
	v25 =	vperm.xlane v21, v2  }
0x17e: {  	[tilespmem:s13], [sflag:$0x2] =	stream.indirect_vreg.gather [hbm4b:s8+s11], $0x80, v23, vm1, $0xb8;
	[tilespmem:$0x14180] =	vst v63  }
0x17f: {  	s14 =	simm.s32 $0xB380;
	v23 =	vadd.s32 v7, v25;
	v25 =	vperm.xlane v21, v13  }
0x180: {  	[tilespmem:s14], [sflag:$0x2] =	stream.indirect_vreg.gather [hbm4b:s8+s11], $0x80, v24, vm1, $0xb8;
	[tilespmem:$0x14180] =	vst v63  }
0x181: {  	s15 =	simm.s32 $0xB400;
	v24 =	vadd.s32 v7, v25;
	v25 =	vperm.xlane v21, v14  }
0x182: {  	[tilespmem:s15], [sflag:$0x2] =	stream.indirect_vreg.gather [hbm4b:s8+s11], $0x80, v22, vm1, $0xb8;
	[tilespmem:$0x14180] =	vst v63  }
0x183: {  	s16 =	simm.s32 $0xB480;
	v22 =	vadd.s32 v7, v25;
	v25 =	vperm.xlane v21, v15  }
0x184: {  	[tilespmem:s16], [sflag:$0x2] =	stream.indirect_vreg.gather [hbm4b:s8+s11], $0x80, v23, vm1, $0xb8;
	[tilespmem:$0x14180] =	vst v63  }
0x185: {  	s13 =	simm.s32 $0xB500;
	v23 =	vadd.s32 v7, v25;
	v25 =	vperm.xlane v21, v16  }
0x186: {  	[tilespmem:s13], [sflag:$0x2] =	stream.indirect_vreg.gather [hbm4b:s8+s11], $0x80, v24, vm1, $0xb8;
	[tilespmem:$0x14180] =	vst v63  }
0x187: {  	s14 =	simm.s32 $0xB580;
	v24 =	vadd.s32 v7, v25;
	v25 =	vperm.xlane v21, v17  }
0x188: {  	[tilespmem:s14], [sflag:$0x2] =	stream.indirect_vreg.gather [hbm4b:s8+s11], $0x80, v22, vm1, $0xb8;
	[tilespmem:$0x14180] =	vst v63  }
0x189: {  	s15 =	simm.s32 $0xB600;
	v22 =	vadd.s32 v7, v25;
	v25 =	vperm.xlane v21, v18  }
0x18a: {  	[tilespmem:s15], [sflag:$0x2] =	stream.indirect_vreg.gather [hbm4b:s8+s11], $0x80, v23, vm1, $0xb8;
	[tilespmem:$0x14180] =	vst v63  }
0x18b: {  	s16 =	simm.s32 $0xB680;
	v23 =	vadd.s32 v7, v25;
	v25 =	vperm.xlane v21, v19  }
0x18c: {  	[tilespmem:s16], [sflag:$0x2] =	stream.indirect_vreg.gather [hbm4b:s8+s11], $0x80, v24, vm1, $0xb8;
	[tilespmem:$0x14180] =	vst v63  }
0x18d: {  	s13 =	simm.s32 $0xB700;
	v21 =	vperm.xlane v21, v20;
	v24 =	vadd.s32 v7, v25  }
0x18e: {  	[tilespmem:s13], [sflag:$0x2] =	stream.indirect_vreg.gather [hbm4b:s8+s11], $0x80, v22, vm1, $0xb8;
	[tilespmem:$0x14180] =	vst v63  }
0x18f: {  	s14 =	simm.s32 $0xB780;
	v21 =	vadd.s32 v7, v21  }
0x190: {  	[tilespmem:s14], [sflag:$0x2] =	stream.indirect_vreg.gather [hbm4b:s8+s11], $0x80, v23, vm1, $0xb8;
	[tilespmem:$0x14180] =	vst v63  }
0x191: {  	s15 =	simm.s32 $0xB800  }
0x192: {  	[tilespmem:s15], [sflag:$0x2] =	stream.indirect_vreg.gather [hbm4b:s8+s11], $0x80, v24, vm1, $0xb8;
	[tilespmem:$0x14180] =	vst v63  }
0x193: {  	s16 =	simm.s32 $0xB880  }
0x194: {  	[tilespmem:s16], [sflag:$0x2] =	stream.indirect_vreg.gather [hbm4b:s8+s11], $0x80, v21, vm1, $0xb8;
	[tilespmem:$0x14180] =	vst v63  }
0x195: {  	v21 =	vld [tilespmem:$0xF0];
	_ =	sdelay $0x4  }
0x196: {  	v22 =	vshrl.u32 v21, $0x3  }
0x197: {  	v22 =	vmul.u32 $0x18, v22  }
0x198: {  	v21 =	vand.u32 $0x7, v21  }
0x199: {  	v21 =	vor.u32 v21, v22  }
0x19a: {  	v22 =	vperm.xlane v21, v6;
	_ =	sdelay $0x1  }
0x19b: {  	v23 =	vperm.xlane v21, v8;
	v22 =	vadd.s32 v7, v22;
	_ =	sdelay $0x1  }
0x19c: {  	v24 =	vperm.xlane v21, v9;
	v23 =	vadd.s32 v7, v23;
	_ =	sdelay $0x1  }
0x19d: {  	s13 =	simm.s32 $0xB900;
	v25 =	vperm.xlane v21, v4;
	v24 =	vadd.s32 v7, v24  }
0x19e: {  	[tilespmem:s13], [sflag:$0x2] =	stream.indirect_vreg.gather [hbm4b:s8+s11], $0x80, v22, vm1, $0xb8;
	[tilespmem:$0x14180] =	vst v63  }
0x19f: {  	s14 =	simm.s32 $0xB980;
	v22 =	vadd.s32 v7, v25;
	v25 =	vperm.xlane v21, v10  }
0x1a0: {  	[tilespmem:s14], [sflag:$0x2] =	stream.indirect_vreg.gather [hbm4b:s8+s11], $0x80, v23, vm1, $0xb8;
	[tilespmem:$0x14180] =	vst v63  }
0x1a1: {  	v23 =	vadd.s32 v7, v25;
	v25 =	vperm.xlane v21, v11  }
0x1a2: {  	[tilespmem:s17], [sflag:$0x2] =	stream.indirect_vreg.gather [hbm4b:s8+s11], $0x80, v24, vm1, $0xb8;
	[tilespmem:$0x14180] =	vst v63  }
0x1a3: {  	v24 =	vadd.s32 v7, v25;
	v25 =	vperm.xlane v21, v12  }
0x1a4: {  	[tilespmem:s18], [sflag:$0x2] =	stream.indirect_vreg.gather [hbm4b:s8+s11], $0x80, v22, vm1, $0xb8;
	[tilespmem:$0x14180] =	vst v63  }
0x1a5: {  	v22 =	vadd.s32 v7, v25;
	v25 =	vperm.xlane v21, v2  }
0x1a6: {  	[tilespmem:s19], [sflag:$0x2] =	stream.indirect_vreg.gather [hbm4b:s8+s11], $0x80, v23, vm1, $0xb8;
	[tilespmem:$0x14180] =	vst v63  }
0x1a7: {  	v23 =	vadd.s32 v7, v25;
	v25 =	vperm.xlane v21, v13  }
0x1a8: {  	[tilespmem:s20], [sflag:$0x2] =	stream.indirect_vreg.gather [hbm4b:s8+s11], $0x80, v24, vm1, $0xb8;
	[tilespmem:$0x14180] =	vst v63  }
0x1a9: {  	v24 =	vadd.s32 v7, v25;
	v25 =	vperm.xlane v21, v14  }
0x1aa: {  	[tilespmem:s21], [sflag:$0x2] =	stream.indirect_vreg.gather [hbm4b:s8+s11], $0x80, v22, vm1, $0xb8;
	[tilespmem:$0x14180] =	vst v63  }
0x1ab: {  	v22 =	vadd.s32 v7, v25;
	v25 =	vperm.xlane v21, v15  }
0x1ac: {  	[tilespmem:s22], [sflag:$0x2] =	stream.indirect_vreg.gather [hbm4b:s8+s11], $0x80, v23, vm1, $0xb8;
	[tilespmem:$0x14180] =	vst v63  }
0x1ad: {  	v23 =	vadd.s32 v7, v25;
	v25 =	vperm.xlane v21, v16  }
0x1ae: {  	[tilespmem:s23], [sflag:$0x2] =	stream.indirect_vreg.gather [hbm4b:s8+s11], $0x80, v24, vm1, $0xb8;
	[tilespmem:$0x14180] =	vst v63  }
0x1af: {  	v24 =	vadd.s32 v7, v25;
	v25 =	vperm.xlane v21, v17  }
0x1b0: {  	[tilespmem:s24], [sflag:$0x2] =	stream.indirect_vreg.gather [hbm4b:s8+s11], $0x80, v22, vm1, $0xb8;
	[tilespmem:$0x14180] =	vst v63  }
0x1b1: {  	v22 =	vadd.s32 v7, v25;
	v25 =	vperm.xlane v21, v18  }
0x1b2: {  	[tilespmem:s25], [sflag:$0x2] =	stream.indirect_vreg.gather [hbm4b:s8+s11], $0x80, v23, vm1, $0xb8;
	[tilespmem:$0x14180] =	vst v63  }
0x1b3: {  	v23 =	vadd.s32 v7, v25;
	v25 =	vperm.xlane v21, v19  }
0x1b4: {  	[tilespmem:s26], [sflag:$0x2] =	stream.indirect_vreg.gather [hbm4b:s8+s11], $0x80, v24, vm1, $0xb8;
	[tilespmem:$0x14180] =	vst v63  }
0x1b5: {  	v21 =	vperm.xlane v21, v20;
	v24 =	vadd.s32 v7, v25  }
0x1b6: {  	[tilespmem:s28], [sflag:$0x2] =	stream.indirect_vreg.gather [hbm4b:s8+s11], $0x80, v22, vm1, $0xb8;
	[tilespmem:$0x14180] =	vst v63  }
0x1b7: {  	v21 =	vadd.s32 v7, v21  }
0x1b8: {  	[tilespmem:s29], [sflag:$0x2] =	stream.indirect_vreg.gather [hbm4b:s8+s11], $0x80, v23, vm1, $0xb8;
	[tilespmem:$0x14180] =	vst v63  }
0x1b9: {  	_ = 	snop  }
0x1ba: {  	[tilespmem:s30], [sflag:$0x2] =	stream.indirect_vreg.gather [hbm4b:s8+s11], $0x80, v24, vm1, $0xb8;
	[tilespmem:$0x14180] =	vst v63  }
0x1bb: {  	_ = 	snop  }
0x1bc: {  	[tilespmem:s31], [sflag:$0x2] =	stream.indirect_vreg.gather [hbm4b:s8+s11], $0x80, v21, vm1, $0xb8;
	[tilespmem:$0x14180] =	vst v63  }
0x1bd: {  	_ =	swait.ge [sflag:s0], $0x8000  }
0x1be: {  	[sflag:s0] =	ssyncset.done $0x0  }
0x1bf: {  	[sflag:s0] =	ssyncadd.s32 $0xFFFF8000  }
0x1c0: {  	_ =	swait.ge [sflag:s3], $0x4000  }
0x1c1: {  	s15 =	sand.u32 $0x7800, s11;
	s16 =	sand.u32 $0x380, s11;
	[sflag:s3] =	ssyncset.done $0x0  }
0x1c2: {  	s12 =	sor.u32 s16, s15;
	[sflag:s3] =	ssyncadd.s32 $0xFFFFC000  }
0x1c3: {  	v21 =	vld [tilespmem:s12+$0x100]  }
0x1c4: {  	s13 =	simm.s32 $0x8140;
	v22 =	vld [tilespmem:s12+$0x110]  }
0x1c5: {  	v23 =	vld [tilespmem:s13+$0xFFFFFFD0]  }
0x1c6: {  	v24 =	vld [tilespmem:s13+$0xFFFFFFC0]  }
0x1c7: {  	v25 =	vld [tilespmem:s12+$0x120]  }
0x1c8: {  	v26 =	vld [tilespmem:s13+$0xFFFFFFE0]  }
0x1c9: {  	v27 =	vld [tilespmem:s12+$0x130]  }
0x1ca: {  	v28 =	vld [tilespmem:s13+$0xFFFFFFF0]  }
0x1cb: {  	v22 =	vmul.f32 v23, v22;
	v21 =	vmul.f32 v24, v21;
	v23 =	vld [tilespmem:s12+$0x140]  }
0x1cc: {  	v24 =	vld [tilespmem:s13+$0x0]  }
0x1cd: {  	v21 =	vadd.f32 v22, v21;
	v22 =	vmul.f32 v26, v25;
	v25 =	vld [tilespmem:s12+$0x150]  }
0x1ce: {  	v26 =	vld [tilespmem:s13+$0x10]  }
0x1cf: {  	v27 =	vmul.f32 v28, v27;
	v28 =	vld [tilespmem:s13+$0x20];
	v21 =	vadd.f32 v22, v21  }
0x1d0: {  	v22 =	vld [tilespmem:s12+$0x160]  }
0x1d1: {  	v23 =	vmul.f32 v24, v23;
	v24 =	vld [tilespmem:s12+$0x170];
	v21 =	vadd.f32 v27, v21  }
0x1d2: {  	v27 =	vld [tilespmem:s13+$0x30]  }
0x1d3: {  	v21 =	vadd.f32 v23, v21;
	v23 =	vmul.f32 v26, v25;
	_ =	sdelay $0x1  }
0x1d4: {  	v22 =	vmul.f32 v28, v22;
	v21 =	vadd.f32 v23, v21;
	_ =	sdelay $0x1  }
0x1d5: {  	v21 =	vadd.f32 v22, v21;
	v22 =	vmul.f32 v27, v24;
	_ =	sdelay $0x1  }
0x1d6: {  	v21 =	vadd.f32 v22, v21;
	_ =	sdelay $0x1  }
0x1d7: {  	[tilespmem:$0x14100] =	vst v21  }
0x1d8: {  	v22 =	vld [tilespmem:$0x14108];
	_ =	sdelay $0x1  }
0x1d9: {  	v28 =	vld [tilespmem:s12+$0x560]  }
0x1da: {  	v26 =	vld [tilespmem:s12+$0x510]  }
0x1db: {  	v27 =	vld [tilespmem:s12+$0x520]  }
0x1dc: {  	v25 =	vld [tilespmem:s12+$0x530];
	v22 =	vadd.f32 v22, v21  }
0x1dd: {  	v24 =	vld [tilespmem:s12+$0x540]  }
0x1de: {  	v23 =	vld [tilespmem:s12+$0x570];
	v29 =	vmul.f32 $2.500000000e-01, v22  }
0x1df: {  	v21 =	vld [tilespmem:s12+$0x500]  }
0x1e0: {  	s14 =	simm.s32 $0x100;
	v22 =	vld [tilespmem:s12+$0x550];
	v29 =	vmul.f32 $1.442695020e+00, v29  }
.LBB2_3:
0x1e1: {  	_ = 	snop  }
0x1e2: {  	p0 =	sne.s32 s14, $0x7F00;
	s11 =	sadd.s32 $0x80, s11;
	s13 =	sadd.s32 $0x80, s13;
	(erf) = vpow2.f32 v29  }
0x1e3: {  	s15 =	smov.u32 s14;
	s14 =	sadd.s32 $0x100, s14;
	_ =	sdelay $0x5  }
0x1e4: {  	s15 =	sand.u32 $0x7800, s15;
	s16 =	sand.u32 $0x380, s11  }
0x1e5: {  	s15 =	sor.u32 s16, s15  }
0x1e6: {  	v29 =	vld [tilespmem:s15+$0x120];
	v30 =	vpop (erf)  }
0x1e7: {  	[tilespmem:s12+$0xC500] =	vst v30;
	v31 =	vbroadcast v30, $0x0;
	v32 =	vbroadcast v30, $0x6  }
0x1e8: {  	v34 =	vbroadcast v30, $0x1;
	v35 =	vbroadcast v30, $0x2;
	v33 =	vld [tilespmem:s15+$0x100]  }
0x1e9: {  	v37 =	vbroadcast v30, $0x3;
	v36 =	vld [tilespmem:s15+$0x110];
	v28 =	vmul.f32 v28, v32  }
0x1ea: {  	v26 =	vmul.f32 v34, v26;
	v27 =	vmul.f32 v27, v35  }
0x1eb: {  	v25 =	vmul.f32 v25, v37;
	v32 =	vbroadcast v30, $0x4;
	[tilespmem:s12+$0xC160] =	vst v28  }
0x1ec: {  	v28 =	vbroadcast v30, $0x7;
	[tilespmem:s12+$0xC110] =	vst v26;
	v26 =	vbroadcast v30, $0x5  }
0x1ed: {  	v21 =	vmul.f32 v31, v21;
	v24 =	vmul.f32 v24, v32;
	[tilespmem:s12+$0xC120] =	vst v27  }
0x1ee: {  	v23 =	vmul.f32 v23, v28;
	[tilespmem:s12+$0xC130] =	vst v25;
	v22 =	vmul.f32 v22, v26  }
0x1ef: {  	[tilespmem:s12+$0xC140] =	vst v24  }
0x1f0: {  	[tilespmem:s12+$0xC150] =	vst v22  }
0x1f1: {  	[tilespmem:s12+$0xC100] =	vst v21  }
0x1f2: {  	v21 =	vld [tilespmem:s15+$0x130];
	[tilespmem:s12+$0xC170] =	vst v23;
	s12 =	smov.u32 s15  }
0x1f3: {  	v22 =	vld [tilespmem:s13+$0xFFFFFFD0]  }
0x1f4: {  	v23 =	vld [tilespmem:s13+$0xFFFFFFC0]  }
0x1f5: {  	v24 =	vld [tilespmem:s13+$0xFFFFFFF0]  }
0x1f6: {  	v25 =	vld [tilespmem:s13+$0xFFFFFFE0];
	_ =	sdelay $0x1  }
0x1f7: {  	v22 =	vmul.f32 v22, v36  }
0x1f8: {  	v23 =	vmul.f32 v23, v33;
	v26 =	vld [tilespmem:s12+$0x140]  }
0x1f9: {  	v21 =	vmul.f32 v24, v21;
	v24 =	vld [tilespmem:s13+$0x0]  }
0x1fa: {  	v22 =	vadd.f32 v22, v23;
	v23 =	vmul.f32 v25, v29;
	v25 =	vld [tilespmem:s12+$0x150]  }
0x1fb: {  	v27 =	vld [tilespmem:s13+$0x10]  }
0x1fc: {  	v22 =	vadd.f32 v23, v22;
	v23 =	vld [tilespmem:s12+$0x160]  }
0x1fd: {  	v28 =	vld [tilespmem:s13+$0x20]  }
0x1fe: {  	v21 =	vadd.f32 v21, v22;
	v22 =	vmul.f32 v24, v26;
	v24 =	vld [tilespmem:s12+$0x170]  }
0x1ff: {  	v26 =	vld [tilespmem:s13+$0x30]  }
0x200: {  	v21 =	vadd.f32 v22, v21;
	v22 =	vmul.f32 v27, v25;
	_ =	sdelay $0x1  }
0x201: {  	v21 =	vadd.f32 v22, v21;
	v22 =	vmul.f32 v28, v23;
	_ =	sdelay $0x1  }
0x202: {  	v21 =	vadd.f32 v22, v21;
	v22 =	vmul.f32 v26, v24;
	_ =	sdelay $0x1  }
0x203: {  	v21 =	vadd.f32 v22, v21;
	_ =	sdelay $0x1  }
0x204: {  	[tilespmem:$0x14100] =	vst v21  }
0x205: {  	v22 =	vld [tilespmem:$0x14108]  }
0x206: {  	v28 =	vld [tilespmem:s12+$0x560]  }
0x207: {  	v26 =	vld [tilespmem:s12+$0x510]  }
0x208: {  	v27 =	vld [tilespmem:s12+$0x520]  }
0x209: {  	v25 =	vld [tilespmem:s12+$0x530]  }
.Ltmp0:
0x20a: {  	v22 =	vadd.f32 v22, v21;
	v21 =	vld [tilespmem:s12+$0x500];
	(pc) =	sbr.rel @p0 .LBB2_3-.Ltmp0, $4  }
0x20b: {  	v24 =	vld [tilespmem:s12+$0x540]  }
0x20c: {  	v29 =	vmul.f32 $2.500000000e-01, v22;
	v22 =	vld [tilespmem:s12+$0x550]  }
0x20d: {  	v23 =	vld [tilespmem:s12+$0x570]  }
0x20e: {  	v29 =	vmul.f32 $1.442695020e+00, v29  }
0x20f: {  	_ = 	snop  }
0x210: {  	(erf) = vpow2.f32 v29;
	_ =	sdelay $0x8  }
0x211: {  	v29 =	vpop (erf)  }
0x212: {  	v30 =	vbroadcast v29, $0x6  }
0x213: {  	v31 =	vbroadcast v29, $0x1  }
0x214: {  	v32 =	vbroadcast v29, $0x2;
	v28 =	vmul.f32 v28, v30  }
0x215: {  	[tilespmem:s12+$0xC500] =	vst v29;
	v59 =	vbroadcast v29, $0x3;
	v26 =	vmul.f32 v31, v26  }
0x216: {  	v60 =	vbroadcast v29, $0x4;
	v27 =	vmul.f32 v27, v32;
	[tilespmem:s12+$0xC160] =	vst v28  }
0x217: {  	v61 =	vbroadcast v29, $0x5;
	v25 =	vmul.f32 v25, v59;
	[tilespmem:s12+$0xC110] =	vst v26  }
0x218: {  	v62 =	vbroadcast v29, $0x0;
	v24 =	vmul.f32 v24, v60;
	[tilespmem:s12+$0xC120] =	vst v27  }
0x219: {  	v63 =	vbroadcast v29, $0x7;
	v22 =	vmul.f32 v22, v61;
	[tilespmem:s12+$0xC130] =	vst v25  }
0x21a: {  	v21 =	vmul.f32 v62, v21;
	[tilespmem:s12+$0xC140] =	vst v24  }
0x21b: {  	s1 =	sadd.s32 $0x1, s1;
	v23 =	vmul.f32 v23, v63;
	[tilespmem:s12+$0xC150] =	vst v22  }
0x21c: {  	s2 =	sshll.u32 s2, $0x5;
	p0 =	sne.s32 s1, $0x4F;
	[tilespmem:s12+$0xC100] =	vst v21  }
.Ltmp1:
0x21d: {  	s11 =	simm.s32 $0x0;
	s2 =	sadd.s32 s6, s2;
	[tilespmem:s12+$0xC170] =	vst v23;
	(pc) =	sbr.rel @p0 .LBB2_2-.Ltmp1, $4  }
0x21e: {  	[hbm4b:s2+s11] =	stream.linear.scatter [tilespmem:s9], [sflag:$0x3], $0x8000, $0x38;
	[tilespmem:$0x14180] =	vst v63  }
0x21f: {  	_ =	swait.ge [sflag:s10], $0x8000  }
0x220: {  	[sflag:s10] =	ssyncset.done $0x0  }
0x221: {  	[sflag:s10] =	ssyncadd.s32 $0xFFFF8000  }
0x222: {  	s2 =	rddreg [dreg:$0x4]  }
0x223: {  	s1 =	rddreg [dreg:$0x3];
	s2 =	sadd.s32 $0x1, s2  }
0x224: {  	p0 =	sne.s32 s2, s1  }
.Ltmp2:
0x225: {  	_ = 	snop;
	(pc) =	sbr.rel @p0 .LBB2_1-.Ltmp2, $1  }
0x226: {  	_ =	sdelay $0x3  }
0x227: {  	_ =	sfence.sel $0x180000  }
0x228: {  	[bflag:$0x0] =	sbarrier.arrive $0xFFFF  }
0x229: {  	_ =	strace $0x9000004D  }
0x22a: {  	s0 =	stileid.u32;
	[bflag:$0x2] =	sbarrier.arrive $0xFFFF  }
0x22b: {  	p0 =	sne.s32 s0, $0x0;
	s0 =	rddreg [dreg:$0x2]  }
0x22c: {  	s0 =	sadd.s32 @!p0 $0x100000, s0  }
0x22d: {  	[sflag:s0] =	ssyncadd.tile.s32 @!p0 $0x1;
	_ =	shalt  }
.Lfunc_end2:
_tile_overlayer_lowered:
.L_overlay_start_2:
0x22e: {  	(tag) =	ssettag $0x2  }
0x22f: {  	s0 =	rddreg [dreg:$0x0];
	s2 =	stileid.u32  }
0x230: {  	s1 =	rddreg [dreg:$0x1];
	p0 =	sne.s32 s2, $0x0  }
0x231: {  	s3 =	rddreg [dreg:$0x2];
	[bflag:$0x3] =	sbarrier.arrive $0xFFFF;
	s2 =	simm.s32 @!p0 $0x1C03  }
0x232: {  	[timem:s3], [sflag:s2] =	dma.local @!p0 [hbm:s0], s1  }
0x233: {  	s0 =	simm.s32 @!p0 $0x3  }
0x234: {  	_ =	swait.ge @!p0 [sflag:s0], s1  }
0x235: {  	s1 =	ssub.s32 @!p0 $0x0, s1;
	[sflag:s0] =	ssyncset.done @!p0 $0x0  }
0x236: {  	[sflag:s0] =	ssyncadd.s32 @!p0 s1  }
0x237: {  	[bflag:$0x3] =	sbarrier.arrive $0xFFFF  }
0x238: {  	_ =	shalt  }

</sc_bundles>
